<compile_context>
chip_gen: v7x
topology: tpu7x:2x2x1
jax: 0.10.2.dev20260603
libtpu: 0.0.44.dev20260713+nightly
codegen_flags: <defaults>
</compile_context>

<pallas_src>
import functools
import jax
import jax.numpy as jnp
from jax import lax
from jax.experimental import pallas as pl
from jax.experimental.pallas import tpu as pltpu
from jax.experimental.pallas import tpu_sc as plsc

T = 2048
H = 2048
NH = 16
NKV = 4
HD = 128
RD = 64
E = 8
TOPK = 2
DFF = 768
SDFF = 768
EPS = 1e-05
THETA = 10000.0

NQKV = (NH + 2 * NKV) * HD
TB = 256
QB = 256
NA = T * TOPK
RB = 512
BLKM = 256
NPAD = NA + E * BLKM
NBLK = NPAD // BLKM

NW = 32
TPW = T // NW
APW = NA // NW


def _qkv_body(x_ref, w_ref, b_ref, cos_ref, sin_ref, ln_ref, qkv_ref):
    x = x_ref[...]
    inv = jax.lax.rsqrt(jnp.mean(x * x, axis=1, keepdims=True) + EPS)
    h = (x * inv * ln_ref[...]).astype(jnp.bfloat16)
    acc = jnp.dot(h, w_ref[...], preferred_element_type=jnp.float32)
    acc = acc + b_ref[...]
    cos = cos_ref[...]
    sin = sin_ref[...]
    half = RD // 2
    for hh in range(NH + NKV):
        c0 = hh * HD
        x1 = acc[:, c0:c0 + half]
        x2 = acc[:, c0 + half:c0 + RD]
        qkv_ref[:, c0:c0 + half] = (x1 * cos - x2 * sin).astype(jnp.bfloat16)
        qkv_ref[:, c0 + half:c0 + RD] = (x2 * cos + x1 * sin).astype(jnp.bfloat16)
        qkv_ref[:, c0 + RD:c0 + HD] = acc[:, c0 + RD:c0 + HD].astype(jnp.bfloat16)
    v0 = (NH + NKV) * HD
    qkv_ref[:, v0:] = acc[:, v0:].astype(jnp.bfloat16)


def _attn_body(q_ref, k_ref, v_ref, o_ref):
    qi = pl.program_id(1)
    q = q_ref[...]
    s = jax.lax.dot_general(q, k_ref[...], (((1,), (1,)), ((), ())),
                            preferred_element_type=jnp.float32)
    s = s * (HD ** -0.5)
    rows = qi * QB + jax.lax.broadcasted_iota(jnp.int32, (QB, T), 0)
    cols = jax.lax.broadcasted_iota(jnp.int32, (QB, T), 1)
    s = jnp.where(cols <= rows, s, -1e30)
    m = jnp.max(s, axis=1, keepdims=True)
    p = jnp.exp(s - m)
    p = p / jnp.sum(p, axis=1, keepdims=True)
    o_ref[...] = jnp.dot(p.astype(jnp.bfloat16), v_ref[...],
                         preferred_element_type=jnp.float32).astype(jnp.bfloat16)


def _oproj_body(a_ref, w_ref, res_ref, h_ref):
    h_ref[...] = res_ref[...] + jnp.dot(a_ref[...], w_ref[...],
                                        preferred_element_type=jnp.float32)


def _pack_i32(b):
    u = jax.lax.bitcast_convert_type(b, jnp.uint16)
    return (u[:, :H // 2].astype(jnp.int32)
            | (u[:, H // 2:].astype(jnp.int32) << 16))


def _unpack_bf16(zi):
    lo = jax.lax.bitcast_convert_type(zi.astype(jnp.uint16), jnp.bfloat16)
    hi = jax.lax.bitcast_convert_type(
        jax.lax.shift_right_logical(zi, 16).astype(jnp.uint16), jnp.bfloat16)
    return jnp.concatenate([lo, hi], axis=1)


def _router_body(h_ref, ln_ref, gwt_ref, gb_ref, h2_ref, h2b_ref, h2p_ref,
                 w_ref, a_ref):
    x = h_ref[...]
    inv = jax.lax.rsqrt(jnp.mean(x * x, axis=1, keepdims=True) + EPS)
    h2 = x * inv * ln_ref[...]
    h2_ref[...] = h2
    h2b = h2.astype(jnp.bfloat16)
    h2b_ref[...] = h2b
    h2p_ref[...] = _pack_i32(h2b)
    logits = jnp.dot(h2, gwt_ref[...], preferred_element_type=jnp.float32)
    scores = jax.nn.sigmoid(logits)
    choice = scores + gb_ref[...]
    iota = jax.lax.broadcasted_iota(jnp.int32, (TB, E), 1)
    a1 = jnp.argmax(choice, axis=1)
    oh1 = (iota == a1[:, None])
    w1 = jnp.sum(jnp.where(oh1, scores, 0.0), axis=1, keepdims=True)
    choice2 = jnp.where(oh1, -jnp.inf, choice)
    a2 = jnp.argmax(choice2, axis=1)
    oh2 = (iota == a2[:, None])
    w2 = jnp.sum(jnp.where(oh2, scores, 0.0), axis=1, keepdims=True)
    denom = w1 + w2 + 1e-20
    w_ref[:, 0:1] = w1 / denom
    w_ref[:, 1:2] = w2 / denom
    a_ref[:, :E] = oh1.astype(jnp.float32)
    a_ref[:, E:] = oh2.astype(jnp.float32)


def _rank_body(a_ref, tril_ref, r_ref, counts_ref, csum_ref):
    g = pl.program_id(0)

    @pl.when(g == 0)
    def _():
        csum_ref[...] = jnp.zeros_like(csum_ref)

    a = a_ref[...]
    prior = csum_ref[...]
    within = jnp.dot(tril_ref[...], a, preferred_element_type=jnp.float32)
    rank = prior + within
    r_ref[...] = jnp.sum(rank * a, axis=1, keepdims=True)
    csum_ref[...] = prior + jnp.sum(a, axis=0, keepdims=True)
    counts_ref[...] = csum_ref[...]


def _pos_body(a_ref, r_ref, off_ref, pos_ref):
    base = jnp.sum(a_ref[...] * off_ref[...], axis=1, keepdims=True)
    pos_ref[...] = (base + r_ref[...]).astype(jnp.int32)


def _gmm_body(be_ref, xs_ref, wgu_ref, wd_ref, ys_ref):
    x = _unpack_bf16(xs_ref[...])
    gu = jnp.dot(x, wgu_ref[0], preferred_element_type=jnp.float32)
    g = gu[:, :DFF]
    u = gu[:, DFF:]
    act = (g * jax.nn.sigmoid(g) * u).astype(jnp.bfloat16)
    y = jnp.dot(act, wd_ref[0],
                preferred_element_type=jnp.float32).astype(jnp.bfloat16)
    ys_ref[...] = _pack_i32(y)


def _shared_body(h2_ref, wgu_ref, wd_ref, res_ref, z_ref, w_ref, out_ref):
    gu = jnp.dot(h2_ref[...], wgu_ref[...], preferred_element_type=jnp.float32)
    g = gu[:, :SDFF]
    u = gu[:, SDFF:]
    act = (g * jax.nn.sigmoid(g) * u).astype(jnp.bfloat16)
    sh = jnp.dot(act, wd_ref[...], preferred_element_type=jnp.float32)
    z0 = _unpack_bf16(z_ref[:, 0, :]).astype(jnp.float32)
    z1 = _unpack_bf16(z_ref[:, 1, :]).astype(jnp.float32)
    moe = w_ref[:, 0:1] * z0 + w_ref[:, 1:2] * z1
    out_ref[...] = res_ref[...] + moe + sh



_SC_NC = 2
_DCH = 16
_GCH = 16
_NDC = TPW // _DCH
_NGC = APW // _GCH
H32 = H // 2


def _sc_dispatch(h2, posr3):
    @functools.partial(
        pl.kernel,
        mesh=plsc.VectorSubcoreMesh(core_axis_name="c", subcore_axis_name="s"),
        out_type=jax.ShapeDtypeStruct((NPAD, H32), jnp.int32),
        scratch_types=[
            pltpu.VMEM((TOPK * _NDC, _DCH), jnp.int32),
            pltpu.VMEM((2, _DCH, H32), jnp.int32),
            pltpu.SemaphoreType.DMA,
            pltpu.SemaphoreType.DMA,
        ],
    )
    def k(h2_hbm, posr_hbm, xs_hbm, idx_v, buf_v, ldsem, stsem):
        wid = lax.axis_index("s") * _SC_NC + lax.axis_index("c")
        pltpu.sync_copy(posr_hbm.at[wid], idx_v)
        tb = wid * TPW
        pend = [[], []]
        for c in range(_NDC):
            b = c % 2
            for hnd in pend[b]:
                hnd.wait()
            pend[b] = []
            pltpu.async_copy(h2_hbm.at[pl.ds(tb + c * _DCH, _DCH)],
                             buf_v.at[b], ldsem).wait()
            for s in range(TOPK):
                pend[b].append(pltpu.async_copy(
                    buf_v.at[b], xs_hbm.at[idx_v.at[s * _NDC + c]], stsem))
        for b in range(2):
            for hnd in pend[b]:
                hnd.wait()

    return k(h2, posr3)


def _sc_gather(ys, pos):
    @functools.partial(
        pl.kernel,
        mesh=plsc.VectorSubcoreMesh(core_axis_name="c", subcore_axis_name="s"),
        out_type=jax.ShapeDtypeStruct((NA, H32), jnp.int32),
        scratch_types=[
            pltpu.VMEM((_NGC, _GCH), jnp.int32),
            pltpu.VMEM((2, _GCH, H32), jnp.int32),
            pltpu.SemaphoreType.DMA,
            pltpu.SemaphoreType.DMA,
        ],
    )
    def k(ys_hbm, pos_hbm, z_hbm, idx_v, buf_v, gsem, ssem):
        wid = lax.axis_index("s") * _SC_NC + lax.axis_index("c")
        pltpu.sync_copy(pos_hbm.at[pl.ds(wid * _NGC, _NGC)], idx_v)
        st = [None] * _NGC
        for c in range(_NGC):
            if c >= 2:
                st[c - 2].wait()
            pltpu.async_copy(ys_hbm.at[idx_v.at[c]], buf_v.at[c % 2],
                             gsem).wait()
            st[c] = pltpu.async_copy(
                buf_v.at[c % 2], z_hbm.at[pl.ds(wid * APW + c * _GCH, _GCH)],
                ssem)
        st[_NGC - 2].wait()
        st[_NGC - 1].wait()

    return k(ys, pos)


def kernel(positions, hidden_states, ln1_w, wqkv, bqkv, wo, ln2_w, gate_w,
           gate_bias, expert_wgu, expert_wd, shared_wgu, shared_wd):
    f32 = jnp.float32
    bf16 = jnp.bfloat16

    inv_freq = 1.0 / (THETA ** (jnp.arange(0, RD, 2).astype(f32) / RD))
    ang = positions.astype(f32)[:, None] * inv_freq[None, :]
    cos = jnp.cos(ang)
    sin = jnp.sin(ang)

    wqkv_b = wqkv.astype(bf16)
    wo_b = wo.astype(bf16)
    wgu_b = expert_wgu.astype(bf16)
    wd_b = expert_wd.astype(bf16)
    swgu_b = shared_wgu.astype(bf16)
    swd_b = shared_wd.astype(bf16)

    qkv = pl.pallas_call(
        _qkv_body,
        grid=(T // TB,),
        in_specs=[
            pl.BlockSpec((TB, H), lambda t: (t, 0)),
            pl.BlockSpec((H, NQKV), lambda t: (0, 0)),
            pl.BlockSpec((1, NQKV), lambda t: (0, 0)),
            pl.BlockSpec((TB, RD // 2), lambda t: (t, 0)),
            pl.BlockSpec((TB, RD // 2), lambda t: (t, 0)),
            pl.BlockSpec((1, H), lambda t: (0, 0)),
        ],
        out_specs=pl.BlockSpec((TB, NQKV), lambda t: (t, 0)),
        out_shape=jax.ShapeDtypeStruct((T, NQKV), bf16),
    )(hidden_states, wqkv_b, bqkv.reshape(1, NQKV), cos, sin,
      ln1_w.reshape(1, H))

    grp = NH // NKV
    ao = pl.pallas_call(
        _attn_body,
        grid=(NH, T // QB),
        in_specs=[
            pl.BlockSpec((QB, HD), lambda h, t: (t, h)),
            pl.BlockSpec((T, HD), lambda h, t: (0, NH + h // grp)),
            pl.BlockSpec((T, HD), lambda h, t: (0, NH + NKV + h // grp)),
        ],
        out_specs=pl.BlockSpec((QB, HD), lambda h, t: (t, h)),
        out_shape=jax.ShapeDtypeStruct((T, NH * HD), bf16),
    )(qkv, qkv, qkv)

    h = pl.pallas_call(
        _oproj_body,
        grid=(T // TB,),
        in_specs=[
            pl.BlockSpec((TB, NH * HD), lambda t: (t, 0)),
            pl.BlockSpec((NH * HD, H), lambda t: (0, 0)),
            pl.BlockSpec((TB, H), lambda t: (t, 0)),
        ],
        out_specs=pl.BlockSpec((TB, H), lambda t: (t, 0)),
        out_shape=jax.ShapeDtypeStruct((T, H), f32),
    )(ao, wo_b, hidden_states)

    h2, h2b, h2p, w, a = pl.pallas_call(
        _router_body,
        grid=(T // TB,),
        in_specs=[
            pl.BlockSpec((TB, H), lambda t: (t, 0)),
            pl.BlockSpec((1, H), lambda t: (0, 0)),
            pl.BlockSpec((H, E), lambda t: (0, 0)),
            pl.BlockSpec((1, E), lambda t: (0, 0)),
        ],
        out_specs=[
            pl.BlockSpec((TB, H), lambda t: (t, 0)),
            pl.BlockSpec((TB, H), lambda t: (t, 0)),
            pl.BlockSpec((TB, H32), lambda t: (t, 0)),
            pl.BlockSpec((TB, TOPK), lambda t: (t, 0)),
            pl.BlockSpec((TB, TOPK * E), lambda t: (t, 0)),
        ],
        out_shape=[
            jax.ShapeDtypeStruct((T, H), f32),
            jax.ShapeDtypeStruct((T, H), bf16),
            jax.ShapeDtypeStruct((T, H32), jnp.int32),
            jax.ShapeDtypeStruct((T, TOPK), f32),
            jax.ShapeDtypeStruct((T, TOPK * E), f32),
        ],
    )(h, ln2_w.reshape(1, H), gate_w.T, gate_bias.reshape(1, E))

    a2 = a.reshape(NA, E)
    tril = jnp.tril(jnp.ones((RB, RB), f32), -1)
    r, counts = pl.pallas_call(
        _rank_body,
        grid=(NA // RB,),
        in_specs=[
            pl.BlockSpec((RB, E), lambda g: (g, 0)),
            pl.BlockSpec((RB, RB), lambda g: (0, 0)),
        ],
        out_specs=[
            pl.BlockSpec((RB, 1), lambda g: (g, 0)),
            pl.BlockSpec((1, E), lambda g: (0, 0)),
        ],
        out_shape=[
            jax.ShapeDtypeStruct((NA, 1), f32),
            jax.ShapeDtypeStruct((1, E), f32),
        ],
        scratch_shapes=[pltpu.VMEM((1, E), f32)],
    )(a2, tril)

    counts_i = counts.reshape(E).astype(jnp.int32)
    padded = ((counts_i + BLKM - 1) // BLKM) * BLKM
    ends = jnp.cumsum(padded)
    off = (ends - padded).astype(f32).reshape(1, E)
    bstart = jnp.arange(NBLK, dtype=jnp.int32) * BLKM
    block_e = jnp.minimum(jnp.searchsorted(ends, bstart, side='right'),
                          E - 1).astype(jnp.int32)

    pos = pl.pallas_call(
        _pos_body,
        grid=(1,),
        in_specs=[
            pl.BlockSpec((NA, E), lambda g: (0, 0)),
            pl.BlockSpec((NA, 1), lambda g: (0, 0)),
            pl.BlockSpec((1, E), lambda g: (0, 0)),
        ],
        out_specs=pl.BlockSpec((NA, 1), lambda g: (0, 0)),
        out_shape=jax.ShapeDtypeStruct((NA, 1), jnp.int32),
    )(a2, r, off)
    pos2d = pos.reshape(NA // _GCH, _GCH)
    posr3 = pos.reshape(NW, _NDC, _DCH, TOPK).transpose(0, 3, 1, 2) \
               .reshape(NW, TOPK * _NDC, _DCH)

    xs = _sc_dispatch(h2p, posr3)

    grid_spec = pltpu.PrefetchScalarGridSpec(
        num_scalar_prefetch=1,
        grid=(NBLK,),
        in_specs=[
            pl.BlockSpec((BLKM, H32), lambda b, be: (b, 0)),
            pl.BlockSpec((1, H, 2 * DFF), lambda b, be: (be[b], 0, 0)),
            pl.BlockSpec((1, DFF, H), lambda b, be: (be[b], 0, 0)),
        ],
        out_specs=pl.BlockSpec((BLKM, H32), lambda b, be: (b, 0)),
    )
    ys = pl.pallas_call(
        _gmm_body,
        grid_spec=grid_spec,
        out_shape=jax.ShapeDtypeStruct((NPAD, H32), jnp.int32),
    )(block_e, xs, wgu_b, wd_b)

    z = _sc_gather(ys, pos2d)

    out = pl.pallas_call(
        _shared_body,
        grid=(T // TB,),
        in_specs=[
            pl.BlockSpec((TB, H), lambda t: (t, 0)),
            pl.BlockSpec((H, 2 * SDFF), lambda t: (0, 0)),
            pl.BlockSpec((SDFF, H), lambda t: (0, 0)),
            pl.BlockSpec((TB, H), lambda t: (t, 0)),
            pl.BlockSpec((TB, TOPK, H32), lambda t: (t, 0, 0)),
            pl.BlockSpec((TB, TOPK), lambda t: (t, 0)),
        ],
        out_specs=pl.BlockSpec((TB, H), lambda t: (t, 0)),
        out_shape=jax.ShapeDtypeStruct((T, H), f32),
    )(h2b, swgu_b, swd_b, h, z.reshape(T, TOPK, H32), w)

    return out

# --- scband reference (transcript-rebuilt; emitter-appended) ---
"""Pipeline reference for scband-glm4-moe-decoder-layer-2491081031868 (READ-ONLY COPY).

The authoritative reference and input builder live on the scoring server;
editing this copy changes nothing except your own understanding.
"""

import jax, jax.numpy as jnp
import numpy as np

T = 2048
H = 2048
NH = 16
NKV = 4
HD = 128
RD = 64
E = 8
TOPK = 2
DFF = 768
SDFF = 768
EPS = 1e-05
THETA = 10000.0
ROUTED_SCALE = 1.0


def setup_inputs(seed: int = 0) -> dict:
    key = jax.random.key(seed)
    ks = jax.random.split(key, 14)
    s = 0.02
    return {
        'positions': jnp.arange(T, dtype=jnp.int32),
        'hidden_states': jax.random.normal(ks[0], (T, H), dtype=jnp.float32),
        'ln1_w': 1.0 + 0.02 * jax.random.normal(ks[1], (H,), dtype=jnp.float32),
        'wqkv': s * jax.random.normal(ks[2], (H, (NH + 2 * NKV) * HD), dtype=jnp.float32),
        'bqkv': s * jax.random.normal(ks[3], ((NH + 2 * NKV) * HD,), dtype=jnp.float32),
        'wo': s * jax.random.normal(ks[4], (NH * HD, H), dtype=jnp.float32),
        'ln2_w': 1.0 + 0.02 * jax.random.normal(ks[5], (H,), dtype=jnp.float32),
        'gate_w': s * jax.random.normal(ks[6], (E, H), dtype=jnp.float32),
        'gate_bias': s * jax.random.normal(ks[7], (E,), dtype=jnp.float32),
        'expert_wgu': s * jax.random.normal(ks[8], (E, H, 2 * DFF), dtype=jnp.float32),
        'expert_wd': s * jax.random.normal(ks[9], (E, DFF, H), dtype=jnp.float32),
        'shared_wgu': s * jax.random.normal(ks[10], (H, 2 * SDFF), dtype=jnp.float32),
        'shared_wd': s * jax.random.normal(ks[11], (SDFF, H), dtype=jnp.float32),
    }


def _rms(x, w):
    return x * jax.lax.rsqrt(jnp.mean(x * x, axis=-1, keepdims=True) + EPS) * w


def _rope(x, pos):
    # partial rotary (rotary_dim = RD), NeoX style
    half = RD // 2
    inv = 1.0 / (THETA ** (jnp.arange(0, RD, 2).astype(jnp.float32) / RD))
    ang = pos.astype(jnp.float32)[:, None] * inv[None, :]
    cos = jnp.cos(ang)[:, None, :]
    sin = jnp.sin(ang)[:, None, :]
    x1 = x[..., :half]
    x2 = x[..., half:RD]
    return jnp.concatenate([x1 * cos - x2 * sin, x2 * cos + x1 * sin, x[..., RD:]], axis=-1)


def reference(positions, hidden_states, ln1_w, wqkv, bqkv, wo, ln2_w, gate_w, gate_bias, expert_wgu, expert_wd, shared_wgu, shared_wd):
    # --- input layernorm + attention ---
    res = hidden_states
    h = _rms(hidden_states, ln1_w)
    qkv = h @ wqkv + bqkv
    q = qkv[:, : NH * HD].reshape(T, NH, HD)
    k = qkv[:, NH * HD: NH * HD + NKV * HD].reshape(T, NKV, HD)
    v = qkv[:, NH * HD + NKV * HD:].reshape(T, NKV, HD)
    q = _rope(q, positions)
    k = _rope(k, positions)
    kr = jnp.repeat(k, NH // NKV, axis=1)
    vr = jnp.repeat(v, NH // NKV, axis=1)
    scale = HD ** -0.5
    att = jnp.einsum('qhd,khd->hqk', q, kr) * scale
    mask = jnp.tril(jnp.ones((T, T), dtype=bool))
    att = jnp.where(mask[None, :, :], att, -1e30)
    p = jax.nn.softmax(att, axis=-1)
    ao = jnp.einsum('hqk,khd->qhd', p, vr).reshape(T, NH * HD)
    ao = ao @ wo
    h = res + ao
    # --- post-attn layernorm + sparse MoE block ---
    res2 = h
    h2 = _rms(h, ln2_w)
    router_logits = h2 @ gate_w.T
    scores = jax.nn.sigmoid(router_logits)
    choice = scores + gate_bias[None, :]
    _, topi = jax.lax.top_k(choice, TOPK)
    w = jnp.take_along_axis(scores, topi, axis=1)
    w = w / (jnp.sum(w, axis=-1, keepdims=True) + 1e-20)
    w = w * ROUTED_SCALE
    cw = jnp.zeros((T, E), dtype=h2.dtype).at[jnp.arange(T)[:, None], topi].add(w)
    gu = jnp.einsum('th,ehf->tef', h2, expert_wgu)
    act = jax.nn.silu(gu[..., :DFF]) * gu[..., DFF:]
    eo = jnp.einsum('tef,efh->teh', act, expert_wd)
    moe = jnp.einsum('te,teh->th', cw, eo)
    sgu = h2 @ shared_wgu
    sh = (jax.nn.silu(sgu[:, :SDFF]) * sgu[:, SDFF:]) @ shared_wd
    return res2 + moe + sh

if __name__ == "__main__":
    import jax
    _d = setup_inputs()
    print(jax.jit(kernel)(*tuple(_d.values())))

</pallas_src>

<mosaic_0001>
#map = affine_map<(d0, d1) -> (0, 0)>
module attributes {stable_mosaic.version = 14 : i64} {
  func.func @k(%arg0: i32, %arg1: i32, %arg2: memref<6144x1024xi32, #tpu.memory_space<hbm>>, %arg3: memref<256x16xi32, #tpu.memory_space<hbm>>, %arg4: memref<4096x1024xi32, #tpu.memory_space<hbm>>, %arg5: memref<8x16xi32, #tpu.memory_space<vmem>>, %arg6: memref<2x16x1024xi32, #tpu.memory_space<vmem>>, %arg7: memref<!tpu.dma_semaphore, #tpu.memory_space<semaphore_mem>>, %arg8: memref<!tpu.dma_semaphore, #tpu.memory_space<semaphore_mem>>) attributes {dimension_semantics = [#tpu.dimension_semantics<core_parallel>, #tpu.dimension_semantics<subcore_parallel>], iteration_bounds = array<i64: 2, 16>, scalar_prefetch = 0 : i64, scratch_operands = 4 : i64, tpu.core_type = #tpu.core_type<sc_vector_subcore>, window_params = [{transform_indices = #map}, {transform_indices = #map}, {transform_indices = #map}]} {
    %mul3A = arith.constant 2 : i32
    %mul3A_0 = arith.muli %arg1, %mul3A : i32
    %add3A = arith.addi %mul3A_0, %arg0 : i32
    %mul3A_1 = arith.constant 8 : i32
    %mul3A_2 = arith.muli %add3A, %mul3A_1 : i32
    "tpu.region"() ({
      %run_scoped3A = tpu.sem_alloc : memref<!tpu.dma_semaphore, #tpu.memory_space<semaphore_mem>>
      %dma_start3A_433 = arith.constant 0 : i32
      %dma_start3A_434 = tpu.memref_slice %arg3[%mul3A_2, %dma_start3A_433] : memref<256x16xi32, #tpu.memory_space<hbm>> -> memref<8x16xi32, #tpu.memory_space<hbm>>
      %dma_start3A_435 = arith.constant 0 : i32
      %dma_start3A_436 = tpu.memref_slice %arg3[%mul3A_2, %dma_start3A_435] : memref<256x16xi32, #tpu.memory_space<hbm>> -> memref<8x16xi32, #tpu.memory_space<hbm>>
      tpu.enqueue_dma source(%dma_start3A_436 : memref<8x16xi32, #tpu.memory_space<hbm>>) target(%arg5 : memref<8x16xi32, #tpu.memory_space<vmem>>) target_semaphore(%run_scoped3A : memref<!tpu.dma_semaphore, #tpu.memory_space<semaphore_mem>>)
      %dma_wait3A_437 = arith.constant 0 : i32
      %dma_wait3A_438 = tpu.memref_slice %arg3[%mul3A_2, %dma_wait3A_437] : memref<256x16xi32, #tpu.memory_space<hbm>> -> memref<8x16xi32, #tpu.memory_space<hbm>>
      %dma_wait3A_439 = arith.constant 0 : i32
      %dma_wait3A_440 = tpu.memref_slice %arg3[%mul3A_2, %dma_wait3A_439] : memref<256x16xi32, #tpu.memory_space<hbm>> -> memref<8x16xi32, #tpu.memory_space<hbm>>
      tpu.wait_dma2 semaphore(%run_scoped3A : memref<!tpu.dma_semaphore, #tpu.memory_space<semaphore_mem>>) src(%dma_wait3A_440 : memref<8x16xi32, #tpu.memory_space<hbm>>) dst(%arg5 : memref<8x16xi32, #tpu.memory_space<vmem>>)
      tpu.yield
    }) : () -> ()
    %dma_start3A = arith.constant 0 : i32
    %dma_start3A_3 = arith.constant 0 : i32
    %dma_start3A_4 = arith.constant 0 : i32
    %dma_start3A_5 = arith.constant 0 : i32
    %dma_start3A_6 = tpu.memref_slice %arg6[%dma_start3A_3, %dma_start3A_4, %dma_start3A_5] : memref<2x16x1024xi32, #tpu.memory_space<vmem>> -> memref<1x16x1024xi32, #tpu.memory_space<vmem>>
    %dma_start3A_7 = tpu.memref_squeeze %dma_start3A_6 : memref<1x16x1024xi32, #tpu.memory_space<vmem>> -> memref<16x1024xi32, #tpu.memory_space<vmem>>
    %dma_start3A_8 = arith.constant 0 : i32
    %dma_start3A_9 = tpu.memref_slice %arg5[%dma_start3A, %dma_start3A_8] : memref<8x16xi32, #tpu.memory_space<vmem>> -> memref<1x16xi32, #tpu.memory_space<vmem>>
    %dma_start3A_10 = tpu.memref_squeeze %dma_start3A_9 : memref<1x16xi32, #tpu.memory_space<vmem>> -> memref<16xi32, #tpu.memory_space<vmem>>
    %dma_start3A_11 = arith.constant 0 : i32
    %dma_start3A_12 = arith.constant 0 : i32
    %dma_start3A_13 = tpu.memref_slice %arg2[%dma_start3A_11, %dma_start3A_12] : memref<6144x1024xi32, #tpu.memory_space<hbm>> -> memref<6144x1024xi32, #tpu.memory_space<hbm>>
    tpu.enqueue_indirect_dma source(%dma_start3A_13 : memref<6144x1024xi32, #tpu.memory_space<hbm>>) target(%dma_start3A_7 : memref<16x1024xi32, #tpu.memory_space<vmem>>) offsets(%dma_start3A_10 : memref<16xi32, #tpu.memory_space<vmem>>) semaphore(%arg7 : memref<!tpu.dma_semaphore, #tpu.memory_space<semaphore_mem>>)
    %dma_wait3A = arith.constant 0 : i32
    %dma_wait3A_14 = arith.constant 0 : i32
    %dma_wait3A_15 = arith.constant 0 : i32
    %dma_wait3A_16 = arith.constant 0 : i32
    %dma_wait3A_17 = tpu.memref_slice %arg6[%dma_wait3A_14, %dma_wait3A_15, %dma_wait3A_16] : memref<2x16x1024xi32, #tpu.memory_space<vmem>> -> memref<1x16x1024xi32, #tpu.memory_space<vmem>>
    %dma_wait3A_18 = tpu.memref_squeeze %dma_wait3A_17 : memref<1x16x1024xi32, #tpu.memory_space<vmem>> -> memref<16x1024xi32, #tpu.memory_space<vmem>>
    %dma_wait3A_19 = arith.constant 0 : i32
    %dma_wait3A_20 = tpu.memref_slice %arg5[%dma_wait3A, %dma_wait3A_19] : memref<8x16xi32, #tpu.memory_space<vmem>> -> memref<1x16xi32, #tpu.memory_space<vmem>>
    %dma_wait3A_21 = tpu.memref_squeeze %dma_wait3A_20 : memref<1x16xi32, #tpu.memory_space<vmem>> -> memref<16xi32, #tpu.memory_space<vmem>>
    %dma_wait3A_22 = arith.constant 0 : i32
    %dma_wait3A_23 = arith.constant 0 : i32
    %dma_wait3A_24 = tpu.memref_slice %arg2[%dma_wait3A_22, %dma_wait3A_23] : memref<6144x1024xi32, #tpu.memory_space<hbm>> -> memref<6144x1024xi32, #tpu.memory_space<hbm>>
    tpu.wait_indirect_dma semaphore(%arg7 : memref<!tpu.dma_semaphore, #tpu.memory_space<semaphore_mem>>) src(%dma_wait3A_24 : memref<6144x1024xi32, #tpu.memory_space<hbm>>) dst(%dma_wait3A_18 : memref<16x1024xi32, #tpu.memory_space<vmem>>)
    %mul3A_25 = arith.constant 128 : i32
    %mul3A_26 = arith.muli %add3A, %mul3A_25 : i32
    %add3A_27 = arith.constant 0 : i32
    %add3A_28 = arith.addi %mul3A_26, %add3A_27 : i32
    %dma_start3A_29 = arith.constant 0 : i32
    %dma_start3A_30 = arith.constant 0 : i32
    %dma_start3A_31 = arith.constant 0 : i32
    %dma_start3A_32 = tpu.memref_slice %arg6[%dma_start3A_29, %dma_start3A_30, %dma_start3A_31] : memref<2x16x1024xi32, #tpu.memory_space<vmem>> -> memref<1x16x1024xi32, #tpu.memory_space<vmem>>
    %dma_start3A_33 = tpu.memref_squeeze %dma_start3A_32 : memref<1x16x1024xi32, #tpu.memory_space<vmem>> -> memref<16x1024xi32, #tpu.memory_space<vmem>>
    %dma_start3A_34 = arith.constant 0 : i32
    %dma_start3A_35 = tpu.memref_slice %arg4[%add3A_28, %dma_start3A_34] : memref<4096x1024xi32, #tpu.memory_space<hbm>> -> memref<16x1024xi32, #tpu.memory_space<hbm>>
    %dma_start3A_36 = arith.constant 0 : i32
    %dma_start3A_37 = tpu.memref_slice %arg4[%add3A_28, %dma_start3A_36] : memref<4096x1024xi32, #tpu.memory_space<hbm>> -> memref<16x1024xi32, #tpu.memory_space<hbm>>
    %dma_start3A_38 = arith.constant 0 : i32
    %dma_start3A_39 = arith.constant 0 : i32
    %dma_start3A_40 = tpu.memref_slice %arg6[%dma_start3A_29, %dma_start3A_38, %dma_start3A_39] : memref<2x16x1024xi32, #tpu.memory_space<vmem>> -> memref<1x16x1024xi32, #tpu.memory_space<vmem>>
    %dma_start3A_41 = tpu.memref_squeeze %dma_start3A_40 : memref<1x16x1024xi32, #tpu.memory_space<vmem>> -> memref<16x1024xi32, #tpu.memory_space<vmem>>
    tpu.enqueue_dma source(%dma_start3A_41 : memref<16x1024xi32, #tpu.memory_space<vmem>>) target(%dma_start3A_37 : memref<16x1024xi32, #tpu.memory_space<hbm>>) target_semaphore(%arg8 : memref<!tpu.dma_semaphore, #tpu.memory_space<semaphore_mem>>)
    %dma_start3A_42 = arith.constant 1 : i32
    %dma_start3A_43 = arith.constant 1 : i32
    %dma_start3A_44 = arith.constant 0 : i32
    %dma_start3A_45 = arith.constant 0 : i32
    %dma_start3A_46 = tpu.memref_slice %arg6[%dma_start3A_43, %dma_start3A_44, %dma_start3A_45] : memref<2x16x1024xi32, #tpu.memory_space<vmem>> -> memref<1x16x1024xi32, #tpu.memory_space<vmem>>
    %dma_start3A_47 = tpu.memref_squeeze %dma_start3A_46 : memref<1x16x1024xi32, #tpu.memory_space<vmem>> -> memref<16x1024xi32, #tpu.memory_space<vmem>>
    %dma_start3A_48 = arith.constant 0 : i32
    %dma_start3A_49 = tpu.memref_slice %arg5[%dma_start3A_42, %dma_start3A_48] : memref<8x16xi32, #tpu.memory_space<vmem>> -> memref<1x16xi32, #tpu.memory_space<vmem>>
    %dma_start3A_50 = tpu.memref_squeeze %dma_start3A_49 : memref<1x16xi32, #tpu.memory_space<vmem>> -> memref<16xi32, #tpu.memory_space<vmem>>
    %dma_start3A_51 = arith.constant 0 : i32
    %dma_start3A_52 = arith.constant 0 : i32
    %dma_start3A_53 = tpu.memref_slice %arg2[%dma_start3A_51, %dma_start3A_52] : memref<6144x1024xi32, #tpu.memory_space<hbm>> -> memref<6144x1024xi32, #tpu.memory_space<hbm>>
    tpu.enqueue_indirect_dma source(%dma_start3A_53 : memref<6144x1024xi32, #tpu.memory_space<hbm>>) target(%dma_start3A_47 : memref<16x1024xi32, #tpu.memory_space<vmem>>) offsets(%dma_start3A_50 : memref<16xi32, #tpu.memory_space<vmem>>) semaphore(%arg7 : memref<!tpu.dma_semaphore, #tpu.memory_space<semaphore_mem>>)
    %dma_wait3A_54 = arith.constant 1 : i32
    %dma_wait3A_55 = arith.constant 1 : i32
    %dma_wait3A_56 = arith.constant 0 : i32
    %dma_wait3A_57 = arith.constant 0 : i32
    %dma_wait3A_58 = tpu.memref_slice %arg6[%dma_wait3A_55, %dma_wait3A_56, %dma_wait3A_57] : memref<2x16x1024xi32, #tpu.memory_space<vmem>> -> memref<1x16x1024xi32, #tpu.memory_space<vmem>>
    %dma_wait3A_59 = tpu.memref_squeeze %dma_wait3A_58 : memref<1x16x1024xi32, #tpu.memory_space<vmem>> -> memref<16x1024xi32, #tpu.memory_space<vmem>>
    %dma_wait3A_60 = arith.constant 0 : i32
    %dma_wait3A_61 = tpu.memref_slice %arg5[%dma_wait3A_54, %dma_wait3A_60] : memref<8x16xi32, #tpu.memory_space<vmem>> -> memref<1x16xi32, #tpu.memory_space<vmem>>
    %dma_wait3A_62 = tpu.memref_squeeze %dma_wait3A_61 : memref<1x16xi32, #tpu.memory_space<vmem>> -> memref<16xi32, #tpu.memory_space<vmem>>
    %dma_wait3A_63 = arith.constant 0 : i32
    %dma_wait3A_64 = arith.constant 0 : i32
    %dma_wait3A_65 = tpu.memref_slice %arg2[%dma_wait3A_63, %dma_wait3A_64] : memref<6144x1024xi32, #tpu.memory_space<hbm>> -> memref<6144x1024xi32, #tpu.memory_space<hbm>>
    tpu.wait_indirect_dma semaphore(%arg7 : memref<!tpu.dma_semaphore, #tpu.memory_space<semaphore_mem>>) src(%dma_wait3A_65 : memref<6144x1024xi32, #tpu.memory_space<hbm>>) dst(%dma_wait3A_59 : memref<16x1024xi32, #tpu.memory_space<vmem>>)
    %mul3A_66 = arith.constant 128 : i32
    %mul3A_67 = arith.muli %add3A, %mul3A_66 : i32
    %add3A_68 = arith.constant 16 : i32
    %add3A_69 = arith.addi %mul3A_67, %add3A_68 : i32
    %dma_start3A_70 = arith.constant 1 : i32
    %dma_start3A_71 = arith.constant 0 : i32
    %dma_start3A_72 = arith.constant 0 : i32
    %dma_start3A_73 = tpu.memref_slice %arg6[%dma_start3A_70, %dma_start3A_71, %dma_start3A_72] : memref<2x16x1024xi32, #tpu.memory_space<vmem>> -> memref<1x16x1024xi32, #tpu.memory_space<vmem>>
    %dma_start3A_74 = tpu.memref_squeeze %dma_start3A_73 : memref<1x16x1024xi32, #tpu.memory_space<vmem>> -> memref<16x1024xi32, #tpu.memory_space<vmem>>
    %dma_start3A_75 = arith.constant 0 : i32
    %dma_start3A_76 = tpu.memref_slice %arg4[%add3A_69, %dma_start3A_75] : memref<4096x1024xi32, #tpu.memory_space<hbm>> -> memref<16x1024xi32, #tpu.memory_space<hbm>>
    %dma_start3A_77 = arith.constant 0 : i32
    %dma_start3A_78 = tpu.memref_slice %arg4[%add3A_69, %dma_start3A_77] : memref<4096x1024xi32, #tpu.memory_space<hbm>> -> memref<16x1024xi32, #tpu.memory_space<hbm>>
    %dma_start3A_79 = arith.constant 0 : i32
    %dma_start3A_80 = arith.constant 0 : i32
    %dma_start3A_81 = tpu.memref_slice %arg6[%dma_start3A_70, %dma_start3A_79, %dma_start3A_80] : memref<2x16x1024xi32, #tpu.memory_space<vmem>> -> memref<1x16x1024xi32, #tpu.memory_space<vmem>>
    %dma_start3A_82 = tpu.memref_squeeze %dma_start3A_81 : memref<1x16x1024xi32, #tpu.memory_space<vmem>> -> memref<16x1024xi32, #tpu.memory_space<vmem>>
    tpu.enqueue_dma source(%dma_start3A_82 : memref<16x1024xi32, #tpu.memory_space<vmem>>) target(%dma_start3A_78 : memref<16x1024xi32, #tpu.memory_space<hbm>>) target_semaphore(%arg8 : memref<!tpu.dma_semaphore, #tpu.memory_space<semaphore_mem>>)
    %dma_wait3A_83 = arith.constant 0 : i32
    %dma_wait3A_84 = arith.constant 0 : i32
    %dma_wait3A_85 = arith.constant 0 : i32
    %dma_wait3A_86 = tpu.memref_slice %arg6[%dma_wait3A_83, %dma_wait3A_84, %dma_wait3A_85] : memref<2x16x1024xi32, #tpu.memory_space<vmem>> -> memref<1x16x1024xi32, #tpu.memory_space<vmem>>
    %dma_wait3A_87 = tpu.memref_squeeze %dma_wait3A_86 : memref<1x16x1024xi32, #tpu.memory_space<vmem>> -> memref<16x1024xi32, #tpu.memory_space<vmem>>
    %dma_wait3A_88 = arith.constant 0 : i32
    %dma_wait3A_89 = tpu.memref_slice %arg4[%add3A_28, %dma_wait3A_88] : memref<4096x1024xi32, #tpu.memory_space<hbm>> -> memref<16x1024xi32, #tpu.memory_space<hbm>>
    %dma_wait3A_90 = arith.constant 0 : i32
    %dma_wait3A_91 = tpu.memref_slice %arg4[%add3A_28, %dma_wait3A_90] : memref<4096x1024xi32, #tpu.memory_space<hbm>> -> memref<16x1024xi32, #tpu.memory_space<hbm>>
    %dma_wait3A_92 = arith.constant 0 : i32
    %dma_wait3A_93 = arith.constant 0 : i32
    %dma_wait3A_94 = tpu.memref_slice %arg6[%dma_wait3A_83, %dma_wait3A_92, %dma_wait3A_93] : memref<2x16x1024xi32, #tpu.memory_space<vmem>> -> memref<1x16x1024xi32, #tpu.memory_space<vmem>>
    %dma_wait3A_95 = tpu.memref_squeeze %dma_wait3A_94 : memref<1x16x1024xi32, #tpu.memory_space<vmem>> -> memref<16x1024xi32, #tpu.memory_space<vmem>>
    tpu.wait_dma2 semaphore(%arg8 : memref<!tpu.dma_semaphore, #tpu.memory_space<semaphore_mem>>) src(%dma_wait3A_95 : memref<16x1024xi32, #tpu.memory_space<vmem>>) dst(%dma_wait3A_91 : memref<16x1024xi32, #tpu.memory_space<hbm>>)
    %dma_start3A_96 = arith.constant 2 : i32
    %dma_start3A_97 = arith.constant 0 : i32
    %dma_start3A_98 = arith.constant 0 : i32
    %dma_start3A_99 = arith.constant 0 : i32
    %dma_start3A_100 = tpu.memref_slice %arg6[%dma_start3A_97, %dma_start3A_98, %dma_start3A_99] : memref<2x16x1024xi32, #tpu.memory_space<vmem>> -> memref<1x16x1024xi32, #tpu.memory_space<vmem>>
    %dma_start3A_101 = tpu.memref_squeeze %dma_start3A_100 : memref<1x16x1024xi32, #tpu.memory_space<vmem>> -> memref<16x1024xi32, #tpu.memory_space<vmem>>
    %dma_start3A_102 = arith.constant 0 : i32
    %dma_start3A_103 = tpu.memref_slice %arg5[%dma_start3A_96, %dma_start3A_102] : memref<8x16xi32, #tpu.memory_space<vmem>> -> memref<1x16xi32, #tpu.memory_space<vmem>>
    %dma_start3A_104 = tpu.memref_squeeze %dma_start3A_103 : memref<1x16xi32, #tpu.memory_space<vmem>> -> memref<16xi32, #tpu.memory_space<vmem>>
    %dma_start3A_105 = arith.constant 0 : i32
    %dma_start3A_106 = arith.constant 0 : i32
    %dma_start3A_107 = tpu.memref_slice %arg2[%dma_start3A_105, %dma_start3A_106] : memref<6144x1024xi32, #tpu.memory_space<hbm>> -> memref<6144x1024xi32, #tpu.memory_space<hbm>>
    tpu.enqueue_indirect_dma source(%dma_start3A_107 : memref<6144x1024xi32, #tpu.memory_space<hbm>>) target(%dma_start3A_101 : memref<16x1024xi32, #tpu.memory_space<vmem>>) offsets(%dma_start3A_104 : memref<16xi32, #tpu.memory_space<vmem>>) semaphore(%arg7 : memref<!tpu.dma_semaphore, #tpu.memory_space<semaphore_mem>>)
    %dma_wait3A_108 = arith.constant 2 : i32
    %dma_wait3A_109 = arith.constant 0 : i32
    %dma_wait3A_110 = arith.constant 0 : i32
    %dma_wait3A_111 = arith.constant 0 : i32
    %dma_wait3A_112 = tpu.memref_slice %arg6[%dma_wait3A_109, %dma_wait3A_110, %dma_wait3A_111] : memref<2x16x1024xi32, #tpu.memory_space<vmem>> -> memref<1x16x1024xi32, #tpu.memory_space<vmem>>
    %dma_wait3A_113 = tpu.memref_squeeze %dma_wait3A_112 : memref<1x16x1024xi32, #tpu.memory_space<vmem>> -> memref<16x1024xi32, #tpu.memory_space<vmem>>
    %dma_wait3A_114 = arith.constant 0 : i32
    %dma_wait3A_115 = tpu.memref_slice %arg5[%dma_wait3A_108, %dma_wait3A_114] : memref<8x16xi32, #tpu.memory_space<vmem>> -> memref<1x16xi32, #tpu.memory_space<vmem>>
    %dma_wait3A_116 = tpu.memref_squeeze %dma_wait3A_115 : memref<1x16xi32, #tpu.memory_space<vmem>> -> memref<16xi32, #tpu.memory_space<vmem>>
    %dma_wait3A_117 = arith.constant 0 : i32
    %dma_wait3A_118 = arith.constant 0 : i32
    %dma_wait3A_119 = tpu.memref_slice %arg2[%dma_wait3A_117, %dma_wait3A_118] : memref<6144x1024xi32, #tpu.memory_space<hbm>> -> memref<6144x1024xi32, #tpu.memory_space<hbm>>
    tpu.wait_indirect_dma semaphore(%arg7 : memref<!tpu.dma_semaphore, #tpu.memory_space<semaphore_mem>>) src(%dma_wait3A_119 : memref<6144x1024xi32, #tpu.memory_space<hbm>>) dst(%dma_wait3A_113 : memref<16x1024xi32, #tpu.memory_space<vmem>>)
    %mul3A_120 = arith.constant 128 : i32
    %mul3A_121 = arith.muli %add3A, %mul3A_120 : i32
    %add3A_122 = arith.constant 32 : i32
    %add3A_123 = arith.addi %mul3A_121, %add3A_122 : i32
    %dma_start3A_124 = arith.constant 0 : i32
    %dma_start3A_125 = arith.constant 0 : i32
    %dma_start3A_126 = arith.constant 0 : i32
    %dma_start3A_127 = tpu.memref_slice %arg6[%dma_start3A_124, %dma_start3A_125, %dma_start3A_126] : memref<2x16x1024xi32, #tpu.memory_space<vmem>> -> memref<1x16x1024xi32, #tpu.memory_space<vmem>>
    %dma_start3A_128 = tpu.memref_squeeze %dma_start3A_127 : memref<1x16x1024xi32, #tpu.memory_space<vmem>> -> memref<16x1024xi32, #tpu.memory_space<vmem>>
    %dma_start3A_129 = arith.constant 0 : i32
    %dma_start3A_130 = tpu.memref_slice %arg4[%add3A_123, %dma_start3A_129] : memref<4096x1024xi32, #tpu.memory_space<hbm>> -> memref<16x1024xi32, #tpu.memory_space<hbm>>
    %dma_start3A_131 = arith.constant 0 : i32
    %dma_start3A_132 = tpu.memref_slice %arg4[%add3A_123, %dma_start3A_131] : memref<4096x1024xi32, #tpu.memory_space<hbm>> -> memref<16x1024xi32, #tpu.memory_space<hbm>>
    %dma_start3A_133 = arith.constant 0 : i32
    %dma_start3A_134 = arith.constant 0 : i32
    %dma_start3A_135 = tpu.memref_slice %arg6[%dma_start3A_124, %dma_start3A_133, %dma_start3A_134] : memref<2x16x1024xi32, #tpu.memory_space<vmem>> -> memref<1x16x1024xi32, #tpu.memory_space<vmem>>
    %dma_start3A_136 = tpu.memref_squeeze %dma_start3A_135 : memref<1x16x1024xi32, #tpu.memory_space<vmem>> -> memref<16x1024xi32, #tpu.memory_space<vmem>>
    tpu.enqueue_dma source(%dma_start3A_136 : memref<16x1024xi32, #tpu.memory_space<vmem>>) target(%dma_start3A_132 : memref<16x1024xi32, #tpu.memory_space<hbm>>) target_semaphore(%arg8 : memref<!tpu.dma_semaphore, #tpu.memory_space<semaphore_mem>>)
    %dma_wait3A_137 = arith.constant 1 : i32
    %dma_wait3A_138 = arith.constant 0 : i32
    %dma_wait3A_139 = arith.constant 0 : i32
    %dma_wait3A_140 = tpu.memref_slice %arg6[%dma_wait3A_137, %dma_wait3A_138, %dma_wait3A_139] : memref<2x16x1024xi32, #tpu.memory_space<vmem>> -> memref<1x16x1024xi32, #tpu.memory_space<vmem>>
    %dma_wait3A_141 = tpu.memref_squeeze %dma_wait3A_140 : memref<1x16x1024xi32, #tpu.memory_space<vmem>> -> memref<16x1024xi32, #tpu.memory_space<vmem>>
    %dma_wait3A_142 = arith.constant 0 : i32
    %dma_wait3A_143 = tpu.memref_slice %arg4[%add3A_69, %dma_wait3A_142] : memref<4096x1024xi32, #tpu.memory_space<hbm>> -> memref<16x1024xi32, #tpu.memory_space<hbm>>
    %dma_wait3A_144 = arith.constant 0 : i32
    %dma_wait3A_145 = tpu.memref_slice %arg4[%add3A_69, %dma_wait3A_144] : memref<4096x1024xi32, #tpu.memory_space<hbm>> -> memref<16x1024xi32, #tpu.memory_space<hbm>>
    %dma_wait3A_146 = arith.constant 0 : i32
    %dma_wait3A_147 = arith.constant 0 : i32
    %dma_wait3A_148 = tpu.memref_slice %arg6[%dma_wait3A_137, %dma_wait3A_146, %dma_wait3A_147] : memref<2x16x1024xi32, #tpu.memory_space<vmem>> -> memref<1x16x1024xi32, #tpu.memory_space<vmem>>
    %dma_wait3A_149 = tpu.memref_squeeze %dma_wait3A_148 : memref<1x16x1024xi32, #tpu.memory_space<vmem>> -> memref<16x1024xi32, #tpu.memory_space<vmem>>
    tpu.wait_dma2 semaphore(%arg8 : memref<!tpu.dma_semaphore, #tpu.memory_space<semaphore_mem>>) src(%dma_wait3A_149 : memref<16x1024xi32, #tpu.memory_space<vmem>>) dst(%dma_wait3A_145 : memref<16x1024xi32, #tpu.memory_space<hbm>>)
    %dma_start3A_150 = arith.constant 3 : i32
    %dma_start3A_151 = arith.constant 1 : i32
    %dma_start3A_152 = arith.constant 0 : i32
    %dma_start3A_153 = arith.constant 0 : i32
    %dma_start3A_154 = tpu.memref_slice %arg6[%dma_start3A_151, %dma_start3A_152, %dma_start3A_153] : memref<2x16x1024xi32, #tpu.memory_space<vmem>> -> memref<1x16x1024xi32, #tpu.memory_space<vmem>>
    %dma_start3A_155 = tpu.memref_squeeze %dma_start3A_154 : memref<1x16x1024xi32, #tpu.memory_space<vmem>> -> memref<16x1024xi32, #tpu.memory_space<vmem>>
    %dma_start3A_156 = arith.constant 0 : i32
    %dma_start3A_157 = tpu.memref_slice %arg5[%dma_start3A_150, %dma_start3A_156] : memref<8x16xi32, #tpu.memory_space<vmem>> -> memref<1x16xi32, #tpu.memory_space<vmem>>
    %dma_start3A_158 = tpu.memref_squeeze %dma_start3A_157 : memref<1x16xi32, #tpu.memory_space<vmem>> -> memref<16xi32, #tpu.memory_space<vmem>>
    %dma_start3A_159 = arith.constant 0 : i32
    %dma_start3A_160 = arith.constant 0 : i32
    %dma_start3A_161 = tpu.memref_slice %arg2[%dma_start3A_159, %dma_start3A_160] : memref<6144x1024xi32, #tpu.memory_space<hbm>> -> memref<6144x1024xi32, #tpu.memory_space<hbm>>
    tpu.enqueue_indirect_dma source(%dma_start3A_161 : memref<6144x1024xi32, #tpu.memory_space<hbm>>) target(%dma_start3A_155 : memref<16x1024xi32, #tpu.memory_space<vmem>>) offsets(%dma_start3A_158 : memref<16xi32, #tpu.memory_space<vmem>>) semaphore(%arg7 : memref<!tpu.dma_semaphore, #tpu.memory_space<semaphore_mem>>)
    %dma_wait3A_162 = arith.constant 3 : i32
    %dma_wait3A_163 = arith.constant 1 : i32
    %dma_wait3A_164 = arith.constant 0 : i32
    %dma_wait3A_165 = arith.constant 0 : i32
    %dma_wait3A_166 = tpu.memref_slice %arg6[%dma_wait3A_163, %dma_wait3A_164, %dma_wait3A_165] : memref<2x16x1024xi32, #tpu.memory_space<vmem>> -> memref<1x16x1024xi32, #tpu.memory_space<vmem>>
    %dma_wait3A_167 = tpu.memref_squeeze %dma_wait3A_166 : memref<1x16x1024xi32, #tpu.memory_space<vmem>> -> memref<16x1024xi32, #tpu.memory_space<vmem>>
    %dma_wait3A_168 = arith.constant 0 : i32
    %dma_wait3A_169 = tpu.memref_slice %arg5[%dma_wait3A_162, %dma_wait3A_168] : memref<8x16xi32, #tpu.memory_space<vmem>> -> memref<1x16xi32, #tpu.memory_space<vmem>>
    %dma_wait3A_170 = tpu.memref_squeeze %dma_wait3A_169 : memref<1x16xi32, #tpu.memory_space<vmem>> -> memref<16xi32, #tpu.memory_space<vmem>>
    %dma_wait3A_171 = arith.constant 0 : i32
    %dma_wait3A_172 = arith.constant 0 : i32
    %dma_wait3A_173 = tpu.memref_slice %arg2[%dma_wait3A_171, %dma_wait3A_172] : memref<6144x1024xi32, #tpu.memory_space<hbm>> -> memref<6144x1024xi32, #tpu.memory_space<hbm>>
    tpu.wait_indirect_dma semaphore(%arg7 : memref<!tpu.dma_semaphore, #tpu.memory_space<semaphore_mem>>) src(%dma_wait3A_173 : memref<6144x1024xi32, #tpu.memory_space<hbm>>) dst(%dma_wait3A_167 : memref<16x1024xi32, #tpu.memory_space<vmem>>)
    %mul3A_174 = arith.constant 128 : i32
    %mul3A_175 = arith.muli %add3A, %mul3A_174 : i32
    %add3A_176 = arith.constant 48 : i32
    %add3A_177 = arith.addi %mul3A_175, %add3A_176 : i32
    %dma_start3A_178 = arith.constant 1 : i32
    %dma_start3A_179 = arith.constant 0 : i32
    %dma_start3A_180 = arith.constant 0 : i32
    %dma_start3A_181 = tpu.memref_slice %arg6[%dma_start3A_178, %dma_start3A_179, %dma_start3A_180] : memref<2x16x1024xi32, #tpu.memory_space<vmem>> -> memref<1x16x1024xi32, #tpu.memory_space<vmem>>
    %dma_start3A_182 = tpu.memref_squeeze %dma_start3A_181 : memref<1x16x1024xi32, #tpu.memory_space<vmem>> -> memref<16x1024xi32, #tpu.memory_space<vmem>>
    %dma_start3A_183 = arith.constant 0 : i32
    %dma_start3A_184 = tpu.memref_slice %arg4[%add3A_177, %dma_start3A_183] : memref<4096x1024xi32, #tpu.memory_space<hbm>> -> memref<16x1024xi32, #tpu.memory_space<hbm>>
    %dma_start3A_185 = arith.constant 0 : i32
    %dma_start3A_186 = tpu.memref_slice %arg4[%add3A_177, %dma_start3A_185] : memref<4096x1024xi32, #tpu.memory_space<hbm>> -> memref<16x1024xi32, #tpu.memory_space<hbm>>
    %dma_start3A_187 = arith.constant 0 : i32
    %dma_start3A_188 = arith.constant 0 : i32
    %dma_start3A_189 = tpu.memref_slice %arg6[%dma_start3A_178, %dma_start3A_187, %dma_start3A_188] : memref<2x16x1024xi32, #tpu.memory_space<vmem>> -> memref<1x16x1024xi32, #tpu.memory_space<vmem>>
    %dma_start3A_190 = tpu.memref_squeeze %dma_start3A_189 : memref<1x16x1024xi32, #tpu.memory_space<vmem>> -> memref<16x1024xi32, #tpu.memory_space<vmem>>
    tpu.enqueue_dma source(%dma_start3A_190 : memref<16x1024xi32, #tpu.memory_space<vmem>>) target(%dma_start3A_186 : memref<16x1024xi32, #tpu.memory_space<hbm>>) target_semaphore(%arg8 : memref<!tpu.dma_semaphore, #tpu.memory_space<semaphore_mem>>)
    %dma_wait3A_191 = arith.constant 0 : i32
    %dma_wait3A_192 = arith.constant 0 : i32
    %dma_wait3A_193 = arith.constant 0 : i32
    %dma_wait3A_194 = tpu.memref_slice %arg6[%dma_wait3A_191, %dma_wait3A_192, %dma_wait3A_193] : memref<2x16x1024xi32, #tpu.memory_space<vmem>> -> memref<1x16x1024xi32, #tpu.memory_space<vmem>>
    %dma_wait3A_195 = tpu.memref_squeeze %dma_wait3A_194 : memref<1x16x1024xi32, #tpu.memory_space<vmem>> -> memref<16x1024xi32, #tpu.memory_space<vmem>>
    %dma_wait3A_196 = arith.constant 0 : i32
    %dma_wait3A_197 = tpu.memref_slice %arg4[%add3A_123, %dma_wait3A_196] : memref<4096x1024xi32, #tpu.memory_space<hbm>> -> memref<16x1024xi32, #tpu.memory_space<hbm>>
    %dma_wait3A_198 = arith.constant 0 : i32
    %dma_wait3A_199 = tpu.memref_slice %arg4[%add3A_123, %dma_wait3A_198] : memref<4096x1024xi32, #tpu.memory_space<hbm>> -> memref<16x1024xi32, #tpu.memory_space<hbm>>
    %dma_wait3A_200 = arith.constant 0 : i32
    %dma_wait3A_201 = arith.constant 0 : i32
    %dma_wait3A_202 = tpu.memref_slice %arg6[%dma_wait3A_191, %dma_wait3A_200, %dma_wait3A_201] : memref<2x16x1024xi32, #tpu.memory_space<vmem>> -> memref<1x16x1024xi32, #tpu.memory_space<vmem>>
    %dma_wait3A_203 = tpu.memref_squeeze %dma_wait3A_202 : memref<1x16x1024xi32, #tpu.memory_space<vmem>> -> memref<16x1024xi32, #tpu.memory_space<vmem>>
    tpu.wait_dma2 semaphore(%arg8 : memref<!tpu.dma_semaphore, #tpu.memory_space<semaphore_mem>>) src(%dma_wait3A_203 : memref<16x1024xi32, #tpu.memory_space<vmem>>) dst(%dma_wait3A_199 : memref<16x1024xi32, #tpu.memory_space<hbm>>)
    %dma_start3A_204 = arith.constant 4 : i32
    %dma_start3A_205 = arith.constant 0 : i32
    %dma_start3A_206 = arith.constant 0 : i32
    %dma_start3A_207 = arith.constant 0 : i32
    %dma_start3A_208 = tpu.memref_slice %arg6[%dma_start3A_205, %dma_start3A_206, %dma_start3A_207] : memref<2x16x1024xi32, #tpu.memory_space<vmem>> -> memref<1x16x1024xi32, #tpu.memory_space<vmem>>
    %dma_start3A_209 = tpu.memref_squeeze %dma_start3A_208 : memref<1x16x1024xi32, #tpu.memory_space<vmem>> -> memref<16x1024xi32, #tpu.memory_space<vmem>>
    %dma_start3A_210 = arith.constant 0 : i32
    %dma_start3A_211 = tpu.memref_slice %arg5[%dma_start3A_204, %dma_start3A_210] : memref<8x16xi32, #tpu.memory_space<vmem>> -> memref<1x16xi32, #tpu.memory_space<vmem>>
    %dma_start3A_212 = tpu.memref_squeeze %dma_start3A_211 : memref<1x16xi32, #tpu.memory_space<vmem>> -> memref<16xi32, #tpu.memory_space<vmem>>
    %dma_start3A_213 = arith.constant 0 : i32
    %dma_start3A_214 = arith.constant 0 : i32
    %dma_start3A_215 = tpu.memref_slice %arg2[%dma_start3A_213, %dma_start3A_214] : memref<6144x1024xi32, #tpu.memory_space<hbm>> -> memref<6144x1024xi32, #tpu.memory_space<hbm>>
    tpu.enqueue_indirect_dma source(%dma_start3A_215 : memref<6144x1024xi32, #tpu.memory_space<hbm>>) target(%dma_start3A_209 : memref<16x1024xi32, #tpu.memory_space<vmem>>) offsets(%dma_start3A_212 : memref<16xi32, #tpu.memory_space<vmem>>) semaphore(%arg7 : memref<!tpu.dma_semaphore, #tpu.memory_space<semaphore_mem>>)
    %dma_wait3A_216 = arith.constant 4 : i32
    %dma_wait3A_217 = arith.constant 0 : i32
    %dma_wait3A_218 = arith.constant 0 : i32
    %dma_wait3A_219 = arith.constant 0 : i32
    %dma_wait3A_220 = tpu.memref_slice %arg6[%dma_wait3A_217, %dma_wait3A_218, %dma_wait3A_219] : memref<2x16x1024xi32, #tpu.memory_space<vmem>> -> memref<1x16x1024xi32, #tpu.memory_space<vmem>>
    %dma_wait3A_221 = tpu.memref_squeeze %dma_wait3A_220 : memref<1x16x1024xi32, #tpu.memory_space<vmem>> -> memref<16x1024xi32, #tpu.memory_space<vmem>>
    %dma_wait3A_222 = arith.constant 0 : i32
    %dma_wait3A_223 = tpu.memref_slice %arg5[%dma_wait3A_216, %dma_wait3A_222] : memref<8x16xi32, #tpu.memory_space<vmem>> -> memref<1x16xi32, #tpu.memory_space<vmem>>
    %dma_wait3A_224 = tpu.memref_squeeze %dma_wait3A_223 : memref<1x16xi32, #tpu.memory_space<vmem>> -> memref<16xi32, #tpu.memory_space<vmem>>
    %dma_wait3A_225 = arith.constant 0 : i32
    %dma_wait3A_226 = arith.constant 0 : i32
    %dma_wait3A_227 = tpu.memref_slice %arg2[%dma_wait3A_225, %dma_wait3A_226] : memref<6144x1024xi32, #tpu.memory_space<hbm>> -> memref<6144x1024xi32, #tpu.memory_space<hbm>>
    tpu.wait_indirect_dma semaphore(%arg7 : memref<!tpu.dma_semaphore, #tpu.memory_space<semaphore_mem>>) src(%dma_wait3A_227 : memref<6144x1024xi32, #tpu.memory_space<hbm>>) dst(%dma_wait3A_221 : memref<16x1024xi32, #tpu.memory_space<vmem>>)
    %mul3A_228 = arith.constant 128 : i32
    %mul3A_229 = arith.muli %add3A, %mul3A_228 : i32
    %add3A_230 = arith.constant 64 : i32
    %add3A_231 = arith.addi %mul3A_229, %add3A_230 : i32
    %dma_start3A_232 = arith.constant 0 : i32
    %dma_start3A_233 = arith.constant 0 : i32
    %dma_start3A_234 = arith.constant 0 : i32
    %dma_start3A_235 = tpu.memref_slice %arg6[%dma_start3A_232, %dma_start3A_233, %dma_start3A_234] : memref<2x16x1024xi32, #tpu.memory_space<vmem>> -> memref<1x16x1024xi32, #tpu.memory_space<vmem>>
    %dma_start3A_236 = tpu.memref_squeeze %dma_start3A_235 : memref<1x16x1024xi32, #tpu.memory_space<vmem>> -> memref<16x1024xi32, #tpu.memory_space<vmem>>
    %dma_start3A_237 = arith.constant 0 : i32
    %dma_start3A_238 = tpu.memref_slice %arg4[%add3A_231, %dma_start3A_237] : memref<4096x1024xi32, #tpu.memory_space<hbm>> -> memref<16x1024xi32, #tpu.memory_space<hbm>>
    %dma_start3A_239 = arith.constant 0 : i32
    %dma_start3A_240 = tpu.memref_slice %arg4[%add3A_231, %dma_start3A_239] : memref<4096x1024xi32, #tpu.memory_space<hbm>> -> memref<16x1024xi32, #tpu.memory_space<hbm>>
    %dma_start3A_241 = arith.constant 0 : i32
    %dma_start3A_242 = arith.constant 0 : i32
    %dma_start3A_243 = tpu.memref_slice %arg6[%dma_start3A_232, %dma_start3A_241, %dma_start3A_242] : memref<2x16x1024xi32, #tpu.memory_space<vmem>> -> memref<1x16x1024xi32, #tpu.memory_space<vmem>>
    %dma_start3A_244 = tpu.memref_squeeze %dma_start3A_243 : memref<1x16x1024xi32, #tpu.memory_space<vmem>> -> memref<16x1024xi32, #tpu.memory_space<vmem>>
    tpu.enqueue_dma source(%dma_start3A_244 : memref<16x1024xi32, #tpu.memory_space<vmem>>) target(%dma_start3A_240 : memref<16x1024xi32, #tpu.memory_space<hbm>>) target_semaphore(%arg8 : memref<!tpu.dma_semaphore, #tpu.memory_space<semaphore_mem>>)
    %dma_wait3A_245 = arith.constant 1 : i32
    %dma_wait3A_246 = arith.constant 0 : i32
    %dma_wait3A_247 = arith.constant 0 : i32
    %dma_wait3A_248 = tpu.memref_slice %arg6[%dma_wait3A_245, %dma_wait3A_246, %dma_wait3A_247] : memref<2x16x1024xi32, #tpu.memory_space<vmem>> -> memref<1x16x1024xi32, #tpu.memory_space<vmem>>
    %dma_wait3A_249 = tpu.memref_squeeze %dma_wait3A_248 : memref<1x16x1024xi32, #tpu.memory_space<vmem>> -> memref<16x1024xi32, #tpu.memory_space<vmem>>
    %dma_wait3A_250 = arith.constant 0 : i32
    %dma_wait3A_251 = tpu.memref_slice %arg4[%add3A_177, %dma_wait3A_250] : memref<4096x1024xi32, #tpu.memory_space<hbm>> -> memref<16x1024xi32, #tpu.memory_space<hbm>>
    %dma_wait3A_252 = arith.constant 0 : i32
    %dma_wait3A_253 = tpu.memref_slice %arg4[%add3A_177, %dma_wait3A_252] : memref<4096x1024xi32, #tpu.memory_space<hbm>> -> memref<16x1024xi32, #tpu.memory_space<hbm>>
    %dma_wait3A_254 = arith.constant 0 : i32
    %dma_wait3A_255 = arith.constant 0 : i32
    %dma_wait3A_256 = tpu.memref_slice %arg6[%dma_wait3A_245, %dma_wait3A_254, %dma_wait3A_255] : memref<2x16x1024xi32, #tpu.memory_space<vmem>> -> memref<1x16x1024xi32, #tpu.memory_space<vmem>>
    %dma_wait3A_257 = tpu.memref_squeeze %dma_wait3A_256 : memref<1x16x1024xi32, #tpu.memory_space<vmem>> -> memref<16x1024xi32, #tpu.memory_space<vmem>>
    tpu.wait_dma2 semaphore(%arg8 : memref<!tpu.dma_semaphore, #tpu.memory_space<semaphore_mem>>) src(%dma_wait3A_257 : memref<16x1024xi32, #tpu.memory_space<vmem>>) dst(%dma_wait3A_253 : memref<16x1024xi32, #tpu.memory_space<hbm>>)
    %dma_start3A_258 = arith.constant 5 : i32
    %dma_start3A_259 = arith.constant 1 : i32
    %dma_start3A_260 = arith.constant 0 : i32
    %dma_start3A_261 = arith.constant 0 : i32
    %dma_start3A_262 = tpu.memref_slice %arg6[%dma_start3A_259, %dma_start3A_260, %dma_start3A_261] : memref<2x16x1024xi32, #tpu.memory_space<vmem>> -> memref<1x16x1024xi32, #tpu.memory_space<vmem>>
    %dma_start3A_263 = tpu.memref_squeeze %dma_start3A_262 : memref<1x16x1024xi32, #tpu.memory_space<vmem>> -> memref<16x1024xi32, #tpu.memory_space<vmem>>
    %dma_start3A_264 = arith.constant 0 : i32
    %dma_start3A_265 = tpu.memref_slice %arg5[%dma_start3A_258, %dma_start3A_264] : memref<8x16xi32, #tpu.memory_space<vmem>> -> memref<1x16xi32, #tpu.memory_space<vmem>>
    %dma_start3A_266 = tpu.memref_squeeze %dma_start3A_265 : memref<1x16xi32, #tpu.memory_space<vmem>> -> memref<16xi32, #tpu.memory_space<vmem>>
    %dma_start3A_267 = arith.constant 0 : i32
    %dma_start3A_268 = arith.constant 0 : i32
    %dma_start3A_269 = tpu.memref_slice %arg2[%dma_start3A_267, %dma_start3A_268] : memref<6144x1024xi32, #tpu.memory_space<hbm>> -> memref<6144x1024xi32, #tpu.memory_space<hbm>>
    tpu.enqueue_indirect_dma source(%dma_start3A_269 : memref<6144x1024xi32, #tpu.memory_space<hbm>>) target(%dma_start3A_263 : memref<16x1024xi32, #tpu.memory_space<vmem>>) offsets(%dma_start3A_266 : memref<16xi32, #tpu.memory_space<vmem>>) semaphore(%arg7 : memref<!tpu.dma_semaphore, #tpu.memory_space<semaphore_mem>>)
    %dma_wait3A_270 = arith.constant 5 : i32
    %dma_wait3A_271 = arith.constant 1 : i32
    %dma_wait3A_272 = arith.constant 0 : i32
    %dma_wait3A_273 = arith.constant 0 : i32
    %dma_wait3A_274 = tpu.memref_slice %arg6[%dma_wait3A_271, %dma_wait3A_272, %dma_wait3A_273] : memref<2x16x1024xi32, #tpu.memory_space<vmem>> -> memref<1x16x1024xi32, #tpu.memory_space<vmem>>
    %dma_wait3A_275 = tpu.memref_squeeze %dma_wait3A_274 : memref<1x16x1024xi32, #tpu.memory_space<vmem>> -> memref<16x1024xi32, #tpu.memory_space<vmem>>
    %dma_wait3A_276 = arith.constant 0 : i32
    %dma_wait3A_277 = tpu.memref_slice %arg5[%dma_wait3A_270, %dma_wait3A_276] : memref<8x16xi32, #tpu.memory_space<vmem>> -> memref<1x16xi32, #tpu.memory_space<vmem>>
    %dma_wait3A_278 = tpu.memref_squeeze %dma_wait3A_277 : memref<1x16xi32, #tpu.memory_space<vmem>> -> memref<16xi32, #tpu.memory_space<vmem>>
    %dma_wait3A_279 = arith.constant 0 : i32
    %dma_wait3A_280 = arith.constant 0 : i32
    %dma_wait3A_281 = tpu.memref_slice %arg2[%dma_wait3A_279, %dma_wait3A_280] : memref<6144x1024xi32, #tpu.memory_space<hbm>> -> memref<6144x1024xi32, #tpu.memory_space<hbm>>
    tpu.wait_indirect_dma semaphore(%arg7 : memref<!tpu.dma_semaphore, #tpu.memory_space<semaphore_mem>>) src(%dma_wait3A_281 : memref<6144x1024xi32, #tpu.memory_space<hbm>>) dst(%dma_wait3A_275 : memref<16x1024xi32, #tpu.memory_space<vmem>>)
    %mul3A_282 = arith.constant 128 : i32
    %mul3A_283 = arith.muli %add3A, %mul3A_282 : i32
    %add3A_284 = arith.constant 80 : i32
    %add3A_285 = arith.addi %mul3A_283, %add3A_284 : i32
    %dma_start3A_286 = arith.constant 1 : i32
    %dma_start3A_287 = arith.constant 0 : i32
    %dma_start3A_288 = arith.constant 0 : i32
    %dma_start3A_289 = tpu.memref_slice %arg6[%dma_start3A_286, %dma_start3A_287, %dma_start3A_288] : memref<2x16x1024xi32, #tpu.memory_space<vmem>> -> memref<1x16x1024xi32, #tpu.memory_space<vmem>>
    %dma_start3A_290 = tpu.memref_squeeze %dma_start3A_289 : memref<1x16x1024xi32, #tpu.memory_space<vmem>> -> memref<16x1024xi32, #tpu.memory_space<vmem>>
    %dma_start3A_291 = arith.constant 0 : i32
    %dma_start3A_292 = tpu.memref_slice %arg4[%add3A_285, %dma_start3A_291] : memref<4096x1024xi32, #tpu.memory_space<hbm>> -> memref<16x1024xi32, #tpu.memory_space<hbm>>
    %dma_start3A_293 = arith.constant 0 : i32
    %dma_start3A_294 = tpu.memref_slice %arg4[%add3A_285, %dma_start3A_293] : memref<4096x1024xi32, #tpu.memory_space<hbm>> -> memref<16x1024xi32, #tpu.memory_space<hbm>>
    %dma_start3A_295 = arith.constant 0 : i32
    %dma_start3A_296 = arith.constant 0 : i32
    %dma_start3A_297 = tpu.memref_slice %arg6[%dma_start3A_286, %dma_start3A_295, %dma_start3A_296] : memref<2x16x1024xi32, #tpu.memory_space<vmem>> -> memref<1x16x1024xi32, #tpu.memory_space<vmem>>
    %dma_start3A_298 = tpu.memref_squeeze %dma_start3A_297 : memref<1x16x1024xi32, #tpu.memory_space<vmem>> -> memref<16x1024xi32, #tpu.memory_space<vmem>>
    tpu.enqueue_dma source(%dma_start3A_298 : memref<16x1024xi32, #tpu.memory_space<vmem>>) target(%dma_start3A_294 : memref<16x1024xi32, #tpu.memory_space<hbm>>) target_semaphore(%arg8 : memref<!tpu.dma_semaphore, #tpu.memory_space<semaphore_mem>>)
    %dma_wait3A_299 = arith.constant 0 : i32
    %dma_wait3A_300 = arith.constant 0 : i32
    %dma_wait3A_301 = arith.constant 0 : i32
    %dma_wait3A_302 = tpu.memref_slice %arg6[%dma_wait3A_299, %dma_wait3A_300, %dma_wait3A_301] : memref<2x16x1024xi32, #tpu.memory_space<vmem>> -> memref<1x16x1024xi32, #tpu.memory_space<vmem>>
    %dma_wait3A_303 = tpu.memref_squeeze %dma_wait3A_302 : memref<1x16x1024xi32, #tpu.memory_space<vmem>> -> memref<16x1024xi32, #tpu.memory_space<vmem>>
    %dma_wait3A_304 = arith.constant 0 : i32
    %dma_wait3A_305 = tpu.memref_slice %arg4[%add3A_231, %dma_wait3A_304] : memref<4096x1024xi32, #tpu.memory_space<hbm>> -> memref<16x1024xi32, #tpu.memory_space<hbm>>
    %dma_wait3A_306 = arith.constant 0 : i32
    %dma_wait3A_307 = tpu.memref_slice %arg4[%add3A_231, %dma_wait3A_306] : memref<4096x1024xi32, #tpu.memory_space<hbm>> -> memref<16x1024xi32, #tpu.memory_space<hbm>>
    %dma_wait3A_308 = arith.constant 0 : i32
    %dma_wait3A_309 = arith.constant 0 : i32
    %dma_wait3A_310 = tpu.memref_slice %arg6[%dma_wait3A_299, %dma_wait3A_308, %dma_wait3A_309] : memref<2x16x1024xi32, #tpu.memory_space<vmem>> -> memref<1x16x1024xi32, #tpu.memory_space<vmem>>
    %dma_wait3A_311 = tpu.memref_squeeze %dma_wait3A_310 : memref<1x16x1024xi32, #tpu.memory_space<vmem>> -> memref<16x1024xi32, #tpu.memory_space<vmem>>
    tpu.wait_dma2 semaphore(%arg8 : memref<!tpu.dma_semaphore, #tpu.memory_space<semaphore_mem>>) src(%dma_wait3A_311 : memref<16x1024xi32, #tpu.memory_space<vmem>>) dst(%dma_wait3A_307 : memref<16x1024xi32, #tpu.memory_space<hbm>>)
    %dma_start3A_312 = arith.constant 6 : i32
    %dma_start3A_313 = arith.constant 0 : i32
    %dma_start3A_314 = arith.constant 0 : i32
    %dma_start3A_315 = arith.constant 0 : i32
    %dma_start3A_316 = tpu.memref_slice %arg6[%dma_start3A_313, %dma_start3A_314, %dma_start3A_315] : memref<2x16x1024xi32, #tpu.memory_space<vmem>> -> memref<1x16x1024xi32, #tpu.memory_space<vmem>>
    %dma_start3A_317 = tpu.memref_squeeze %dma_start3A_316 : memref<1x16x1024xi32, #tpu.memory_space<vmem>> -> memref<16x1024xi32, #tpu.memory_space<vmem>>
    %dma_start3A_318 = arith.constant 0 : i32
    %dma_start3A_319 = tpu.memref_slice %arg5[%dma_start3A_312, %dma_start3A_318] : memref<8x16xi32, #tpu.memory_space<vmem>> -> memref<1x16xi32, #tpu.memory_space<vmem>>
    %dma_start3A_320 = tpu.memref_squeeze %dma_start3A_319 : memref<1x16xi32, #tpu.memory_space<vmem>> -> memref<16xi32, #tpu.memory_space<vmem>>
    %dma_start3A_321 = arith.constant 0 : i32
    %dma_start3A_322 = arith.constant 0 : i32
    %dma_start3A_323 = tpu.memref_slice %arg2[%dma_start3A_321, %dma_start3A_322] : memref<6144x1024xi32, #tpu.memory_space<hbm>> -> memref<6144x1024xi32, #tpu.memory_space<hbm>>
    tpu.enqueue_indirect_dma source(%dma_start3A_323 : memref<6144x1024xi32, #tpu.memory_space<hbm>>) target(%dma_start3A_317 : memref<16x1024xi32, #tpu.memory_space<vmem>>) offsets(%dma_start3A_320 : memref<16xi32, #tpu.memory_space<vmem>>) semaphore(%arg7 : memref<!tpu.dma_semaphore, #tpu.memory_space<semaphore_mem>>)
    %dma_wait3A_324 = arith.constant 6 : i32
    %dma_wait3A_325 = arith.constant 0 : i32
    %dma_wait3A_326 = arith.constant 0 : i32
    %dma_wait3A_327 = arith.constant 0 : i32
    %dma_wait3A_328 = tpu.memref_slice %arg6[%dma_wait3A_325, %dma_wait3A_326, %dma_wait3A_327] : memref<2x16x1024xi32, #tpu.memory_space<vmem>> -> memref<1x16x1024xi32, #tpu.memory_space<vmem>>
    %dma_wait3A_329 = tpu.memref_squeeze %dma_wait3A_328 : memref<1x16x1024xi32, #tpu.memory_space<vmem>> -> memref<16x1024xi32, #tpu.memory_space<vmem>>
    %dma_wait3A_330 = arith.constant 0 : i32
    %dma_wait3A_331 = tpu.memref_slice %arg5[%dma_wait3A_324, %dma_wait3A_330] : memref<8x16xi32, #tpu.memory_space<vmem>> -> memref<1x16xi32, #tpu.memory_space<vmem>>
    %dma_wait3A_332 = tpu.memref_squeeze %dma_wait3A_331 : memref<1x16xi32, #tpu.memory_space<vmem>> -> memref<16xi32, #tpu.memory_space<vmem>>
    %dma_wait3A_333 = arith.constant 0 : i32
    %dma_wait3A_334 = arith.constant 0 : i32
    %dma_wait3A_335 = tpu.memref_slice %arg2[%dma_wait3A_333, %dma_wait3A_334] : memref<6144x1024xi32, #tpu.memory_space<hbm>> -> memref<6144x1024xi32, #tpu.memory_space<hbm>>
    tpu.wait_indirect_dma semaphore(%arg7 : memref<!tpu.dma_semaphore, #tpu.memory_space<semaphore_mem>>) src(%dma_wait3A_335 : memref<6144x1024xi32, #tpu.memory_space<hbm>>) dst(%dma_wait3A_329 : memref<16x1024xi32, #tpu.memory_space<vmem>>)
    %mul3A_336 = arith.constant 128 : i32
    %mul3A_337 = arith.muli %add3A, %mul3A_336 : i32
    %add3A_338 = arith.constant 96 : i32
    %add3A_339 = arith.addi %mul3A_337, %add3A_338 : i32
    %dma_start3A_340 = arith.constant 0 : i32
    %dma_start3A_341 = arith.constant 0 : i32
    %dma_start3A_342 = arith.constant 0 : i32
    %dma_start3A_343 = tpu.memref_slice %arg6[%dma_start3A_340, %dma_start3A_341, %dma_start3A_342] : memref<2x16x1024xi32, #tpu.memory_space<vmem>> -> memref<1x16x1024xi32, #tpu.memory_space<vmem>>
    %dma_start3A_344 = tpu.memref_squeeze %dma_start3A_343 : memref<1x16x1024xi32, #tpu.memory_space<vmem>> -> memref<16x1024xi32, #tpu.memory_space<vmem>>
    %dma_start3A_345 = arith.constant 0 : i32
    %dma_start3A_346 = tpu.memref_slice %arg4[%add3A_339, %dma_start3A_345] : memref<4096x1024xi32, #tpu.memory_space<hbm>> -> memref<16x1024xi32, #tpu.memory_space<hbm>>
    %dma_start3A_347 = arith.constant 0 : i32
    %dma_start3A_348 = tpu.memref_slice %arg4[%add3A_339, %dma_start3A_347] : memref<4096x1024xi32, #tpu.memory_space<hbm>> -> memref<16x1024xi32, #tpu.memory_space<hbm>>
    %dma_start3A_349 = arith.constant 0 : i32
    %dma_start3A_350 = arith.constant 0 : i32
    %dma_start3A_351 = tpu.memref_slice %arg6[%dma_start3A_340, %dma_start3A_349, %dma_start3A_350] : memref<2x16x1024xi32, #tpu.memory_space<vmem>> -> memref<1x16x1024xi32, #tpu.memory_space<vmem>>
    %dma_start3A_352 = tpu.memref_squeeze %dma_start3A_351 : memref<1x16x1024xi32, #tpu.memory_space<vmem>> -> memref<16x1024xi32, #tpu.memory_space<vmem>>
    tpu.enqueue_dma source(%dma_start3A_352 : memref<16x1024xi32, #tpu.memory_space<vmem>>) target(%dma_start3A_348 : memref<16x1024xi32, #tpu.memory_space<hbm>>) target_semaphore(%arg8 : memref<!tpu.dma_semaphore, #tpu.memory_space<semaphore_mem>>)
    %dma_wait3A_353 = arith.constant 1 : i32
    %dma_wait3A_354 = arith.constant 0 : i32
    %dma_wait3A_355 = arith.constant 0 : i32
    %dma_wait3A_356 = tpu.memref_slice %arg6[%dma_wait3A_353, %dma_wait3A_354, %dma_wait3A_355] : memref<2x16x1024xi32, #tpu.memory_space<vmem>> -> memref<1x16x1024xi32, #tpu.memory_space<vmem>>
    %dma_wait3A_357 = tpu.memref_squeeze %dma_wait3A_356 : memref<1x16x1024xi32, #tpu.memory_space<vmem>> -> memref<16x1024xi32, #tpu.memory_space<vmem>>
    %dma_wait3A_358 = arith.constant 0 : i32
    %dma_wait3A_359 = tpu.memref_slice %arg4[%add3A_285, %dma_wait3A_358] : memref<4096x1024xi32, #tpu.memory_space<hbm>> -> memref<16x1024xi32, #tpu.memory_space<hbm>>
    %dma_wait3A_360 = arith.constant 0 : i32
    %dma_wait3A_361 = tpu.memref_slice %arg4[%add3A_285, %dma_wait3A_360] : memref<4096x1024xi32, #tpu.memory_space<hbm>> -> memref<16x1024xi32, #tpu.memory_space<hbm>>
    %dma_wait3A_362 = arith.constant 0 : i32
    %dma_wait3A_363 = arith.constant 0 : i32
    %dma_wait3A_364 = tpu.memref_slice %arg6[%dma_wait3A_353, %dma_wait3A_362, %dma_wait3A_363] : memref<2x16x1024xi32, #tpu.memory_space<vmem>> -> memref<1x16x1024xi32, #tpu.memory_space<vmem>>
    %dma_wait3A_365 = tpu.memref_squeeze %dma_wait3A_364 : memref<1x16x1024xi32, #tpu.memory_space<vmem>> -> memref<16x1024xi32, #tpu.memory_space<vmem>>
    tpu.wait_dma2 semaphore(%arg8 : memref<!tpu.dma_semaphore, #tpu.memory_space<semaphore_mem>>) src(%dma_wait3A_365 : memref<16x1024xi32, #tpu.memory_space<vmem>>) dst(%dma_wait3A_361 : memref<16x1024xi32, #tpu.memory_space<hbm>>)
    %dma_start3A_366 = arith.constant 7 : i32
    %dma_start3A_367 = arith.constant 1 : i32
    %dma_start3A_368 = arith.constant 0 : i32
    %dma_start3A_369 = arith.constant 0 : i32
    %dma_start3A_370 = tpu.memref_slice %arg6[%dma_start3A_367, %dma_start3A_368, %dma_start3A_369] : memref<2x16x1024xi32, #tpu.memory_space<vmem>> -> memref<1x16x1024xi32, #tpu.memory_space<vmem>>
    %dma_start3A_371 = tpu.memref_squeeze %dma_start3A_370 : memref<1x16x1024xi32, #tpu.memory_space<vmem>> -> memref<16x1024xi32, #tpu.memory_space<vmem>>
    %dma_start3A_372 = arith.constant 0 : i32
    %dma_start3A_373 = tpu.memref_slice %arg5[%dma_start3A_366, %dma_start3A_372] : memref<8x16xi32, #tpu.memory_space<vmem>> -> memref<1x16xi32, #tpu.memory_space<vmem>>
    %dma_start3A_374 = tpu.memref_squeeze %dma_start3A_373 : memref<1x16xi32, #tpu.memory_space<vmem>> -> memref<16xi32, #tpu.memory_space<vmem>>
    %dma_start3A_375 = arith.constant 0 : i32
    %dma_start3A_376 = arith.constant 0 : i32
    %dma_start3A_377 = tpu.memref_slice %arg2[%dma_start3A_375, %dma_start3A_376] : memref<6144x1024xi32, #tpu.memory_space<hbm>> -> memref<6144x1024xi32, #tpu.memory_space<hbm>>
    tpu.enqueue_indirect_dma source(%dma_start3A_377 : memref<6144x1024xi32, #tpu.memory_space<hbm>>) target(%dma_start3A_371 : memref<16x1024xi32, #tpu.memory_space<vmem>>) offsets(%dma_start3A_374 : memref<16xi32, #tpu.memory_space<vmem>>) semaphore(%arg7 : memref<!tpu.dma_semaphore, #tpu.memory_space<semaphore_mem>>)
    %dma_wait3A_378 = arith.constant 7 : i32
    %dma_wait3A_379 = arith.constant 1 : i32
    %dma_wait3A_380 = arith.constant 0 : i32
    %dma_wait3A_381 = arith.constant 0 : i32
    %dma_wait3A_382 = tpu.memref_slice %arg6[%dma_wait3A_379, %dma_wait3A_380, %dma_wait3A_381] : memref<2x16x1024xi32, #tpu.memory_space<vmem>> -> memref<1x16x1024xi32, #tpu.memory_space<vmem>>
    %dma_wait3A_383 = tpu.memref_squeeze %dma_wait3A_382 : memref<1x16x1024xi32, #tpu.memory_space<vmem>> -> memref<16x1024xi32, #tpu.memory_space<vmem>>
    %dma_wait3A_384 = arith.constant 0 : i32
    %dma_wait3A_385 = tpu.memref_slice %arg5[%dma_wait3A_378, %dma_wait3A_384] : memref<8x16xi32, #tpu.memory_space<vmem>> -> memref<1x16xi32, #tpu.memory_space<vmem>>
    %dma_wait3A_386 = tpu.memref_squeeze %dma_wait3A_385 : memref<1x16xi32, #tpu.memory_space<vmem>> -> memref<16xi32, #tpu.memory_space<vmem>>
    %dma_wait3A_387 = arith.constant 0 : i32
    %dma_wait3A_388 = arith.constant 0 : i32
    %dma_wait3A_389 = tpu.memref_slice %arg2[%dma_wait3A_387, %dma_wait3A_388] : memref<6144x1024xi32, #tpu.memory_space<hbm>> -> memref<6144x1024xi32, #tpu.memory_space<hbm>>
    tpu.wait_indirect_dma semaphore(%arg7 : memref<!tpu.dma_semaphore, #tpu.memory_space<semaphore_mem>>) src(%dma_wait3A_389 : memref<6144x1024xi32, #tpu.memory_space<hbm>>) dst(%dma_wait3A_383 : memref<16x1024xi32, #tpu.memory_space<vmem>>)
    %mul3A_390 = arith.constant 128 : i32
    %mul3A_391 = arith.muli %add3A, %mul3A_390 : i32
    %add3A_392 = arith.constant 112 : i32
    %add3A_393 = arith.addi %mul3A_391, %add3A_392 : i32
    %dma_start3A_394 = arith.constant 1 : i32
    %dma_start3A_395 = arith.constant 0 : i32
    %dma_start3A_396 = arith.constant 0 : i32
    %dma_start3A_397 = tpu.memref_slice %arg6[%dma_start3A_394, %dma_start3A_395, %dma_start3A_396] : memref<2x16x1024xi32, #tpu.memory_space<vmem>> -> memref<1x16x1024xi32, #tpu.memory_space<vmem>>
    %dma_start3A_398 = tpu.memref_squeeze %dma_start3A_397 : memref<1x16x1024xi32, #tpu.memory_space<vmem>> -> memref<16x1024xi32, #tpu.memory_space<vmem>>
    %dma_start3A_399 = arith.constant 0 : i32
    %dma_start3A_400 = tpu.memref_slice %arg4[%add3A_393, %dma_start3A_399] : memref<4096x1024xi32, #tpu.memory_space<hbm>> -> memref<16x1024xi32, #tpu.memory_space<hbm>>
    %dma_start3A_401 = arith.constant 0 : i32
    %dma_start3A_402 = tpu.memref_slice %arg4[%add3A_393, %dma_start3A_401] : memref<4096x1024xi32, #tpu.memory_space<hbm>> -> memref<16x1024xi32, #tpu.memory_space<hbm>>
    %dma_start3A_403 = arith.constant 0 : i32
    %dma_start3A_404 = arith.constant 0 : i32
    %dma_start3A_405 = tpu.memref_slice %arg6[%dma_start3A_394, %dma_start3A_403, %dma_start3A_404] : memref<2x16x1024xi32, #tpu.memory_space<vmem>> -> memref<1x16x1024xi32, #tpu.memory_space<vmem>>
    %dma_start3A_406 = tpu.memref_squeeze %dma_start3A_405 : memref<1x16x1024xi32, #tpu.memory_space<vmem>> -> memref<16x1024xi32, #tpu.memory_space<vmem>>
    tpu.enqueue_dma source(%dma_start3A_406 : memref<16x1024xi32, #tpu.memory_space<vmem>>) target(%dma_start3A_402 : memref<16x1024xi32, #tpu.memory_space<hbm>>) target_semaphore(%arg8 : memref<!tpu.dma_semaphore, #tpu.memory_space<semaphore_mem>>)
    %dma_wait3A_407 = arith.constant 0 : i32
    %dma_wait3A_408 = arith.constant 0 : i32
    %dma_wait3A_409 = arith.constant 0 : i32
    %dma_wait3A_410 = tpu.memref_slice %arg6[%dma_wait3A_407, %dma_wait3A_408, %dma_wait3A_409] : memref<2x16x1024xi32, #tpu.memory_space<vmem>> -> memref<1x16x1024xi32, #tpu.memory_space<vmem>>
    %dma_wait3A_411 = tpu.memref_squeeze %dma_wait3A_410 : memref<1x16x1024xi32, #tpu.memory_space<vmem>> -> memref<16x1024xi32, #tpu.memory_space<vmem>>
    %dma_wait3A_412 = arith.constant 0 : i32
    %dma_wait3A_413 = tpu.memref_slice %arg4[%add3A_339, %dma_wait3A_412] : memref<4096x1024xi32, #tpu.memory_space<hbm>> -> memref<16x1024xi32, #tpu.memory_space<hbm>>
    %dma_wait3A_414 = arith.constant 0 : i32
    %dma_wait3A_415 = tpu.memref_slice %arg4[%add3A_339, %dma_wait3A_414] : memref<4096x1024xi32, #tpu.memory_space<hbm>> -> memref<16x1024xi32, #tpu.memory_space<hbm>>
    %dma_wait3A_416 = arith.constant 0 : i32
    %dma_wait3A_417 = arith.constant 0 : i32
    %dma_wait3A_418 = tpu.memref_slice %arg6[%dma_wait3A_407, %dma_wait3A_416, %dma_wait3A_417] : memref<2x16x1024xi32, #tpu.memory_space<vmem>> -> memref<1x16x1024xi32, #tpu.memory_space<vmem>>
    %dma_wait3A_419 = tpu.memref_squeeze %dma_wait3A_418 : memref<1x16x1024xi32, #tpu.memory_space<vmem>> -> memref<16x1024xi32, #tpu.memory_space<vmem>>
    tpu.wait_dma2 semaphore(%arg8 : memref<!tpu.dma_semaphore, #tpu.memory_space<semaphore_mem>>) src(%dma_wait3A_419 : memref<16x1024xi32, #tpu.memory_space<vmem>>) dst(%dma_wait3A_415 : memref<16x1024xi32, #tpu.memory_space<hbm>>)
    %dma_wait3A_420 = arith.constant 1 : i32
    %dma_wait3A_421 = arith.constant 0 : i32
    %dma_wait3A_422 = arith.constant 0 : i32
    %dma_wait3A_423 = tpu.memref_slice %arg6[%dma_wait3A_420, %dma_wait3A_421, %dma_wait3A_422] : memref<2x16x1024xi32, #tpu.memory_space<vmem>> -> memref<1x16x1024xi32, #tpu.memory_space<vmem>>
    %dma_wait3A_424 = tpu.memref_squeeze %dma_wait3A_423 : memref<1x16x1024xi32, #tpu.memory_space<vmem>> -> memref<16x1024xi32, #tpu.memory_space<vmem>>
    %dma_wait3A_425 = arith.constant 0 : i32
    %dma_wait3A_426 = tpu.memref_slice %arg4[%add3A_393, %dma_wait3A_425] : memref<4096x1024xi32, #tpu.memory_space<hbm>> -> memref<16x1024xi32, #tpu.memory_space<hbm>>
    %dma_wait3A_427 = arith.constant 0 : i32
    %dma_wait3A_428 = tpu.memref_slice %arg4[%add3A_393, %dma_wait3A_427] : memref<4096x1024xi32, #tpu.memory_space<hbm>> -> memref<16x1024xi32, #tpu.memory_space<hbm>>
    %dma_wait3A_429 = arith.constant 0 : i32
    %dma_wait3A_430 = arith.constant 0 : i32
    %dma_wait3A_431 = tpu.memref_slice %arg6[%dma_wait3A_420, %dma_wait3A_429, %dma_wait3A_430] : memref<2x16x1024xi32, #tpu.memory_space<vmem>> -> memref<1x16x1024xi32, #tpu.memory_space<vmem>>
    %dma_wait3A_432 = tpu.memref_squeeze %dma_wait3A_431 : memref<1x16x1024xi32, #tpu.memory_space<vmem>> -> memref<16x1024xi32, #tpu.memory_space<vmem>>
    tpu.wait_dma2 semaphore(%arg8 : memref<!tpu.dma_semaphore, #tpu.memory_space<semaphore_mem>>) src(%dma_wait3A_432 : memref<16x1024xi32, #tpu.memory_space<vmem>>) dst(%dma_wait3A_428 : memref<16x1024xi32, #tpu.memory_space<hbm>>)
    return
  }
}

#map = affine_map<(d0, d1) -> (0, 0)>
#map1 = affine_map<(d0, d1) -> (0, 0, 0)>
module attributes {stable_mosaic.version = 14 : i64} {
  func.func @k(%arg0: i32, %arg1: i32, %arg2: memref<2048x1024xi32, #tpu.memory_space<hbm>>, %arg3: memref<32x8x16xi32, #tpu.memory_space<hbm>>, %arg4: memref<6144x1024xi32, #tpu.memory_space<hbm>>, %arg5: memref<8x16xi32, #tpu.memory_space<vmem>>, %arg6: memref<2x16x1024xi32, #tpu.memory_space<vmem>>, %arg7: memref<!tpu.dma_semaphore, #tpu.memory_space<semaphore_mem>>, %arg8: memref<!tpu.dma_semaphore, #tpu.memory_space<semaphore_mem>>) attributes {dimension_semantics = [#tpu.dimension_semantics<core_parallel>, #tpu.dimension_semantics<subcore_parallel>], iteration_bounds = array<i64: 2, 16>, scalar_prefetch = 0 : i64, scratch_operands = 4 : i64, tpu.core_type = #tpu.core_type<sc_vector_subcore>, window_params = [{transform_indices = #map}, {transform_indices = #map1}, {transform_indices = #map}]} {
    %mul3A = arith.constant 2 : i32
    %mul3A_0 = arith.muli %arg1, %mul3A : i32
    %add3A = arith.addi %mul3A_0, %arg0 : i32
    "tpu.region"() ({
      %run_scoped3A = tpu.sem_alloc : memref<!tpu.dma_semaphore, #tpu.memory_space<semaphore_mem>>
      %dma_start3A_305 = arith.constant 0 : i32
      %dma_start3A_306 = arith.constant 0 : i32
      %dma_start3A_307 = tpu.memref_slice %arg3[%add3A, %dma_start3A_305, %dma_start3A_306] : memref<32x8x16xi32, #tpu.memory_space<hbm>> -> memref<1x8x16xi32, #tpu.memory_space<hbm>>
      %dma_start3A_308 = tpu.memref_squeeze %dma_start3A_307 : memref<1x8x16xi32, #tpu.memory_space<hbm>> -> memref<8x16xi32, #tpu.memory_space<hbm>>
      %dma_start3A_309 = arith.constant 0 : i32
      %dma_start3A_310 = arith.constant 0 : i32
      %dma_start3A_311 = tpu.memref_slice %arg3[%add3A, %dma_start3A_309, %dma_start3A_310] : memref<32x8x16xi32, #tpu.memory_space<hbm>> -> memref<1x8x16xi32, #tpu.memory_space<hbm>>
      %dma_start3A_312 = tpu.memref_squeeze %dma_start3A_311 : memref<1x8x16xi32, #tpu.memory_space<hbm>> -> memref<8x16xi32, #tpu.memory_space<hbm>>
      tpu.enqueue_dma source(%dma_start3A_312 : memref<8x16xi32, #tpu.memory_space<hbm>>) target(%arg5 : memref<8x16xi32, #tpu.memory_space<vmem>>) target_semaphore(%run_scoped3A : memref<!tpu.dma_semaphore, #tpu.memory_space<semaphore_mem>>)
      %dma_wait3A_313 = arith.constant 0 : i32
      %dma_wait3A_314 = arith.constant 0 : i32
      %dma_wait3A_315 = tpu.memref_slice %arg3[%add3A, %dma_wait3A_313, %dma_wait3A_314] : memref<32x8x16xi32, #tpu.memory_space<hbm>> -> memref<1x8x16xi32, #tpu.memory_space<hbm>>
      %dma_wait3A_316 = tpu.memref_squeeze %dma_wait3A_315 : memref<1x8x16xi32, #tpu.memory_space<hbm>> -> memref<8x16xi32, #tpu.memory_space<hbm>>
      %dma_wait3A_317 = arith.constant 0 : i32
      %dma_wait3A_318 = arith.constant 0 : i32
      %dma_wait3A_319 = tpu.memref_slice %arg3[%add3A, %dma_wait3A_317, %dma_wait3A_318] : memref<32x8x16xi32, #tpu.memory_space<hbm>> -> memref<1x8x16xi32, #tpu.memory_space<hbm>>
      %dma_wait3A_320 = tpu.memref_squeeze %dma_wait3A_319 : memref<1x8x16xi32, #tpu.memory_space<hbm>> -> memref<8x16xi32, #tpu.memory_space<hbm>>
      tpu.wait_dma2 semaphore(%run_scoped3A : memref<!tpu.dma_semaphore, #tpu.memory_space<semaphore_mem>>) src(%dma_wait3A_320 : memref<8x16xi32, #tpu.memory_space<hbm>>) dst(%arg5 : memref<8x16xi32, #tpu.memory_space<vmem>>)
      tpu.yield
    }) : () -> ()
    %mul3A_1 = arith.constant 64 : i32
    %mul3A_2 = arith.muli %add3A, %mul3A_1 : i32
    %add3A_3 = arith.constant 0 : i32
    %add3A_4 = arith.addi %mul3A_2, %add3A_3 : i32
    %dma_start3A = arith.constant 0 : i32
    %dma_start3A_5 = arith.constant 0 : i32
    %dma_start3A_6 = arith.constant 0 : i32
    %dma_start3A_7 = tpu.memref_slice %arg6[%dma_start3A, %dma_start3A_5, %dma_start3A_6] : memref<2x16x1024xi32, #tpu.memory_space<vmem>> -> memref<1x16x1024xi32, #tpu.memory_space<vmem>>
    %dma_start3A_8 = tpu.memref_squeeze %dma_start3A_7 : memref<1x16x1024xi32, #tpu.memory_space<vmem>> -> memref<16x1024xi32, #tpu.memory_space<vmem>>
    %dma_start3A_9 = arith.constant 0 : i32
    %dma_start3A_10 = tpu.memref_slice %arg2[%add3A_4, %dma_start3A_9] : memref<2048x1024xi32, #tpu.memory_space<hbm>> -> memref<16x1024xi32, #tpu.memory_space<hbm>>
    %dma_start3A_11 = arith.constant 0 : i32
    %dma_start3A_12 = arith.constant 0 : i32
    %dma_start3A_13 = tpu.memref_slice %arg6[%dma_start3A, %dma_start3A_11, %dma_start3A_12] : memref<2x16x1024xi32, #tpu.memory_space<vmem>> -> memref<1x16x1024xi32, #tpu.memory_space<vmem>>
    %dma_start3A_14 = tpu.memref_squeeze %dma_start3A_13 : memref<1x16x1024xi32, #tpu.memory_space<vmem>> -> memref<16x1024xi32, #tpu.memory_space<vmem>>
    %dma_start3A_15 = arith.constant 0 : i32
    %dma_start3A_16 = tpu.memref_slice %arg2[%add3A_4, %dma_start3A_15] : memref<2048x1024xi32, #tpu.memory_space<hbm>> -> memref<16x1024xi32, #tpu.memory_space<hbm>>
    tpu.enqueue_dma source(%dma_start3A_16 : memref<16x1024xi32, #tpu.memory_space<hbm>>) target(%dma_start3A_14 : memref<16x1024xi32, #tpu.memory_space<vmem>>) target_semaphore(%arg7 : memref<!tpu.dma_semaphore, #tpu.memory_space<semaphore_mem>>)
    %dma_wait3A = arith.constant 0 : i32
    %dma_wait3A_17 = arith.constant 0 : i32
    %dma_wait3A_18 = arith.constant 0 : i32
    %dma_wait3A_19 = tpu.memref_slice %arg6[%dma_wait3A, %dma_wait3A_17, %dma_wait3A_18] : memref<2x16x1024xi32, #tpu.memory_space<vmem>> -> memref<1x16x1024xi32, #tpu.memory_space<vmem>>
    %dma_wait3A_20 = tpu.memref_squeeze %dma_wait3A_19 : memref<1x16x1024xi32, #tpu.memory_space<vmem>> -> memref<16x1024xi32, #tpu.memory_space<vmem>>
    %dma_wait3A_21 = arith.constant 0 : i32
    %dma_wait3A_22 = tpu.memref_slice %arg2[%add3A_4, %dma_wait3A_21] : memref<2048x1024xi32, #tpu.memory_space<hbm>> -> memref<16x1024xi32, #tpu.memory_space<hbm>>
    %dma_wait3A_23 = arith.constant 0 : i32
    %dma_wait3A_24 = arith.constant 0 : i32
    %dma_wait3A_25 = tpu.memref_slice %arg6[%dma_wait3A, %dma_wait3A_23, %dma_wait3A_24] : memref<2x16x1024xi32, #tpu.memory_space<vmem>> -> memref<1x16x1024xi32, #tpu.memory_space<vmem>>
    %dma_wait3A_26 = tpu.memref_squeeze %dma_wait3A_25 : memref<1x16x1024xi32, #tpu.memory_space<vmem>> -> memref<16x1024xi32, #tpu.memory_space<vmem>>
    %dma_wait3A_27 = arith.constant 0 : i32
    %dma_wait3A_28 = tpu.memref_slice %arg2[%add3A_4, %dma_wait3A_27] : memref<2048x1024xi32, #tpu.memory_space<hbm>> -> memref<16x1024xi32, #tpu.memory_space<hbm>>
    tpu.wait_dma2 semaphore(%arg7 : memref<!tpu.dma_semaphore, #tpu.memory_space<semaphore_mem>>) src(%dma_wait3A_28 : memref<16x1024xi32, #tpu.memory_space<hbm>>) dst(%dma_wait3A_26 : memref<16x1024xi32, #tpu.memory_space<vmem>>)
    %dma_start3A_29 = arith.constant 0 : i32
    %dma_start3A_30 = arith.constant 0 : i32
    %dma_start3A_31 = arith.constant 0 : i32
    %dma_start3A_32 = arith.constant 0 : i32
    %dma_start3A_33 = tpu.memref_slice %arg6[%dma_start3A_29, %dma_start3A_31, %dma_start3A_32] : memref<2x16x1024xi32, #tpu.memory_space<vmem>> -> memref<1x16x1024xi32, #tpu.memory_space<vmem>>
    %dma_start3A_34 = tpu.memref_squeeze %dma_start3A_33 : memref<1x16x1024xi32, #tpu.memory_space<vmem>> -> memref<16x1024xi32, #tpu.memory_space<vmem>>
    %dma_start3A_35 = arith.constant 0 : i32
    %dma_start3A_36 = tpu.memref_slice %arg5[%dma_start3A_30, %dma_start3A_35] : memref<8x16xi32, #tpu.memory_space<vmem>> -> memref<1x16xi32, #tpu.memory_space<vmem>>
    %dma_start3A_37 = tpu.memref_squeeze %dma_start3A_36 : memref<1x16xi32, #tpu.memory_space<vmem>> -> memref<16xi32, #tpu.memory_space<vmem>>
    %dma_start3A_38 = arith.constant 0 : i32
    %dma_start3A_39 = arith.constant 0 : i32
    %dma_start3A_40 = tpu.memref_slice %arg4[%dma_start3A_38, %dma_start3A_39] : memref<6144x1024xi32, #tpu.memory_space<hbm>> -> memref<6144x1024xi32, #tpu.memory_space<hbm>>
    tpu.enqueue_indirect_dma source(%dma_start3A_34 : memref<16x1024xi32, #tpu.memory_space<vmem>>) target(%dma_start3A_40 : memref<6144x1024xi32, #tpu.memory_space<hbm>>) offsets(%dma_start3A_37 : memref<16xi32, #tpu.memory_space<vmem>>) semaphore(%arg8 : memref<!tpu.dma_semaphore, #tpu.memory_space<semaphore_mem>>)
    %dma_start3A_41 = arith.constant 0 : i32
    %dma_start3A_42 = arith.constant 4 : i32
    %dma_start3A_43 = arith.constant 0 : i32
    %dma_start3A_44 = arith.constant 0 : i32
    %dma_start3A_45 = tpu.memref_slice %arg6[%dma_start3A_41, %dma_start3A_43, %dma_start3A_44] : memref<2x16x1024xi32, #tpu.memory_space<vmem>> -> memref<1x16x1024xi32, #tpu.memory_space<vmem>>
    %dma_start3A_46 = tpu.memref_squeeze %dma_start3A_45 : memref<1x16x1024xi32, #tpu.memory_space<vmem>> -> memref<16x1024xi32, #tpu.memory_space<vmem>>
    %dma_start3A_47 = arith.constant 0 : i32
    %dma_start3A_48 = tpu.memref_slice %arg5[%dma_start3A_42, %dma_start3A_47] : memref<8x16xi32, #tpu.memory_space<vmem>> -> memref<1x16xi32, #tpu.memory_space<vmem>>
    %dma_start3A_49 = tpu.memref_squeeze %dma_start3A_48 : memref<1x16xi32, #tpu.memory_space<vmem>> -> memref<16xi32, #tpu.memory_space<vmem>>
    %dma_start3A_50 = arith.constant 0 : i32
    %dma_start3A_51 = arith.constant 0 : i32
    %dma_start3A_52 = tpu.memref_slice %arg4[%dma_start3A_50, %dma_start3A_51] : memref<6144x1024xi32, #tpu.memory_space<hbm>> -> memref<6144x1024xi32, #tpu.memory_space<hbm>>
    tpu.enqueue_indirect_dma source(%dma_start3A_46 : memref<16x1024xi32, #tpu.memory_space<vmem>>) target(%dma_start3A_52 : memref<6144x1024xi32, #tpu.memory_space<hbm>>) offsets(%dma_start3A_49 : memref<16xi32, #tpu.memory_space<vmem>>) semaphore(%arg8 : memref<!tpu.dma_semaphore, #tpu.memory_space<semaphore_mem>>)
    %add3A_53 = arith.constant 16 : i32
    %add3A_54 = arith.addi %mul3A_2, %add3A_53 : i32
    %dma_start3A_55 = arith.constant 1 : i32
    %dma_start3A_56 = arith.constant 0 : i32
    %dma_start3A_57 = arith.constant 0 : i32
    %dma_start3A_58 = tpu.memref_slice %arg6[%dma_start3A_55, %dma_start3A_56, %dma_start3A_57] : memref<2x16x1024xi32, #tpu.memory_space<vmem>> -> memref<1x16x1024xi32, #tpu.memory_space<vmem>>
    %dma_start3A_59 = tpu.memref_squeeze %dma_start3A_58 : memref<1x16x1024xi32, #tpu.memory_space<vmem>> -> memref<16x1024xi32, #tpu.memory_space<vmem>>
    %dma_start3A_60 = arith.constant 0 : i32
    %dma_start3A_61 = tpu.memref_slice %arg2[%add3A_54, %dma_start3A_60] : memref<2048x1024xi32, #tpu.memory_space<hbm>> -> memref<16x1024xi32, #tpu.memory_space<hbm>>
    %dma_start3A_62 = arith.constant 0 : i32
    %dma_start3A_63 = arith.constant 0 : i32
    %dma_start3A_64 = tpu.memref_slice %arg6[%dma_start3A_55, %dma_start3A_62, %dma_start3A_63] : memref<2x16x1024xi32, #tpu.memory_space<vmem>> -> memref<1x16x1024xi32, #tpu.memory_space<vmem>>
    %dma_start3A_65 = tpu.memref_squeeze %dma_start3A_64 : memref<1x16x1024xi32, #tpu.memory_space<vmem>> -> memref<16x1024xi32, #tpu.memory_space<vmem>>
    %dma_start3A_66 = arith.constant 0 : i32
    %dma_start3A_67 = tpu.memref_slice %arg2[%add3A_54, %dma_start3A_66] : memref<2048x1024xi32, #tpu.memory_space<hbm>> -> memref<16x1024xi32, #tpu.memory_space<hbm>>
    tpu.enqueue_dma source(%dma_start3A_67 : memref<16x1024xi32, #tpu.memory_space<hbm>>) target(%dma_start3A_65 : memref<16x1024xi32, #tpu.memory_space<vmem>>) target_semaphore(%arg7 : memref<!tpu.dma_semaphore, #tpu.memory_space<semaphore_mem>>)
    %dma_wait3A_68 = arith.constant 1 : i32
    %dma_wait3A_69 = arith.constant 0 : i32
    %dma_wait3A_70 = arith.constant 0 : i32
    %dma_wait3A_71 = tpu.memref_slice %arg6[%dma_wait3A_68, %dma_wait3A_69, %dma_wait3A_70] : memref<2x16x1024xi32, #tpu.memory_space<vmem>> -> memref<1x16x1024xi32, #tpu.memory_space<vmem>>
    %dma_wait3A_72 = tpu.memref_squeeze %dma_wait3A_71 : memref<1x16x1024xi32, #tpu.memory_space<vmem>> -> memref<16x1024xi32, #tpu.memory_space<vmem>>
    %dma_wait3A_73 = arith.constant 0 : i32
    %dma_wait3A_74 = tpu.memref_slice %arg2[%add3A_54, %dma_wait3A_73] : memref<2048x1024xi32, #tpu.memory_space<hbm>> -> memref<16x1024xi32, #tpu.memory_space<hbm>>
    %dma_wait3A_75 = arith.constant 0 : i32
    %dma_wait3A_76 = arith.constant 0 : i32
    %dma_wait3A_77 = tpu.memref_slice %arg6[%dma_wait3A_68, %dma_wait3A_75, %dma_wait3A_76] : memref<2x16x1024xi32, #tpu.memory_space<vmem>> -> memref<1x16x1024xi32, #tpu.memory_space<vmem>>
    %dma_wait3A_78 = tpu.memref_squeeze %dma_wait3A_77 : memref<1x16x1024xi32, #tpu.memory_space<vmem>> -> memref<16x1024xi32, #tpu.memory_space<vmem>>
    %dma_wait3A_79 = arith.constant 0 : i32
    %dma_wait3A_80 = tpu.memref_slice %arg2[%add3A_54, %dma_wait3A_79] : memref<2048x1024xi32, #tpu.memory_space<hbm>> -> memref<16x1024xi32, #tpu.memory_space<hbm>>
    tpu.wait_dma2 semaphore(%arg7 : memref<!tpu.dma_semaphore, #tpu.memory_space<semaphore_mem>>) src(%dma_wait3A_80 : memref<16x1024xi32, #tpu.memory_space<hbm>>) dst(%dma_wait3A_78 : memref<16x1024xi32, #tpu.memory_space<vmem>>)
    %dma_start3A_81 = arith.constant 1 : i32
    %dma_start3A_82 = arith.constant 1 : i32
    %dma_start3A_83 = arith.constant 0 : i32
    %dma_start3A_84 = arith.constant 0 : i32
    %dma_start3A_85 = tpu.memref_slice %arg6[%dma_start3A_81, %dma_start3A_83, %dma_start3A_84] : memref<2x16x1024xi32, #tpu.memory_space<vmem>> -> memref<1x16x1024xi32, #tpu.memory_space<vmem>>
    %dma_start3A_86 = tpu.memref_squeeze %dma_start3A_85 : memref<1x16x1024xi32, #tpu.memory_space<vmem>> -> memref<16x1024xi32, #tpu.memory_space<vmem>>
    %dma_start3A_87 = arith.constant 0 : i32
    %dma_start3A_88 = tpu.memref_slice %arg5[%dma_start3A_82, %dma_start3A_87] : memref<8x16xi32, #tpu.memory_space<vmem>> -> memref<1x16xi32, #tpu.memory_space<vmem>>
    %dma_start3A_89 = tpu.memref_squeeze %dma_start3A_88 : memref<1x16xi32, #tpu.memory_space<vmem>> -> memref<16xi32, #tpu.memory_space<vmem>>
    %dma_start3A_90 = arith.constant 0 : i32
    %dma_start3A_91 = arith.constant 0 : i32
    %dma_start3A_92 = tpu.memref_slice %arg4[%dma_start3A_90, %dma_start3A_91] : memref<6144x1024xi32, #tpu.memory_space<hbm>> -> memref<6144x1024xi32, #tpu.memory_space<hbm>>
    tpu.enqueue_indirect_dma source(%dma_start3A_86 : memref<16x1024xi32, #tpu.memory_space<vmem>>) target(%dma_start3A_92 : memref<6144x1024xi32, #tpu.memory_space<hbm>>) offsets(%dma_start3A_89 : memref<16xi32, #tpu.memory_space<vmem>>) semaphore(%arg8 : memref<!tpu.dma_semaphore, #tpu.memory_space<semaphore_mem>>)
    %dma_start3A_93 = arith.constant 1 : i32
    %dma_start3A_94 = arith.constant 5 : i32
    %dma_start3A_95 = arith.constant 0 : i32
    %dma_start3A_96 = arith.constant 0 : i32
    %dma_start3A_97 = tpu.memref_slice %arg6[%dma_start3A_93, %dma_start3A_95, %dma_start3A_96] : memref<2x16x1024xi32, #tpu.memory_space<vmem>> -> memref<1x16x1024xi32, #tpu.memory_space<vmem>>
    %dma_start3A_98 = tpu.memref_squeeze %dma_start3A_97 : memref<1x16x1024xi32, #tpu.memory_space<vmem>> -> memref<16x1024xi32, #tpu.memory_space<vmem>>
    %dma_start3A_99 = arith.constant 0 : i32
    %dma_start3A_100 = tpu.memref_slice %arg5[%dma_start3A_94, %dma_start3A_99] : memref<8x16xi32, #tpu.memory_space<vmem>> -> memref<1x16xi32, #tpu.memory_space<vmem>>
    %dma_start3A_101 = tpu.memref_squeeze %dma_start3A_100 : memref<1x16xi32, #tpu.memory_space<vmem>> -> memref<16xi32, #tpu.memory_space<vmem>>
    %dma_start3A_102 = arith.constant 0 : i32
    %dma_start3A_103 = arith.constant 0 : i32
    %dma_start3A_104 = tpu.memref_slice %arg4[%dma_start3A_102, %dma_start3A_103] : memref<6144x1024xi32, #tpu.memory_space<hbm>> -> memref<6144x1024xi32, #tpu.memory_space<hbm>>
    tpu.enqueue_indirect_dma source(%dma_start3A_98 : memref<16x1024xi32, #tpu.memory_space<vmem>>) target(%dma_start3A_104 : memref<6144x1024xi32, #tpu.memory_space<hbm>>) offsets(%dma_start3A_101 : memref<16xi32, #tpu.memory_space<vmem>>) semaphore(%arg8 : memref<!tpu.dma_semaphore, #tpu.memory_space<semaphore_mem>>)
    %dma_wait3A_105 = arith.constant 0 : i32
    %dma_wait3A_106 = arith.constant 0 : i32
    %dma_wait3A_107 = arith.constant 0 : i32
    %dma_wait3A_108 = arith.constant 0 : i32
    %dma_wait3A_109 = tpu.memref_slice %arg6[%dma_wait3A_105, %dma_wait3A_107, %dma_wait3A_108] : memref<2x16x1024xi32, #tpu.memory_space<vmem>> -> memref<1x16x1024xi32, #tpu.memory_space<vmem>>
    %dma_wait3A_110 = tpu.memref_squeeze %dma_wait3A_109 : memref<1x16x1024xi32, #tpu.memory_space<vmem>> -> memref<16x1024xi32, #tpu.memory_space<vmem>>
    %dma_wait3A_111 = arith.constant 0 : i32
    %dma_wait3A_112 = tpu.memref_slice %arg5[%dma_wait3A_106, %dma_wait3A_111] : memref<8x16xi32, #tpu.memory_space<vmem>> -> memref<1x16xi32, #tpu.memory_space<vmem>>
    %dma_wait3A_113 = tpu.memref_squeeze %dma_wait3A_112 : memref<1x16xi32, #tpu.memory_space<vmem>> -> memref<16xi32, #tpu.memory_space<vmem>>
    %dma_wait3A_114 = arith.constant 0 : i32
    %dma_wait3A_115 = arith.constant 0 : i32
    %dma_wait3A_116 = tpu.memref_slice %arg4[%dma_wait3A_114, %dma_wait3A_115] : memref<6144x1024xi32, #tpu.memory_space<hbm>> -> memref<6144x1024xi32, #tpu.memory_space<hbm>>
    tpu.wait_indirect_dma semaphore(%arg8 : memref<!tpu.dma_semaphore, #tpu.memory_space<semaphore_mem>>) src(%dma_wait3A_110 : memref<16x1024xi32, #tpu.memory_space<vmem>>) dst(%dma_wait3A_116 : memref<6144x1024xi32, #tpu.memory_space<hbm>>)
    %dma_wait3A_117 = arith.constant 0 : i32
    %dma_wait3A_118 = arith.constant 4 : i32
    %dma_wait3A_119 = arith.constant 0 : i32
    %dma_wait3A_120 = arith.constant 0 : i32
    %dma_wait3A_121 = tpu.memref_slice %arg6[%dma_wait3A_117, %dma_wait3A_119, %dma_wait3A_120] : memref<2x16x1024xi32, #tpu.memory_space<vmem>> -> memref<1x16x1024xi32, #tpu.memory_space<vmem>>
    %dma_wait3A_122 = tpu.memref_squeeze %dma_wait3A_121 : memref<1x16x1024xi32, #tpu.memory_space<vmem>> -> memref<16x1024xi32, #tpu.memory_space<vmem>>
    %dma_wait3A_123 = arith.constant 0 : i32
    %dma_wait3A_124 = tpu.memref_slice %arg5[%dma_wait3A_118, %dma_wait3A_123] : memref<8x16xi32, #tpu.memory_space<vmem>> -> memref<1x16xi32, #tpu.memory_space<vmem>>
    %dma_wait3A_125 = tpu.memref_squeeze %dma_wait3A_124 : memref<1x16xi32, #tpu.memory_space<vmem>> -> memref<16xi32, #tpu.memory_space<vmem>>
    %dma_wait3A_126 = arith.constant 0 : i32
    %dma_wait3A_127 = arith.constant 0 : i32
    %dma_wait3A_128 = tpu.memref_slice %arg4[%dma_wait3A_126, %dma_wait3A_127] : memref<6144x1024xi32, #tpu.memory_space<hbm>> -> memref<6144x1024xi32, #tpu.memory_space<hbm>>
    tpu.wait_indirect_dma semaphore(%arg8 : memref<!tpu.dma_semaphore, #tpu.memory_space<semaphore_mem>>) src(%dma_wait3A_122 : memref<16x1024xi32, #tpu.memory_space<vmem>>) dst(%dma_wait3A_128 : memref<6144x1024xi32, #tpu.memory_space<hbm>>)
    %add3A_129 = arith.constant 32 : i32
    %add3A_130 = arith.addi %mul3A_2, %add3A_129 : i32
    %dma_start3A_131 = arith.constant 0 : i32
    %dma_start3A_132 = arith.constant 0 : i32
    %dma_start3A_133 = arith.constant 0 : i32
    %dma_start3A_134 = tpu.memref_slice %arg6[%dma_start3A_131, %dma_start3A_132, %dma_start3A_133] : memref<2x16x1024xi32, #tpu.memory_space<vmem>> -> memref<1x16x1024xi32, #tpu.memory_space<vmem>>
    %dma_start3A_135 = tpu.memref_squeeze %dma_start3A_134 : memref<1x16x1024xi32, #tpu.memory_space<vmem>> -> memref<16x1024xi32, #tpu.memory_space<vmem>>
    %dma_start3A_136 = arith.constant 0 : i32
    %dma_start3A_137 = tpu.memref_slice %arg2[%add3A_130, %dma_start3A_136] : memref<2048x1024xi32, #tpu.memory_space<hbm>> -> memref<16x1024xi32, #tpu.memory_space<hbm>>
    %dma_start3A_138 = arith.constant 0 : i32
    %dma_start3A_139 = arith.constant 0 : i32
    %dma_start3A_140 = tpu.memref_slice %arg6[%dma_start3A_131, %dma_start3A_138, %dma_start3A_139] : memref<2x16x1024xi32, #tpu.memory_space<vmem>> -> memref<1x16x1024xi32, #tpu.memory_space<vmem>>
    %dma_start3A_141 = tpu.memref_squeeze %dma_start3A_140 : memref<1x16x1024xi32, #tpu.memory_space<vmem>> -> memref<16x1024xi32, #tpu.memory_space<vmem>>
    %dma_start3A_142 = arith.constant 0 : i32
    %dma_start3A_143 = tpu.memref_slice %arg2[%add3A_130, %dma_start3A_142] : memref<2048x1024xi32, #tpu.memory_space<hbm>> -> memref<16x1024xi32, #tpu.memory_space<hbm>>
    tpu.enqueue_dma source(%dma_start3A_143 : memref<16x1024xi32, #tpu.memory_space<hbm>>) target(%dma_start3A_141 : memref<16x1024xi32, #tpu.memory_space<vmem>>) target_semaphore(%arg7 : memref<!tpu.dma_semaphore, #tpu.memory_space<semaphore_mem>>)
    %dma_wait3A_144 = arith.constant 0 : i32
    %dma_wait3A_145 = arith.constant 0 : i32
    %dma_wait3A_146 = arith.constant 0 : i32
    %dma_wait3A_147 = tpu.memref_slice %arg6[%dma_wait3A_144, %dma_wait3A_145, %dma_wait3A_146] : memref<2x16x1024xi32, #tpu.memory_space<vmem>> -> memref<1x16x1024xi32, #tpu.memory_space<vmem>>
    %dma_wait3A_148 = tpu.memref_squeeze %dma_wait3A_147 : memref<1x16x1024xi32, #tpu.memory_space<vmem>> -> memref<16x1024xi32, #tpu.memory_space<vmem>>
    %dma_wait3A_149 = arith.constant 0 : i32
    %dma_wait3A_150 = tpu.memref_slice %arg2[%add3A_130, %dma_wait3A_149] : memref<2048x1024xi32, #tpu.memory_space<hbm>> -> memref<16x1024xi32, #tpu.memory_space<hbm>>
    %dma_wait3A_151 = arith.constant 0 : i32
    %dma_wait3A_152 = arith.constant 0 : i32
    %dma_wait3A_153 = tpu.memref_slice %arg6[%dma_wait3A_144, %dma_wait3A_151, %dma_wait3A_152] : memref<2x16x1024xi32, #tpu.memory_space<vmem>> -> memref<1x16x1024xi32, #tpu.memory_space<vmem>>
    %dma_wait3A_154 = tpu.memref_squeeze %dma_wait3A_153 : memref<1x16x1024xi32, #tpu.memory_space<vmem>> -> memref<16x1024xi32, #tpu.memory_space<vmem>>
    %dma_wait3A_155 = arith.constant 0 : i32
    %dma_wait3A_156 = tpu.memref_slice %arg2[%add3A_130, %dma_wait3A_155] : memref<2048x1024xi32, #tpu.memory_space<hbm>> -> memref<16x1024xi32, #tpu.memory_space<hbm>>
    tpu.wait_dma2 semaphore(%arg7 : memref<!tpu.dma_semaphore, #tpu.memory_space<semaphore_mem>>) src(%dma_wait3A_156 : memref<16x1024xi32, #tpu.memory_space<hbm>>) dst(%dma_wait3A_154 : memref<16x1024xi32, #tpu.memory_space<vmem>>)
    %dma_start3A_157 = arith.constant 0 : i32
    %dma_start3A_158 = arith.constant 2 : i32
    %dma_start3A_159 = arith.constant 0 : i32
    %dma_start3A_160 = arith.constant 0 : i32
    %dma_start3A_161 = tpu.memref_slice %arg6[%dma_start3A_157, %dma_start3A_159, %dma_start3A_160] : memref<2x16x1024xi32, #tpu.memory_space<vmem>> -> memref<1x16x1024xi32, #tpu.memory_space<vmem>>
    %dma_start3A_162 = tpu.memref_squeeze %dma_start3A_161 : memref<1x16x1024xi32, #tpu.memory_space<vmem>> -> memref<16x1024xi32, #tpu.memory_space<vmem>>
    %dma_start3A_163 = arith.constant 0 : i32
    %dma_start3A_164 = tpu.memref_slice %arg5[%dma_start3A_158, %dma_start3A_163] : memref<8x16xi32, #tpu.memory_space<vmem>> -> memref<1x16xi32, #tpu.memory_space<vmem>>
    %dma_start3A_165 = tpu.memref_squeeze %dma_start3A_164 : memref<1x16xi32, #tpu.memory_space<vmem>> -> memref<16xi32, #tpu.memory_space<vmem>>
    %dma_start3A_166 = arith.constant 0 : i32
    %dma_start3A_167 = arith.constant 0 : i32
    %dma_start3A_168 = tpu.memref_slice %arg4[%dma_start3A_166, %dma_start3A_167] : memref<6144x1024xi32, #tpu.memory_space<hbm>> -> memref<6144x1024xi32, #tpu.memory_space<hbm>>
    tpu.enqueue_indirect_dma source(%dma_start3A_162 : memref<16x1024xi32, #tpu.memory_space<vmem>>) target(%dma_start3A_168 : memref<6144x1024xi32, #tpu.memory_space<hbm>>) offsets(%dma_start3A_165 : memref<16xi32, #tpu.memory_space<vmem>>) semaphore(%arg8 : memref<!tpu.dma_semaphore, #tpu.memory_space<semaphore_mem>>)
    %dma_start3A_169 = arith.constant 0 : i32
    %dma_start3A_170 = arith.constant 6 : i32
    %dma_start3A_171 = arith.constant 0 : i32
    %dma_start3A_172 = arith.constant 0 : i32
    %dma_start3A_173 = tpu.memref_slice %arg6[%dma_start3A_169, %dma_start3A_171, %dma_start3A_172] : memref<2x16x1024xi32, #tpu.memory_space<vmem>> -> memref<1x16x1024xi32, #tpu.memory_space<vmem>>
    %dma_start3A_174 = tpu.memref_squeeze %dma_start3A_173 : memref<1x16x1024xi32, #tpu.memory_space<vmem>> -> memref<16x1024xi32, #tpu.memory_space<vmem>>
    %dma_start3A_175 = arith.constant 0 : i32
    %dma_start3A_176 = tpu.memref_slice %arg5[%dma_start3A_170, %dma_start3A_175] : memref<8x16xi32, #tpu.memory_space<vmem>> -> memref<1x16xi32, #tpu.memory_space<vmem>>
    %dma_start3A_177 = tpu.memref_squeeze %dma_start3A_176 : memref<1x16xi32, #tpu.memory_space<vmem>> -> memref<16xi32, #tpu.memory_space<vmem>>
    %dma_start3A_178 = arith.constant 0 : i32
    %dma_start3A_179 = arith.constant 0 : i32
    %dma_start3A_180 = tpu.memref_slice %arg4[%dma_start3A_178, %dma_start3A_179] : memref<6144x1024xi32, #tpu.memory_space<hbm>> -> memref<6144x1024xi32, #tpu.memory_space<hbm>>
    tpu.enqueue_indirect_dma source(%dma_start3A_174 : memref<16x1024xi32, #tpu.memory_space<vmem>>) target(%dma_start3A_180 : memref<6144x1024xi32, #tpu.memory_space<hbm>>) offsets(%dma_start3A_177 : memref<16xi32, #tpu.memory_space<vmem>>) semaphore(%arg8 : memref<!tpu.dma_semaphore, #tpu.memory_space<semaphore_mem>>)
    %dma_wait3A_181 = arith.constant 1 : i32
    %dma_wait3A_182 = arith.constant 1 : i32
    %dma_wait3A_183 = arith.constant 0 : i32
    %dma_wait3A_184 = arith.constant 0 : i32
    %dma_wait3A_185 = tpu.memref_slice %arg6[%dma_wait3A_181, %dma_wait3A_183, %dma_wait3A_184] : memref<2x16x1024xi32, #tpu.memory_space<vmem>> -> memref<1x16x1024xi32, #tpu.memory_space<vmem>>
    %dma_wait3A_186 = tpu.memref_squeeze %dma_wait3A_185 : memref<1x16x1024xi32, #tpu.memory_space<vmem>> -> memref<16x1024xi32, #tpu.memory_space<vmem>>
    %dma_wait3A_187 = arith.constant 0 : i32
    %dma_wait3A_188 = tpu.memref_slice %arg5[%dma_wait3A_182, %dma_wait3A_187] : memref<8x16xi32, #tpu.memory_space<vmem>> -> memref<1x16xi32, #tpu.memory_space<vmem>>
    %dma_wait3A_189 = tpu.memref_squeeze %dma_wait3A_188 : memref<1x16xi32, #tpu.memory_space<vmem>> -> memref<16xi32, #tpu.memory_space<vmem>>
    %dma_wait3A_190 = arith.constant 0 : i32
    %dma_wait3A_191 = arith.constant 0 : i32
    %dma_wait3A_192 = tpu.memref_slice %arg4[%dma_wait3A_190, %dma_wait3A_191] : memref<6144x1024xi32, #tpu.memory_space<hbm>> -> memref<6144x1024xi32, #tpu.memory_space<hbm>>
    tpu.wait_indirect_dma semaphore(%arg8 : memref<!tpu.dma_semaphore, #tpu.memory_space<semaphore_mem>>) src(%dma_wait3A_186 : memref<16x1024xi32, #tpu.memory_space<vmem>>) dst(%dma_wait3A_192 : memref<6144x1024xi32, #tpu.memory_space<hbm>>)
    %dma_wait3A_193 = arith.constant 1 : i32
    %dma_wait3A_194 = arith.constant 5 : i32
    %dma_wait3A_195 = arith.constant 0 : i32
    %dma_wait3A_196 = arith.constant 0 : i32
    %dma_wait3A_197 = tpu.memref_slice %arg6[%dma_wait3A_193, %dma_wait3A_195, %dma_wait3A_196] : memref<2x16x1024xi32, #tpu.memory_space<vmem>> -> memref<1x16x1024xi32, #tpu.memory_space<vmem>>
    %dma_wait3A_198 = tpu.memref_squeeze %dma_wait3A_197 : memref<1x16x1024xi32, #tpu.memory_space<vmem>> -> memref<16x1024xi32, #tpu.memory_space<vmem>>
    %dma_wait3A_199 = arith.constant 0 : i32
    %dma_wait3A_200 = tpu.memref_slice %arg5[%dma_wait3A_194, %dma_wait3A_199] : memref<8x16xi32, #tpu.memory_space<vmem>> -> memref<1x16xi32, #tpu.memory_space<vmem>>
    %dma_wait3A_201 = tpu.memref_squeeze %dma_wait3A_200 : memref<1x16xi32, #tpu.memory_space<vmem>> -> memref<16xi32, #tpu.memory_space<vmem>>
    %dma_wait3A_202 = arith.constant 0 : i32
    %dma_wait3A_203 = arith.constant 0 : i32
    %dma_wait3A_204 = tpu.memref_slice %arg4[%dma_wait3A_202, %dma_wait3A_203] : memref<6144x1024xi32, #tpu.memory_space<hbm>> -> memref<6144x1024xi32, #tpu.memory_space<hbm>>
    tpu.wait_indirect_dma semaphore(%arg8 : memref<!tpu.dma_semaphore, #tpu.memory_space<semaphore_mem>>) src(%dma_wait3A_198 : memref<16x1024xi32, #tpu.memory_space<vmem>>) dst(%dma_wait3A_204 : memref<6144x1024xi32, #tpu.memory_space<hbm>>)
    %add3A_205 = arith.constant 48 : i32
    %add3A_206 = arith.addi %mul3A_2, %add3A_205 : i32
    %dma_start3A_207 = arith.constant 1 : i32
    %dma_start3A_208 = arith.constant 0 : i32
    %dma_start3A_209 = arith.constant 0 : i32
    %dma_start3A_210 = tpu.memref_slice %arg6[%dma_start3A_207, %dma_start3A_208, %dma_start3A_209] : memref<2x16x1024xi32, #tpu.memory_space<vmem>> -> memref<1x16x1024xi32, #tpu.memory_space<vmem>>
    %dma_start3A_211 = tpu.memref_squeeze %dma_start3A_210 : memref<1x16x1024xi32, #tpu.memory_space<vmem>> -> memref<16x1024xi32, #tpu.memory_space<vmem>>
    %dma_start3A_212 = arith.constant 0 : i32
    %dma_start3A_213 = tpu.memref_slice %arg2[%add3A_206, %dma_start3A_212] : memref<2048x1024xi32, #tpu.memory_space<hbm>> -> memref<16x1024xi32, #tpu.memory_space<hbm>>
    %dma_start3A_214 = arith.constant 0 : i32
    %dma_start3A_215 = arith.constant 0 : i32
    %dma_start3A_216 = tpu.memref_slice %arg6[%dma_start3A_207, %dma_start3A_214, %dma_start3A_215] : memref<2x16x1024xi32, #tpu.memory_space<vmem>> -> memref<1x16x1024xi32, #tpu.memory_space<vmem>>
    %dma_start3A_217 = tpu.memref_squeeze %dma_start3A_216 : memref<1x16x1024xi32, #tpu.memory_space<vmem>> -> memref<16x1024xi32, #tpu.memory_space<vmem>>
    %dma_start3A_218 = arith.constant 0 : i32
    %dma_start3A_219 = tpu.memref_slice %arg2[%add3A_206, %dma_start3A_218] : memref<2048x1024xi32, #tpu.memory_space<hbm>> -> memref<16x1024xi32, #tpu.memory_space<hbm>>
    tpu.enqueue_dma source(%dma_start3A_219 : memref<16x1024xi32, #tpu.memory_space<hbm>>) target(%dma_start3A_217 : memref<16x1024xi32, #tpu.memory_space<vmem>>) target_semaphore(%arg7 : memref<!tpu.dma_semaphore, #tpu.memory_space<semaphore_mem>>)
    %dma_wait3A_220 = arith.constant 1 : i32
    %dma_wait3A_221 = arith.constant 0 : i32
    %dma_wait3A_222 = arith.constant 0 : i32
    %dma_wait3A_223 = tpu.memref_slice %arg6[%dma_wait3A_220, %dma_wait3A_221, %dma_wait3A_222] : memref<2x16x1024xi32, #tpu.memory_space<vmem>> -> memref<1x16x1024xi32, #tpu.memory_space<vmem>>
    %dma_wait3A_224 = tpu.memref_squeeze %dma_wait3A_223 : memref<1x16x1024xi32, #tpu.memory_space<vmem>> -> memref<16x1024xi32, #tpu.memory_space<vmem>>
    %dma_wait3A_225 = arith.constant 0 : i32
    %dma_wait3A_226 = tpu.memref_slice %arg2[%add3A_206, %dma_wait3A_225] : memref<2048x1024xi32, #tpu.memory_space<hbm>> -> memref<16x1024xi32, #tpu.memory_space<hbm>>
    %dma_wait3A_227 = arith.constant 0 : i32
    %dma_wait3A_228 = arith.constant 0 : i32
    %dma_wait3A_229 = tpu.memref_slice %arg6[%dma_wait3A_220, %dma_wait3A_227, %dma_wait3A_228] : memref<2x16x1024xi32, #tpu.memory_space<vmem>> -> memref<1x16x1024xi32, #tpu.memory_space<vmem>>
    %dma_wait3A_230 = tpu.memref_squeeze %dma_wait3A_229 : memref<1x16x1024xi32, #tpu.memory_space<vmem>> -> memref<16x1024xi32, #tpu.memory_space<vmem>>
    %dma_wait3A_231 = arith.constant 0 : i32
    %dma_wait3A_232 = tpu.memref_slice %arg2[%add3A_206, %dma_wait3A_231] : memref<2048x1024xi32, #tpu.memory_space<hbm>> -> memref<16x1024xi32, #tpu.memory_space<hbm>>
    tpu.wait_dma2 semaphore(%arg7 : memref<!tpu.dma_semaphore, #tpu.memory_space<semaphore_mem>>) src(%dma_wait3A_232 : memref<16x1024xi32, #tpu.memory_space<hbm>>) dst(%dma_wait3A_230 : memref<16x1024xi32, #tpu.memory_space<vmem>>)
    %dma_start3A_233 = arith.constant 1 : i32
    %dma_start3A_234 = arith.constant 3 : i32
    %dma_start3A_235 = arith.constant 0 : i32
    %dma_start3A_236 = arith.constant 0 : i32
    %dma_start3A_237 = tpu.memref_slice %arg6[%dma_start3A_233, %dma_start3A_235, %dma_start3A_236] : memref<2x16x1024xi32, #tpu.memory_space<vmem>> -> memref<1x16x1024xi32, #tpu.memory_space<vmem>>
    %dma_start3A_238 = tpu.memref_squeeze %dma_start3A_237 : memref<1x16x1024xi32, #tpu.memory_space<vmem>> -> memref<16x1024xi32, #tpu.memory_space<vmem>>
    %dma_start3A_239 = arith.constant 0 : i32
    %dma_start3A_240 = tpu.memref_slice %arg5[%dma_start3A_234, %dma_start3A_239] : memref<8x16xi32, #tpu.memory_space<vmem>> -> memref<1x16xi32, #tpu.memory_space<vmem>>
    %dma_start3A_241 = tpu.memref_squeeze %dma_start3A_240 : memref<1x16xi32, #tpu.memory_space<vmem>> -> memref<16xi32, #tpu.memory_space<vmem>>
    %dma_start3A_242 = arith.constant 0 : i32
    %dma_start3A_243 = arith.constant 0 : i32
    %dma_start3A_244 = tpu.memref_slice %arg4[%dma_start3A_242, %dma_start3A_243] : memref<6144x1024xi32, #tpu.memory_space<hbm>> -> memref<6144x1024xi32, #tpu.memory_space<hbm>>
    tpu.enqueue_indirect_dma source(%dma_start3A_238 : memref<16x1024xi32, #tpu.memory_space<vmem>>) target(%dma_start3A_244 : memref<6144x1024xi32, #tpu.memory_space<hbm>>) offsets(%dma_start3A_241 : memref<16xi32, #tpu.memory_space<vmem>>) semaphore(%arg8 : memref<!tpu.dma_semaphore, #tpu.memory_space<semaphore_mem>>)
    %dma_start3A_245 = arith.constant 1 : i32
    %dma_start3A_246 = arith.constant 7 : i32
    %dma_start3A_247 = arith.constant 0 : i32
    %dma_start3A_248 = arith.constant 0 : i32
    %dma_start3A_249 = tpu.memref_slice %arg6[%dma_start3A_245, %dma_start3A_247, %dma_start3A_248] : memref<2x16x1024xi32, #tpu.memory_space<vmem>> -> memref<1x16x1024xi32, #tpu.memory_space<vmem>>
    %dma_start3A_250 = tpu.memref_squeeze %dma_start3A_249 : memref<1x16x1024xi32, #tpu.memory_space<vmem>> -> memref<16x1024xi32, #tpu.memory_space<vmem>>
    %dma_start3A_251 = arith.constant 0 : i32
    %dma_start3A_252 = tpu.memref_slice %arg5[%dma_start3A_246, %dma_start3A_251] : memref<8x16xi32, #tpu.memory_space<vmem>> -> memref<1x16xi32, #tpu.memory_space<vmem>>
    %dma_start3A_253 = tpu.memref_squeeze %dma_start3A_252 : memref<1x16xi32, #tpu.memory_space<vmem>> -> memref<16xi32, #tpu.memory_space<vmem>>
    %dma_start3A_254 = arith.constant 0 : i32
    %dma_start3A_255 = arith.constant 0 : i32
    %dma_start3A_256 = tpu.memref_slice %arg4[%dma_start3A_254, %dma_start3A_255] : memref<6144x1024xi32, #tpu.memory_space<hbm>> -> memref<6144x1024xi32, #tpu.memory_space<hbm>>
    tpu.enqueue_indirect_dma source(%dma_start3A_250 : memref<16x1024xi32, #tpu.memory_space<vmem>>) target(%dma_start3A_256 : memref<6144x1024xi32, #tpu.memory_space<hbm>>) offsets(%dma_start3A_253 : memref<16xi32, #tpu.memory_space<vmem>>) semaphore(%arg8 : memref<!tpu.dma_semaphore, #tpu.memory_space<semaphore_mem>>)
    %dma_wait3A_257 = arith.constant 0 : i32
    %dma_wait3A_258 = arith.constant 2 : i32
    %dma_wait3A_259 = arith.constant 0 : i32
    %dma_wait3A_260 = arith.constant 0 : i32
    %dma_wait3A_261 = tpu.memref_slice %arg6[%dma_wait3A_257, %dma_wait3A_259, %dma_wait3A_260] : memref<2x16x1024xi32, #tpu.memory_space<vmem>> -> memref<1x16x1024xi32, #tpu.memory_space<vmem>>
    %dma_wait3A_262 = tpu.memref_squeeze %dma_wait3A_261 : memref<1x16x1024xi32, #tpu.memory_space<vmem>> -> memref<16x1024xi32, #tpu.memory_space<vmem>>
    %dma_wait3A_263 = arith.constant 0 : i32
    %dma_wait3A_264 = tpu.memref_slice %arg5[%dma_wait3A_258, %dma_wait3A_263] : memref<8x16xi32, #tpu.memory_space<vmem>> -> memref<1x16xi32, #tpu.memory_space<vmem>>
    %dma_wait3A_265 = tpu.memref_squeeze %dma_wait3A_264 : memref<1x16xi32, #tpu.memory_space<vmem>> -> memref<16xi32, #tpu.memory_space<vmem>>
    %dma_wait3A_266 = arith.constant 0 : i32
    %dma_wait3A_267 = arith.constant 0 : i32
    %dma_wait3A_268 = tpu.memref_slice %arg4[%dma_wait3A_266, %dma_wait3A_267] : memref<6144x1024xi32, #tpu.memory_space<hbm>> -> memref<6144x1024xi32, #tpu.memory_space<hbm>>
    tpu.wait_indirect_dma semaphore(%arg8 : memref<!tpu.dma_semaphore, #tpu.memory_space<semaphore_mem>>) src(%dma_wait3A_262 : memref<16x1024xi32, #tpu.memory_space<vmem>>) dst(%dma_wait3A_268 : memref<6144x1024xi32, #tpu.memory_space<hbm>>)
    %dma_wait3A_269 = arith.constant 0 : i32
    %dma_wait3A_270 = arith.constant 6 : i32
    %dma_wait3A_271 = arith.constant 0 : i32
    %dma_wait3A_272 = arith.constant 0 : i32
    %dma_wait3A_273 = tpu.memref_slice %arg6[%dma_wait3A_269, %dma_wait3A_271, %dma_wait3A_272] : memref<2x16x1024xi32, #tpu.memory_space<vmem>> -> memref<1x16x1024xi32, #tpu.memory_space<vmem>>
    %dma_wait3A_274 = tpu.memref_squeeze %dma_wait3A_273 : memref<1x16x1024xi32, #tpu.memory_space<vmem>> -> memref<16x1024xi32, #tpu.memory_space<vmem>>
    %dma_wait3A_275 = arith.constant 0 : i32
    %dma_wait3A_276 = tpu.memref_slice %arg5[%dma_wait3A_270, %dma_wait3A_275] : memref<8x16xi32, #tpu.memory_space<vmem>> -> memref<1x16xi32, #tpu.memory_space<vmem>>
    %dma_wait3A_277 = tpu.memref_squeeze %dma_wait3A_276 : memref<1x16xi32, #tpu.memory_space<vmem>> -> memref<16xi32, #tpu.memory_space<vmem>>
    %dma_wait3A_278 = arith.constant 0 : i32
    %dma_wait3A_279 = arith.constant 0 : i32
    %dma_wait3A_280 = tpu.memref_slice %arg4[%dma_wait3A_278, %dma_wait3A_279] : memref<6144x1024xi32, #tpu.memory_space<hbm>> -> memref<6144x1024xi32, #tpu.memory_space<hbm>>
    tpu.wait_indirect_dma semaphore(%arg8 : memref<!tpu.dma_semaphore, #tpu.memory_space<semaphore_mem>>) src(%dma_wait3A_274 : memref<16x1024xi32, #tpu.memory_space<vmem>>) dst(%dma_wait3A_280 : memref<6144x1024xi32, #tpu.memory_space<hbm>>)
    %dma_wait3A_281 = arith.constant 1 : i32
    %dma_wait3A_282 = arith.constant 3 : i32
    %dma_wait3A_283 = arith.constant 0 : i32
    %dma_wait3A_284 = arith.constant 0 : i32
    %dma_wait3A_285 = tpu.memref_slice %arg6[%dma_wait3A_281, %dma_wait3A_283, %dma_wait3A_284] : memref<2x16x1024xi32, #tpu.memory_space<vmem>> -> memref<1x16x1024xi32, #tpu.memory_space<vmem>>
    %dma_wait3A_286 = tpu.memref_squeeze %dma_wait3A_285 : memref<1x16x1024xi32, #tpu.memory_space<vmem>> -> memref<16x1024xi32, #tpu.memory_space<vmem>>
    %dma_wait3A_287 = arith.constant 0 : i32
    %dma_wait3A_288 = tpu.memref_slice %arg5[%dma_wait3A_282, %dma_wait3A_287] : memref<8x16xi32, #tpu.memory_space<vmem>> -> memref<1x16xi32, #tpu.memory_space<vmem>>
    %dma_wait3A_289 = tpu.memref_squeeze %dma_wait3A_288 : memref<1x16xi32, #tpu.memory_space<vmem>> -> memref<16xi32, #tpu.memory_space<vmem>>
    %dma_wait3A_290 = arith.constant 0 : i32
    %dma_wait3A_291 = arith.constant 0 : i32
    %dma_wait3A_292 = tpu.memref_slice %arg4[%dma_wait3A_290, %dma_wait3A_291] : memref<6144x1024xi32, #tpu.memory_space<hbm>> -> memref<6144x1024xi32, #tpu.memory_space<hbm>>
    tpu.wait_indirect_dma semaphore(%arg8 : memref<!tpu.dma_semaphore, #tpu.memory_space<semaphore_mem>>) src(%dma_wait3A_286 : memref<16x1024xi32, #tpu.memory_space<vmem>>) dst(%dma_wait3A_292 : memref<6144x1024xi32, #tpu.memory_space<hbm>>)
    %dma_wait3A_293 = arith.constant 1 : i32
    %dma_wait3A_294 = arith.constant 7 : i32
    %dma_wait3A_295 = arith.constant 0 : i32
    %dma_wait3A_296 = arith.constant 0 : i32
    %dma_wait3A_297 = tpu.memref_slice %arg6[%dma_wait3A_293, %dma_wait3A_295, %dma_wait3A_296] : memref<2x16x1024xi32, #tpu.memory_space<vmem>> -> memref<1x16x1024xi32, #tpu.memory_space<vmem>>
    %dma_wait3A_298 = tpu.memref_squeeze %dma_wait3A_297 : memref<1x16x1024xi32, #tpu.memory_space<vmem>> -> memref<16x1024xi32, #tpu.memory_space<vmem>>
    %dma_wait3A_299 = arith.constant 0 : i32
    %dma_wait3A_300 = tpu.memref_slice %arg5[%dma_wait3A_294, %dma_wait3A_299] : memref<8x16xi32, #tpu.memory_space<vmem>> -> memref<1x16xi32, #tpu.memory_space<vmem>>
    %dma_wait3A_301 = tpu.memref_squeeze %dma_wait3A_300 : memref<1x16xi32, #tpu.memory_space<vmem>> -> memref<16xi32, #tpu.memory_space<vmem>>
    %dma_wait3A_302 = arith.constant 0 : i32
    %dma_wait3A_303 = arith.constant 0 : i32
    %dma_wait3A_304 = tpu.memref_slice %arg4[%dma_wait3A_302, %dma_wait3A_303] : memref<6144x1024xi32, #tpu.memory_space<hbm>> -> memref<6144x1024xi32, #tpu.memory_space<hbm>>
    tpu.wait_indirect_dma semaphore(%arg8 : memref<!tpu.dma_semaphore, #tpu.memory_space<semaphore_mem>>) src(%dma_wait3A_298 : memref<16x1024xi32, #tpu.memory_space<vmem>>) dst(%dma_wait3A_304 : memref<6144x1024xi32, #tpu.memory_space<hbm>>)
    return
  }
}

module attributes {stable_mosaic.version = 14 : i64} {
  func.func @_qkv_body(%arg0: i32, %arg1: memref<256x2048xf32, #tpu.memory_space<vmem>>, %arg2: memref<2048x3072xbf16, #tpu.memory_space<vmem>>, %arg3: memref<1x3072xf32, #tpu.memory_space<vmem>>, %arg4: memref<256x32xf32, #tpu.memory_space<vmem>>, %arg5: memref<256x32xf32, #tpu.memory_space<vmem>>, %arg6: memref<1x2048xf32, #tpu.memory_space<vmem>>, %arg7: memref<256x3072xbf16, #tpu.memory_space<vmem>>) attributes {dimension_semantics = [#tpu.dimension_semantics<arbitrary>], iteration_bounds = array<i64: 8>, scalar_prefetch = 0 : i64, scratch_operands = 0 : i64, tpu.core_type = #tpu.core_type<tc>, window_params = [{transform_indices = @transform_0, window_bounds = array<i64: 256, 2048>}, {pipeline_mode = #tpu.pipeline_mode<synchronous>, transform_indices = @transform_1, window_bounds = array<i64: 2048, 3072>}, {pipeline_mode = #tpu.pipeline_mode<synchronous>, transform_indices = @transform_2, window_bounds = array<i64: 1, 3072>}, {transform_indices = @transform_3, window_bounds = array<i64: 256, 32>}, {transform_indices = @transform_4, window_bounds = array<i64: 256, 32>}, {pipeline_mode = #tpu.pipeline_mode<synchronous>, transform_indices = @transform_5, window_bounds = array<i64: 1, 2048>}, {transform_indices = @transform_6, window_bounds = array<i64: 256, 3072>}]} {
    %get3A = arith.constant 0 : index
    %get3A_0 = arith.constant 0 : index
    %get3A_1 = vector.load %arg1[%get3A, %get3A_0] : memref<256x2048xf32, #tpu.memory_space<vmem>>, vector<256x2048xf32>
    %mul3A = arith.mulf %get3A_1, %get3A_1 : vector<256x2048xf32>
    %reduce_sum3A = arith.constant dense<0.000000e+00> : vector<256xf32>
    %reduce_sum3A_2 = vector.multi_reduction <add>, %mul3A, %reduce_sum3A [1] : vector<256x2048xf32> to vector<256xf32>
    %broadcast_in_dim3A = vector.shape_cast %reduce_sum3A_2 : vector<256xf32> to vector<256x1xf32>
    %div3A = arith.constant 2.048000e+03 : f32
    %div3A_3 = vector.broadcast %div3A : f32 to vector<256x1xf32>
    %div3A_4 = arith.divf %broadcast_in_dim3A, %div3A_3 : vector<256x1xf32>
    %add3A = arith.constant 9.99999974E-6 : f32
    %add3A_5 = vector.broadcast %add3A : f32 to vector<256x1xf32>
    %add3A_6 = arith.addf %div3A_4, %add3A_5 : vector<256x1xf32>
    %rsqrt3A = math.rsqrt %add3A_6 : vector<256x1xf32>
    %mul3A_7 = vector.broadcast %rsqrt3A : vector<256x1xf32> to vector<256x2048xf32>
    %mul3A_8 = arith.mulf %get3A_1, %mul3A_7 : vector<256x2048xf32>
    %get3A_9 = arith.constant 0 : index
    %get3A_10 = arith.constant 0 : index
    %get3A_11 = vector.load %arg6[%get3A_9, %get3A_10] : memref<1x2048xf32, #tpu.memory_space<vmem>>, vector<1x2048xf32>
    %mul3A_12 = vector.broadcast %get3A_11 : vector<1x2048xf32> to vector<256x2048xf32>
    %mul3A_13 = arith.mulf %mul3A_8, %mul3A_12 : vector<256x2048xf32>
    %convert_element_type3A = arith.truncf %mul3A_13 : vector<256x2048xf32> to vector<256x2048xbf16>
    %get3A_14 = arith.constant 0 : index
    %get3A_15 = arith.constant 0 : index
    %get3A_16 = vector.load %arg2[%get3A_14, %get3A_15] : memref<2048x3072xbf16, #tpu.memory_space<vmem>>, vector<2048x3072xbf16>
    %dot_general3A = arith.constant dense<0.000000e+00> : vector<256x3072xf32>
    %dot_general3A_17 = tpu.matmul %convert_element_type3A, %get3A_16, %dot_general3A {dimension_numbers = #tpu.dot_dimension_numbers<[1], [0], [0], [1], [0, 0, 1, 1], [], []>, transpose_lhs_hint = false} : vector<256x2048xbf16>, vector<2048x3072xbf16>, vector<256x3072xf32> -> vector<256x3072xf32>
    %get3A_18 = arith.constant 0 : index
    %get3A_19 = arith.constant 0 : index
    %get3A_20 = vector.load %arg3[%get3A_18, %get3A_19] : memref<1x3072xf32, #tpu.memory_space<vmem>>, vector<1x3072xf32>
    %add3A_21 = vector.broadcast %get3A_20 : vector<1x3072xf32> to vector<256x3072xf32>
    %add3A_22 = arith.addf %dot_general3A_17, %add3A_21 : vector<256x3072xf32>
    %get3A_23 = arith.constant 0 : index
    %get3A_24 = arith.constant 0 : index
    %get3A_25 = vector.load %arg4[%get3A_23, %get3A_24] : memref<256x32xf32, #tpu.memory_space<vmem>>, vector<256x32xf32>
    %get3A_26 = arith.constant 0 : index
    %get3A_27 = arith.constant 0 : index
    %get3A_28 = vector.load %arg5[%get3A_26, %get3A_27] : memref<256x32xf32, #tpu.memory_space<vmem>>, vector<256x32xf32>
    %slice3A = vector.extract_strided_slice %add3A_22 {offsets = [0, 0], sizes = [256, 32], strides = [1, 1]} : vector<256x3072xf32> to vector<256x32xf32>
    %slice3A_29 = vector.extract_strided_slice %add3A_22 {offsets = [0, 32], sizes = [256, 32], strides = [1, 1]} : vector<256x3072xf32> to vector<256x32xf32>
    %mul3A_30 = arith.mulf %slice3A, %get3A_25 : vector<256x32xf32>
    %mul3A_31 = arith.mulf %slice3A_29, %get3A_28 : vector<256x32xf32>
    %sub3A = arith.subf %mul3A_30, %mul3A_31 : vector<256x32xf32>
    %convert_element_type3A_32 = arith.truncf %sub3A : vector<256x32xf32> to vector<256x32xbf16>
    %swap3A = arith.constant 0 : index
    %swap3A_33 = arith.constant 0 : index
    %swap3A_34 = vector.load %arg7[%swap3A, %swap3A_33] : memref<256x3072xbf16, #tpu.memory_space<vmem>>, vector<256x32xbf16>
    tpu.vector_store %arg7[%swap3A, %swap3A_33], %convert_element_type3A_32 {strides = array<i32>} : memref<256x3072xbf16, #tpu.memory_space<vmem>>, vector<256x32xbf16>,
    %mul3A_35 = arith.mulf %slice3A_29, %get3A_25 : vector<256x32xf32>
    %mul3A_36 = arith.mulf %slice3A, %get3A_28 : vector<256x32xf32>
    %add3A_37 = arith.addf %mul3A_35, %mul3A_36 : vector<256x32xf32>
    %convert_element_type3A_38 = arith.truncf %add3A_37 : vector<256x32xf32> to vector<256x32xbf16>
    %swap3A_39 = arith.constant 0 : index
    %swap3A_40 = arith.constant 32 : index
    %swap3A_41 = vector.load %arg7[%swap3A_39, %swap3A_40] : memref<256x3072xbf16, #tpu.memory_space<vmem>>, vector<256x32xbf16>
    tpu.vector_store %arg7[%swap3A_39, %swap3A_40], %convert_element_type3A_38 {strides = array<i32>} : memref<256x3072xbf16, #tpu.memory_space<vmem>>, vector<256x32xbf16>,
    %slice3A_42 = vector.extract_strided_slice %add3A_22 {offsets = [0, 64], sizes = [256, 64], strides = [1, 1]} : vector<256x3072xf32> to vector<256x64xf32>
    %convert_element_type3A_43 = arith.truncf %slice3A_42 : vector<256x64xf32> to vector<256x64xbf16>
    %swap3A_44 = arith.constant 0 : index
    %swap3A_45 = arith.constant 64 : index
    %swap3A_46 = vector.load %arg7[%swap3A_44, %swap3A_45] : memref<256x3072xbf16, #tpu.memory_space<vmem>>, vector<256x64xbf16>
    tpu.vector_store %arg7[%swap3A_44, %swap3A_45], %convert_element_type3A_43 {strides = array<i32>} : memref<256x3072xbf16, #tpu.memory_space<vmem>>, vector<256x64xbf16>,
    %slice3A_47 = vector.extract_strided_slice %add3A_22 {offsets = [0, 128], sizes = [256, 32], strides = [1, 1]} : vector<256x3072xf32> to vector<256x32xf32>
    %slice3A_48 = vector.extract_strided_slice %add3A_22 {offsets = [0, 160], sizes = [256, 32], strides = [1, 1]} : vector<256x3072xf32> to vector<256x32xf32>
    %mul3A_49 = arith.mulf %slice3A_47, %get3A_25 : vector<256x32xf32>
    %mul3A_50 = arith.mulf %slice3A_48, %get3A_28 : vector<256x32xf32>
    %sub3A_51 = arith.subf %mul3A_49, %mul3A_50 : vector<256x32xf32>
    %convert_element_type3A_52 = arith.truncf %sub3A_51 : vector<256x32xf32> to vector<256x32xbf16>
    %swap3A_53 = arith.constant 0 : index
    %swap3A_54 = arith.constant 128 : index
    %swap3A_55 = vector.load %arg7[%swap3A_53, %swap3A_54] : memref<256x3072xbf16, #tpu.memory_space<vmem>>, vector<256x32xbf16>
    tpu.vector_store %arg7[%swap3A_53, %swap3A_54], %convert_element_type3A_52 {strides = array<i32>} : memref<256x3072xbf16, #tpu.memory_space<vmem>>, vector<256x32xbf16>,
    %mul3A_56 = arith.mulf %slice3A_48, %get3A_25 : vector<256x32xf32>
    %mul3A_57 = arith.mulf %slice3A_47, %get3A_28 : vector<256x32xf32>
    %add3A_58 = arith.addf %mul3A_56, %mul3A_57 : vector<256x32xf32>
    %convert_element_type3A_59 = arith.truncf %add3A_58 : vector<256x32xf32> to vector<256x32xbf16>
    %swap3A_60 = arith.constant 0 : index
    %swap3A_61 = arith.constant 160 : index
    %swap3A_62 = vector.load %arg7[%swap3A_60, %swap3A_61] : memref<256x3072xbf16, #tpu.memory_space<vmem>>, vector<256x32xbf16>
    tpu.vector_store %arg7[%swap3A_60, %swap3A_61], %convert_element_type3A_59 {strides = array<i32>} : memref<256x3072xbf16, #tpu.memory_space<vmem>>, vector<256x32xbf16>,
    %slice3A_63 = vector.extract_strided_slice %add3A_22 {offsets = [0, 192], sizes = [256, 64], strides = [1, 1]} : vector<256x3072xf32> to vector<256x64xf32>
    %convert_element_type3A_64 = arith.truncf %slice3A_63 : vector<256x64xf32> to vector<256x64xbf16>
    %swap3A_65 = arith.constant 0 : index
    %swap3A_66 = arith.constant 192 : index
    %swap3A_67 = vector.load %arg7[%swap3A_65, %swap3A_66] : memref<256x3072xbf16, #tpu.memory_space<vmem>>, vector<256x64xbf16>
    tpu.vector_store %arg7[%swap3A_65, %swap3A_66], %convert_element_type3A_64 {strides = array<i32>} : memref<256x3072xbf16, #tpu.memory_space<vmem>>, vector<256x64xbf16>,
    %slice3A_68 = vector.extract_strided_slice %add3A_22 {offsets = [0, 256], sizes = [256, 32], strides = [1, 1]} : vector<256x3072xf32> to vector<256x32xf32>
    %slice3A_69 = vector.extract_strided_slice %add3A_22 {offsets = [0, 288], sizes = [256, 32], strides = [1, 1]} : vector<256x3072xf32> to vector<256x32xf32>
    %mul3A_70 = arith.mulf %slice3A_68, %get3A_25 : vector<256x32xf32>
    %mul3A_71 = arith.mulf %slice3A_69, %get3A_28 : vector<256x32xf32>
    %sub3A_72 = arith.subf %mul3A_70, %mul3A_71 : vector<256x32xf32>
    %convert_element_type3A_73 = arith.truncf %sub3A_72 : vector<256x32xf32> to vector<256x32xbf16>
    %swap3A_74 = arith.constant 0 : index
    %swap3A_75 = arith.constant 256 : index
    %swap3A_76 = vector.load %arg7[%swap3A_74, %swap3A_75] : memref<256x3072xbf16, #tpu.memory_space<vmem>>, vector<256x32xbf16>
    tpu.vector_store %arg7[%swap3A_74, %swap3A_75], %convert_element_type3A_73 {strides = array<i32>} : memref<256x3072xbf16, #tpu.memory_space<vmem>>, vector<256x32xbf16>,
    %mul3A_77 = arith.mulf %slice3A_69, %get3A_25 : vector<256x32xf32>
    %mul3A_78 = arith.mulf %slice3A_68, %get3A_28 : vector<256x32xf32>
    %add3A_79 = arith.addf %mul3A_77, %mul3A_78 : vector<256x32xf32>
    %convert_element_type3A_80 = arith.truncf %add3A_79 : vector<256x32xf32> to vector<256x32xbf16>
    %swap3A_81 = arith.constant 0 : index
    %swap3A_82 = arith.constant 288 : index
    %swap3A_83 = vector.load %arg7[%swap3A_81, %swap3A_82] : memref<256x3072xbf16, #tpu.memory_space<vmem>>, vector<256x32xbf16>
    tpu.vector_store %arg7[%swap3A_81, %swap3A_82], %convert_element_type3A_80 {strides = array<i32>} : memref<256x3072xbf16, #tpu.memory_space<vmem>>, vector<256x32xbf16>,
    %slice3A_84 = vector.extract_strided_slice %add3A_22 {offsets = [0, 320], sizes = [256, 64], strides = [1, 1]} : vector<256x3072xf32> to vector<256x64xf32>
    %convert_element_type3A_85 = arith.truncf %slice3A_84 : vector<256x64xf32> to vector<256x64xbf16>
    %swap3A_86 = arith.constant 0 : index
    %swap3A_87 = arith.constant 320 : index
    %swap3A_88 = vector.load %arg7[%swap3A_86, %swap3A_87] : memref<256x3072xbf16, #tpu.memory_space<vmem>>, vector<256x64xbf16>
    tpu.vector_store %arg7[%swap3A_86, %swap3A_87], %convert_element_type3A_85 {strides = array<i32>} : memref<256x3072xbf16, #tpu.memory_space<vmem>>, vector<256x64xbf16>,
    %slice3A_89 = vector.extract_strided_slice %add3A_22 {offsets = [0, 384], sizes = [256, 32], strides = [1, 1]} : vector<256x3072xf32> to vector<256x32xf32>
    %slice3A_90 = vector.extract_strided_slice %add3A_22 {offsets = [0, 416], sizes = [256, 32], strides = [1, 1]} : vector<256x3072xf32> to vector<256x32xf32>
    %mul3A_91 = arith.mulf %slice3A_89, %get3A_25 : vector<256x32xf32>
    %mul3A_92 = arith.mulf %slice3A_90, %get3A_28 : vector<256x32xf32>
    %sub3A_93 = arith.subf %mul3A_91, %mul3A_92 : vector<256x32xf32>
    %convert_element_type3A_94 = arith.truncf %sub3A_93 : vector<256x32xf32> to vector<256x32xbf16>
    %swap3A_95 = arith.constant 0 : index
    %swap3A_96 = arith.constant 384 : index
    %swap3A_97 = vector.load %arg7[%swap3A_95, %swap3A_96] : memref<256x3072xbf16, #tpu.memory_space<vmem>>, vector<256x32xbf16>
    tpu.vector_store %arg7[%swap3A_95, %swap3A_96], %convert_element_type3A_94 {strides = array<i32>} : memref<256x3072xbf16, #tpu.memory_space<vmem>>, vector<256x32xbf16>,
    %mul3A_98 = arith.mulf %slice3A_90, %get3A_25 : vector<256x32xf32>
    %mul3A_99 = arith.mulf %slice3A_89, %get3A_28 : vector<256x32xf32>
    %add3A_100 = arith.addf %mul3A_98, %mul3A_99 : vector<256x32xf32>
    %convert_element_type3A_101 = arith.truncf %add3A_100 : vector<256x32xf32> to vector<256x32xbf16>
    %swap3A_102 = arith.constant 0 : index
    %swap3A_103 = arith.constant 416 : index
    %swap3A_104 = vector.load %arg7[%swap3A_102, %swap3A_103] : memref<256x3072xbf16, #tpu.memory_space<vmem>>, vector<256x32xbf16>
    tpu.vector_store %arg7[%swap3A_102, %swap3A_103], %convert_element_type3A_101 {strides = array<i32>} : memref<256x3072xbf16, #tpu.memory_space<vmem>>, vector<256x32xbf16>,
    %slice3A_105 = vector.extract_strided_slice %add3A_22 {offsets = [0, 448], sizes = [256, 64], strides = [1, 1]} : vector<256x3072xf32> to vector<256x64xf32>
    %convert_element_type3A_106 = arith.truncf %slice3A_105 : vector<256x64xf32> to vector<256x64xbf16>
    %swap3A_107 = arith.constant 0 : index
    %swap3A_108 = arith.constant 448 : index
    %swap3A_109 = vector.load %arg7[%swap3A_107, %swap3A_108] : memref<256x3072xbf16, #tpu.memory_space<vmem>>, vector<256x64xbf16>
    tpu.vector_store %arg7[%swap3A_107, %swap3A_108], %convert_element_type3A_106 {strides = array<i32>} : memref<256x3072xbf16, #tpu.memory_space<vmem>>, vector<256x64xbf16>,
    %slice3A_110 = vector.extract_strided_slice %add3A_22 {offsets = [0, 512], sizes = [256, 32], strides = [1, 1]} : vector<256x3072xf32> to vector<256x32xf32>
    %slice3A_111 = vector.extract_strided_slice %add3A_22 {offsets = [0, 544], sizes = [256, 32], strides = [1, 1]} : vector<256x3072xf32> to vector<256x32xf32>
    %mul3A_112 = arith.mulf %slice3A_110, %get3A_25 : vector<256x32xf32>
    %mul3A_113 = arith.mulf %slice3A_111, %get3A_28 : vector<256x32xf32>
    %sub3A_114 = arith.subf %mul3A_112, %mul3A_113 : vector<256x32xf32>
    %convert_element_type3A_115 = arith.truncf %sub3A_114 : vector<256x32xf32> to vector<256x32xbf16>
    %swap3A_116 = arith.constant 0 : index
    %swap3A_117 = arith.constant 512 : index
    %swap3A_118 = vector.load %arg7[%swap3A_116, %swap3A_117] : memref<256x3072xbf16, #tpu.memory_space<vmem>>, vector<256x32xbf16>
    tpu.vector_store %arg7[%swap3A_116, %swap3A_117], %convert_element_type3A_115 {strides = array<i32>} : memref<256x3072xbf16, #tpu.memory_space<vmem>>, vector<256x32xbf16>,
    %mul3A_119 = arith.mulf %slice3A_111, %get3A_25 : vector<256x32xf32>
    %mul3A_120 = arith.mulf %slice3A_110, %get3A_28 : vector<256x32xf32>
    %add3A_121 = arith.addf %mul3A_119, %mul3A_120 : vector<256x32xf32>
    %convert_element_type3A_122 = arith.truncf %add3A_121 : vector<256x32xf32> to vector<256x32xbf16>
    %swap3A_123 = arith.constant 0 : index
    %swap3A_124 = arith.constant 544 : index
    %swap3A_125 = vector.load %arg7[%swap3A_123, %swap3A_124] : memref<256x3072xbf16, #tpu.memory_space<vmem>>, vector<256x32xbf16>
    tpu.vector_store %arg7[%swap3A_123, %swap3A_124], %convert_element_type3A_122 {strides = array<i32>} : memref<256x3072xbf16, #tpu.memory_space<vmem>>, vector<256x32xbf16>,
    %slice3A_126 = vector.extract_strided_slice %add3A_22 {offsets = [0, 576], sizes = [256, 64], strides = [1, 1]} : vector<256x3072xf32> to vector<256x64xf32>
    %convert_element_type3A_127 = arith.truncf %slice3A_126 : vector<256x64xf32> to vector<256x64xbf16>
    %swap3A_128 = arith.constant 0 : index
    %swap3A_129 = arith.constant 576 : index
    %swap3A_130 = vector.load %arg7[%swap3A_128, %swap3A_129] : memref<256x3072xbf16, #tpu.memory_space<vmem>>, vector<256x64xbf16>
    tpu.vector_store %arg7[%swap3A_128, %swap3A_129], %convert_element_type3A_127 {strides = array<i32>} : memref<256x3072xbf16, #tpu.memory_space<vmem>>, vector<256x64xbf16>,
    %slice3A_131 = vector.extract_strided_slice %add3A_22 {offsets = [0, 640], sizes = [256, 32], strides = [1, 1]} : vector<256x3072xf32> to vector<256x32xf32>
    %slice3A_132 = vector.extract_strided_slice %add3A_22 {offsets = [0, 672], sizes = [256, 32], strides = [1, 1]} : vector<256x3072xf32> to vector<256x32xf32>
    %mul3A_133 = arith.mulf %slice3A_131, %get3A_25 : vector<256x32xf32>
    %mul3A_134 = arith.mulf %slice3A_132, %get3A_28 : vector<256x32xf32>
    %sub3A_135 = arith.subf %mul3A_133, %mul3A_134 : vector<256x32xf32>
    %convert_element_type3A_136 = arith.truncf %sub3A_135 : vector<256x32xf32> to vector<256x32xbf16>
    %swap3A_137 = arith.constant 0 : index
    %swap3A_138 = arith.constant 640 : index
    %swap3A_139 = vector.load %arg7[%swap3A_137, %swap3A_138] : memref<256x3072xbf16, #tpu.memory_space<vmem>>, vector<256x32xbf16>
    tpu.vector_store %arg7[%swap3A_137, %swap3A_138], %convert_element_type3A_136 {strides = array<i32>} : memref<256x3072xbf16, #tpu.memory_space<vmem>>, vector<256x32xbf16>,
    %mul3A_140 = arith.mulf %slice3A_132, %get3A_25 : vector<256x32xf32>
    %mul3A_141 = arith.mulf %slice3A_131, %get3A_28 : vector<256x32xf32>
    %add3A_142 = arith.addf %mul3A_140, %mul3A_141 : vector<256x32xf32>
    %convert_element_type3A_143 = arith.truncf %add3A_142 : vector<256x32xf32> to vector<256x32xbf16>
    %swap3A_144 = arith.constant 0 : index
    %swap3A_145 = arith.constant 672 : index
    %swap3A_146 = vector.load %arg7[%swap3A_144, %swap3A_145] : memref<256x3072xbf16, #tpu.memory_space<vmem>>, vector<256x32xbf16>
    tpu.vector_store %arg7[%swap3A_144, %swap3A_145], %convert_element_type3A_143 {strides = array<i32>} : memref<256x3072xbf16, #tpu.memory_space<vmem>>, vector<256x32xbf16>,
    %slice3A_147 = vector.extract_strided_slice %add3A_22 {offsets = [0, 704], sizes = [256, 64], strides = [1, 1]} : vector<256x3072xf32> to vector<256x64xf32>
    %convert_element_type3A_148 = arith.truncf %slice3A_147 : vector<256x64xf32> to vector<256x64xbf16>
    %swap3A_149 = arith.constant 0 : index
    %swap3A_150 = arith.constant 704 : index
    %swap3A_151 = vector.load %arg7[%swap3A_149, %swap3A_150] : memref<256x3072xbf16, #tpu.memory_space<vmem>>, vector<256x64xbf16>
    tpu.vector_store %arg7[%swap3A_149, %swap3A_150], %convert_element_type3A_148 {strides = array<i32>} : memref<256x3072xbf16, #tpu.memory_space<vmem>>, vector<256x64xbf16>,
    %slice3A_152 = vector.extract_strided_slice %add3A_22 {offsets = [0, 768], sizes = [256, 32], strides = [1, 1]} : vector<256x3072xf32> to vector<256x32xf32>
    %slice3A_153 = vector.extract_strided_slice %add3A_22 {offsets = [0, 800], sizes = [256, 32], strides = [1, 1]} : vector<256x3072xf32> to vector<256x32xf32>
    %mul3A_154 = arith.mulf %slice3A_152, %get3A_25 : vector<256x32xf32>
    %mul3A_155 = arith.mulf %slice3A_153, %get3A_28 : vector<256x32xf32>
    %sub3A_156 = arith.subf %mul3A_154, %mul3A_155 : vector<256x32xf32>
    %convert_element_type3A_157 = arith.truncf %sub3A_156 : vector<256x32xf32> to vector<256x32xbf16>
    %swap3A_158 = arith.constant 0 : index
    %swap3A_159 = arith.constant 768 : index
    %swap3A_160 = vector.load %arg7[%swap3A_158, %swap3A_159] : memref<256x3072xbf16, #tpu.memory_space<vmem>>, vector<256x32xbf16>
    tpu.vector_store %arg7[%swap3A_158, %swap3A_159], %convert_element_type3A_157 {strides = array<i32>} : memref<256x3072xbf16, #tpu.memory_space<vmem>>, vector<256x32xbf16>,
    %mul3A_161 = arith.mulf %slice3A_153, %get3A_25 : vector<256x32xf32>
    %mul3A_162 = arith.mulf %slice3A_152, %get3A_28 : vector<256x32xf32>
    %add3A_163 = arith.addf %mul3A_161, %mul3A_162 : vector<256x32xf32>
    %convert_element_type3A_164 = arith.truncf %add3A_163 : vector<256x32xf32> to vector<256x32xbf16>
    %swap3A_165 = arith.constant 0 : index
    %swap3A_166 = arith.constant 800 : index
    %swap3A_167 = vector.load %arg7[%swap3A_165, %swap3A_166] : memref<256x3072xbf16, #tpu.memory_space<vmem>>, vector<256x32xbf16>
    tpu.vector_store %arg7[%swap3A_165, %swap3A_166], %convert_element_type3A_164 {strides = array<i32>} : memref<256x3072xbf16, #tpu.memory_space<vmem>>, vector<256x32xbf16>,
    %slice3A_168 = vector.extract_strided_slice %add3A_22 {offsets = [0, 832], sizes = [256, 64], strides = [1, 1]} : vector<256x3072xf32> to vector<256x64xf32>
    %convert_element_type3A_169 = arith.truncf %slice3A_168 : vector<256x64xf32> to vector<256x64xbf16>
    %swap3A_170 = arith.constant 0 : index
    %swap3A_171 = arith.constant 832 : index
    %swap3A_172 = vector.load %arg7[%swap3A_170, %swap3A_171] : memref<256x3072xbf16, #tpu.memory_space<vmem>>, vector<256x64xbf16>
    tpu.vector_store %arg7[%swap3A_170, %swap3A_171], %convert_element_type3A_169 {strides = array<i32>} : memref<256x3072xbf16, #tpu.memory_space<vmem>>, vector<256x64xbf16>,
    %slice3A_173 = vector.extract_strided_slice %add3A_22 {offsets = [0, 896], sizes = [256, 32], strides = [1, 1]} : vector<256x3072xf32> to vector<256x32xf32>
    %slice3A_174 = vector.extract_strided_slice %add3A_22 {offsets = [0, 928], sizes = [256, 32], strides = [1, 1]} : vector<256x3072xf32> to vector<256x32xf32>
    %mul3A_175 = arith.mulf %slice3A_173, %get3A_25 : vector<256x32xf32>
    %mul3A_176 = arith.mulf %slice3A_174, %get3A_28 : vector<256x32xf32>
    %sub3A_177 = arith.subf %mul3A_175, %mul3A_176 : vector<256x32xf32>
    %convert_element_type3A_178 = arith.truncf %sub3A_177 : vector<256x32xf32> to vector<256x32xbf16>
    %swap3A_179 = arith.constant 0 : index
    %swap3A_180 = arith.constant 896 : index
    %swap3A_181 = vector.load %arg7[%swap3A_179, %swap3A_180] : memref<256x3072xbf16, #tpu.memory_space<vmem>>, vector<256x32xbf16>
    tpu.vector_store %arg7[%swap3A_179, %swap3A_180], %convert_element_type3A_178 {strides = array<i32>} : memref<256x3072xbf16, #tpu.memory_space<vmem>>, vector<256x32xbf16>,
    %mul3A_182 = arith.mulf %slice3A_174, %get3A_25 : vector<256x32xf32>
    %mul3A_183 = arith.mulf %slice3A_173, %get3A_28 : vector<256x32xf32>
    %add3A_184 = arith.addf %mul3A_182, %mul3A_183 : vector<256x32xf32>
    %convert_element_type3A_185 = arith.truncf %add3A_184 : vector<256x32xf32> to vector<256x32xbf16>
    %swap3A_186 = arith.constant 0 : index
    %swap3A_187 = arith.constant 928 : index
    %swap3A_188 = vector.load %arg7[%swap3A_186, %swap3A_187] : memref<256x3072xbf16, #tpu.memory_space<vmem>>, vector<256x32xbf16>
    tpu.vector_store %arg7[%swap3A_186, %swap3A_187], %convert_element_type3A_185 {strides = array<i32>} : memref<256x3072xbf16, #tpu.memory_space<vmem>>, vector<256x32xbf16>,
    %slice3A_189 = vector.extract_strided_slice %add3A_22 {offsets = [0, 960], sizes = [256, 64], strides = [1, 1]} : vector<256x3072xf32> to vector<256x64xf32>
    %convert_element_type3A_190 = arith.truncf %slice3A_189 : vector<256x64xf32> to vector<256x64xbf16>
    %swap3A_191 = arith.constant 0 : index
    %swap3A_192 = arith.constant 960 : index
    %swap3A_193 = vector.load %arg7[%swap3A_191, %swap3A_192] : memref<256x3072xbf16, #tpu.memory_space<vmem>>, vector<256x64xbf16>
    tpu.vector_store %arg7[%swap3A_191, %swap3A_192], %convert_element_type3A_190 {strides = array<i32>} : memref<256x3072xbf16, #tpu.memory_space<vmem>>, vector<256x64xbf16>,
    %slice3A_194 = vector.extract_strided_slice %add3A_22 {offsets = [0, 1024], sizes = [256, 32], strides = [1, 1]} : vector<256x3072xf32> to vector<256x32xf32>
    %slice3A_195 = vector.extract_strided_slice %add3A_22 {offsets = [0, 1056], sizes = [256, 32], strides = [1, 1]} : vector<256x3072xf32> to vector<256x32xf32>
    %mul3A_196 = arith.mulf %slice3A_194, %get3A_25 : vector<256x32xf32>
    %mul3A_197 = arith.mulf %slice3A_195, %get3A_28 : vector<256x32xf32>
    %sub3A_198 = arith.subf %mul3A_196, %mul3A_197 : vector<256x32xf32>
    %convert_element_type3A_199 = arith.truncf %sub3A_198 : vector<256x32xf32> to vector<256x32xbf16>
    %swap3A_200 = arith.constant 0 : index
    %swap3A_201 = arith.constant 1024 : index
    %swap3A_202 = vector.load %arg7[%swap3A_200, %swap3A_201] : memref<256x3072xbf16, #tpu.memory_space<vmem>>, vector<256x32xbf16>
    tpu.vector_store %arg7[%swap3A_200, %swap3A_201], %convert_element_type3A_199 {strides = array<i32>} : memref<256x3072xbf16, #tpu.memory_space<vmem>>, vector<256x32xbf16>,
    %mul3A_203 = arith.mulf %slice3A_195, %get3A_25 : vector<256x32xf32>
    %mul3A_204 = arith.mulf %slice3A_194, %get3A_28 : vector<256x32xf32>
    %add3A_205 = arith.addf %mul3A_203, %mul3A_204 : vector<256x32xf32>
    %convert_element_type3A_206 = arith.truncf %add3A_205 : vector<256x32xf32> to vector<256x32xbf16>
    %swap3A_207 = arith.constant 0 : index
    %swap3A_208 = arith.constant 1056 : index
    %swap3A_209 = vector.load %arg7[%swap3A_207, %swap3A_208] : memref<256x3072xbf16, #tpu.memory_space<vmem>>, vector<256x32xbf16>
    tpu.vector_store %arg7[%swap3A_207, %swap3A_208], %convert_element_type3A_206 {strides = array<i32>} : memref<256x3072xbf16, #tpu.memory_space<vmem>>, vector<256x32xbf16>,
    %slice3A_210 = vector.extract_strided_slice %add3A_22 {offsets = [0, 1088], sizes = [256, 64], strides = [1, 1]} : vector<256x3072xf32> to vector<256x64xf32>
    %convert_element_type3A_211 = arith.truncf %slice3A_210 : vector<256x64xf32> to vector<256x64xbf16>
    %swap3A_212 = arith.constant 0 : index
    %swap3A_213 = arith.constant 1088 : index
    %swap3A_214 = vector.load %arg7[%swap3A_212, %swap3A_213] : memref<256x3072xbf16, #tpu.memory_space<vmem>>, vector<256x64xbf16>
    tpu.vector_store %arg7[%swap3A_212, %swap3A_213], %convert_element_type3A_211 {strides = array<i32>} : memref<256x3072xbf16, #tpu.memory_space<vmem>>, vector<256x64xbf16>,
    %slice3A_215 = vector.extract_strided_slice %add3A_22 {offsets = [0, 1152], sizes = [256, 32], strides = [1, 1]} : vector<256x3072xf32> to vector<256x32xf32>
    %slice3A_216 = vector.extract_strided_slice %add3A_22 {offsets = [0, 1184], sizes = [256, 32], strides = [1, 1]} : vector<256x3072xf32> to vector<256x32xf32>
    %mul3A_217 = arith.mulf %slice3A_215, %get3A_25 : vector<256x32xf32>
    %mul3A_218 = arith.mulf %slice3A_216, %get3A_28 : vector<256x32xf32>
    %sub3A_219 = arith.subf %mul3A_217, %mul3A_218 : vector<256x32xf32>
    %convert_element_type3A_220 = arith.truncf %sub3A_219 : vector<256x32xf32> to vector<256x32xbf16>
    %swap3A_221 = arith.constant 0 : index
    %swap3A_222 = arith.constant 1152 : index
    %swap3A_223 = vector.load %arg7[%swap3A_221, %swap3A_222] : memref<256x3072xbf16, #tpu.memory_space<vmem>>, vector<256x32xbf16>
    tpu.vector_store %arg7[%swap3A_221, %swap3A_222], %convert_element_type3A_220 {strides = array<i32>} : memref<256x3072xbf16, #tpu.memory_space<vmem>>, vector<256x32xbf16>,
    %mul3A_224 = arith.mulf %slice3A_216, %get3A_25 : vector<256x32xf32>
    %mul3A_225 = arith.mulf %slice3A_215, %get3A_28 : vector<256x32xf32>
    %add3A_226 = arith.addf %mul3A_224, %mul3A_225 : vector<256x32xf32>
    %convert_element_type3A_227 = arith.truncf %add3A_226 : vector<256x32xf32> to vector<256x32xbf16>
    %swap3A_228 = arith.constant 0 : index
    %swap3A_229 = arith.constant 1184 : index
    %swap3A_230 = vector.load %arg7[%swap3A_228, %swap3A_229] : memref<256x3072xbf16, #tpu.memory_space<vmem>>, vector<256x32xbf16>
    tpu.vector_store %arg7[%swap3A_228, %swap3A_229], %convert_element_type3A_227 {strides = array<i32>} : memref<256x3072xbf16, #tpu.memory_space<vmem>>, vector<256x32xbf16>,
    %slice3A_231 = vector.extract_strided_slice %add3A_22 {offsets = [0, 1216], sizes = [256, 64], strides = [1, 1]} : vector<256x3072xf32> to vector<256x64xf32>
    %convert_element_type3A_232 = arith.truncf %slice3A_231 : vector<256x64xf32> to vector<256x64xbf16>
    %swap3A_233 = arith.constant 0 : index
    %swap3A_234 = arith.constant 1216 : index
    %swap3A_235 = vector.load %arg7[%swap3A_233, %swap3A_234] : memref<256x3072xbf16, #tpu.memory_space<vmem>>, vector<256x64xbf16>
    tpu.vector_store %arg7[%swap3A_233, %swap3A_234], %convert_element_type3A_232 {strides = array<i32>} : memref<256x3072xbf16, #tpu.memory_space<vmem>>, vector<256x64xbf16>,
    %slice3A_236 = vector.extract_strided_slice %add3A_22 {offsets = [0, 1280], sizes = [256, 32], strides = [1, 1]} : vector<256x3072xf32> to vector<256x32xf32>
    %slice3A_237 = vector.extract_strided_slice %add3A_22 {offsets = [0, 1312], sizes = [256, 32], strides = [1, 1]} : vector<256x3072xf32> to vector<256x32xf32>
    %mul3A_238 = arith.mulf %slice3A_236, %get3A_25 : vector<256x32xf32>
    %mul3A_239 = arith.mulf %slice3A_237, %get3A_28 : vector<256x32xf32>
    %sub3A_240 = arith.subf %mul3A_238, %mul3A_239 : vector<256x32xf32>
    %convert_element_type3A_241 = arith.truncf %sub3A_240 : vector<256x32xf32> to vector<256x32xbf16>
    %swap3A_242 = arith.constant 0 : index
    %swap3A_243 = arith.constant 1280 : index
    %swap3A_244 = vector.load %arg7[%swap3A_242, %swap3A_243] : memref<256x3072xbf16, #tpu.memory_space<vmem>>, vector<256x32xbf16>
    tpu.vector_store %arg7[%swap3A_242, %swap3A_243], %convert_element_type3A_241 {strides = array<i32>} : memref<256x3072xbf16, #tpu.memory_space<vmem>>, vector<256x32xbf16>,
    %mul3A_245 = arith.mulf %slice3A_237, %get3A_25 : vector<256x32xf32>
    %mul3A_246 = arith.mulf %slice3A_236, %get3A_28 : vector<256x32xf32>
    %add3A_247 = arith.addf %mul3A_245, %mul3A_246 : vector<256x32xf32>
    %convert_element_type3A_248 = arith.truncf %add3A_247 : vector<256x32xf32> to vector<256x32xbf16>
    %swap3A_249 = arith.constant 0 : index
    %swap3A_250 = arith.constant 1312 : index
    %swap3A_251 = vector.load %arg7[%swap3A_249, %swap3A_250] : memref<256x3072xbf16, #tpu.memory_space<vmem>>, vector<256x32xbf16>
    tpu.vector_store %arg7[%swap3A_249, %swap3A_250], %convert_element_type3A_248 {strides = array<i32>} : memref<256x3072xbf16, #tpu.memory_space<vmem>>, vector<256x32xbf16>,
    %slice3A_252 = vector.extract_strided_slice %add3A_22 {offsets = [0, 1344], sizes = [256, 64], strides = [1, 1]} : vector<256x3072xf32> to vector<256x64xf32>
    %convert_element_type3A_253 = arith.truncf %slice3A_252 : vector<256x64xf32> to vector<256x64xbf16>
    %swap3A_254 = arith.constant 0 : index
    %swap3A_255 = arith.constant 1344 : index
    %swap3A_256 = vector.load %arg7[%swap3A_254, %swap3A_255] : memref<256x3072xbf16, #tpu.memory_space<vmem>>, vector<256x64xbf16>
    tpu.vector_store %arg7[%swap3A_254, %swap3A_255], %convert_element_type3A_253 {strides = array<i32>} : memref<256x3072xbf16, #tpu.memory_space<vmem>>, vector<256x64xbf16>,
    %slice3A_257 = vector.extract_strided_slice %add3A_22 {offsets = [0, 1408], sizes = [256, 32], strides = [1, 1]} : vector<256x3072xf32> to vector<256x32xf32>
    %slice3A_258 = vector.extract_strided_slice %add3A_22 {offsets = [0, 1440], sizes = [256, 32], strides = [1, 1]} : vector<256x3072xf32> to vector<256x32xf32>
    %mul3A_259 = arith.mulf %slice3A_257, %get3A_25 : vector<256x32xf32>
    %mul3A_260 = arith.mulf %slice3A_258, %get3A_28 : vector<256x32xf32>
    %sub3A_261 = arith.subf %mul3A_259, %mul3A_260 : vector<256x32xf32>
    %convert_element_type3A_262 = arith.truncf %sub3A_261 : vector<256x32xf32> to vector<256x32xbf16>
    %swap3A_263 = arith.constant 0 : index
    %swap3A_264 = arith.constant 1408 : index
    %swap3A_265 = vector.load %arg7[%swap3A_263, %swap3A_264] : memref<256x3072xbf16, #tpu.memory_space<vmem>>, vector<256x32xbf16>
    tpu.vector_store %arg7[%swap3A_263, %swap3A_264], %convert_element_type3A_262 {strides = array<i32>} : memref<256x3072xbf16, #tpu.memory_space<vmem>>, vector<256x32xbf16>,
    %mul3A_266 = arith.mulf %slice3A_258, %get3A_25 : vector<256x32xf32>
    %mul3A_267 = arith.mulf %slice3A_257, %get3A_28 : vector<256x32xf32>
    %add3A_268 = arith.addf %mul3A_266, %mul3A_267 : vector<256x32xf32>
    %convert_element_type3A_269 = arith.truncf %add3A_268 : vector<256x32xf32> to vector<256x32xbf16>
    %swap3A_270 = arith.constant 0 : index
    %swap3A_271 = arith.constant 1440 : index
    %swap3A_272 = vector.load %arg7[%swap3A_270, %swap3A_271] : memref<256x3072xbf16, #tpu.memory_space<vmem>>, vector<256x32xbf16>
    tpu.vector_store %arg7[%swap3A_270, %swap3A_271], %convert_element_type3A_269 {strides = array<i32>} : memref<256x3072xbf16, #tpu.memory_space<vmem>>, vector<256x32xbf16>,
    %slice3A_273 = vector.extract_strided_slice %add3A_22 {offsets = [0, 1472], sizes = [256, 64], strides = [1, 1]} : vector<256x3072xf32> to vector<256x64xf32>
    %convert_element_type3A_274 = arith.truncf %slice3A_273 : vector<256x64xf32> to vector<256x64xbf16>
    %swap3A_275 = arith.constant 0 : index
    %swap3A_276 = arith.constant 1472 : index
    %swap3A_277 = vector.load %arg7[%swap3A_275, %swap3A_276] : memref<256x3072xbf16, #tpu.memory_space<vmem>>, vector<256x64xbf16>
    tpu.vector_store %arg7[%swap3A_275, %swap3A_276], %convert_element_type3A_274 {strides = array<i32>} : memref<256x3072xbf16, #tpu.memory_space<vmem>>, vector<256x64xbf16>,
    %slice3A_278 = vector.extract_strided_slice %add3A_22 {offsets = [0, 1536], sizes = [256, 32], strides = [1, 1]} : vector<256x3072xf32> to vector<256x32xf32>
    %slice3A_279 = vector.extract_strided_slice %add3A_22 {offsets = [0, 1568], sizes = [256, 32], strides = [1, 1]} : vector<256x3072xf32> to vector<256x32xf32>
    %mul3A_280 = arith.mulf %slice3A_278, %get3A_25 : vector<256x32xf32>
    %mul3A_281 = arith.mulf %slice3A_279, %get3A_28 : vector<256x32xf32>
    %sub3A_282 = arith.subf %mul3A_280, %mul3A_281 : vector<256x32xf32>
    %convert_element_type3A_283 = arith.truncf %sub3A_282 : vector<256x32xf32> to vector<256x32xbf16>
    %swap3A_284 = arith.constant 0 : index
    %swap3A_285 = arith.constant 1536 : index
    %swap3A_286 = vector.load %arg7[%swap3A_284, %swap3A_285] : memref<256x3072xbf16, #tpu.memory_space<vmem>>, vector<256x32xbf16>
    tpu.vector_store %arg7[%swap3A_284, %swap3A_285], %convert_element_type3A_283 {strides = array<i32>} : memref<256x3072xbf16, #tpu.memory_space<vmem>>, vector<256x32xbf16>,
    %mul3A_287 = arith.mulf %slice3A_279, %get3A_25 : vector<256x32xf32>
    %mul3A_288 = arith.mulf %slice3A_278, %get3A_28 : vector<256x32xf32>
    %add3A_289 = arith.addf %mul3A_287, %mul3A_288 : vector<256x32xf32>
    %convert_element_type3A_290 = arith.truncf %add3A_289 : vector<256x32xf32> to vector<256x32xbf16>
    %swap3A_291 = arith.constant 0 : index
    %swap3A_292 = arith.constant 1568 : index
    %swap3A_293 = vector.load %arg7[%swap3A_291, %swap3A_292] : memref<256x3072xbf16, #tpu.memory_space<vmem>>, vector<256x32xbf16>
    tpu.vector_store %arg7[%swap3A_291, %swap3A_292], %convert_element_type3A_290 {strides = array<i32>} : memref<256x3072xbf16, #tpu.memory_space<vmem>>, vector<256x32xbf16>,
    %slice3A_294 = vector.extract_strided_slice %add3A_22 {offsets = [0, 1600], sizes = [256, 64], strides = [1, 1]} : vector<256x3072xf32> to vector<256x64xf32>
    %convert_element_type3A_295 = arith.truncf %slice3A_294 : vector<256x64xf32> to vector<256x64xbf16>
    %swap3A_296 = arith.constant 0 : index
    %swap3A_297 = arith.constant 1600 : index
    %swap3A_298 = vector.load %arg7[%swap3A_296, %swap3A_297] : memref<256x3072xbf16, #tpu.memory_space<vmem>>, vector<256x64xbf16>
    tpu.vector_store %arg7[%swap3A_296, %swap3A_297], %convert_element_type3A_295 {strides = array<i32>} : memref<256x3072xbf16, #tpu.memory_space<vmem>>, vector<256x64xbf16>,
    %slice3A_299 = vector.extract_strided_slice %add3A_22 {offsets = [0, 1664], sizes = [256, 32], strides = [1, 1]} : vector<256x3072xf32> to vector<256x32xf32>
    %slice3A_300 = vector.extract_strided_slice %add3A_22 {offsets = [0, 1696], sizes = [256, 32], strides = [1, 1]} : vector<256x3072xf32> to vector<256x32xf32>
    %mul3A_301 = arith.mulf %slice3A_299, %get3A_25 : vector<256x32xf32>
    %mul3A_302 = arith.mulf %slice3A_300, %get3A_28 : vector<256x32xf32>
    %sub3A_303 = arith.subf %mul3A_301, %mul3A_302 : vector<256x32xf32>
    %convert_element_type3A_304 = arith.truncf %sub3A_303 : vector<256x32xf32> to vector<256x32xbf16>
    %swap3A_305 = arith.constant 0 : index
    %swap3A_306 = arith.constant 1664 : index
    %swap3A_307 = vector.load %arg7[%swap3A_305, %swap3A_306] : memref<256x3072xbf16, #tpu.memory_space<vmem>>, vector<256x32xbf16>
    tpu.vector_store %arg7[%swap3A_305, %swap3A_306], %convert_element_type3A_304 {strides = array<i32>} : memref<256x3072xbf16, #tpu.memory_space<vmem>>, vector<256x32xbf16>,
    %mul3A_308 = arith.mulf %slice3A_300, %get3A_25 : vector<256x32xf32>
    %mul3A_309 = arith.mulf %slice3A_299, %get3A_28 : vector<256x32xf32>
    %add3A_310 = arith.addf %mul3A_308, %mul3A_309 : vector<256x32xf32>
    %convert_element_type3A_311 = arith.truncf %add3A_310 : vector<256x32xf32> to vector<256x32xbf16>
    %swap3A_312 = arith.constant 0 : index
    %swap3A_313 = arith.constant 1696 : index
    %swap3A_314 = vector.load %arg7[%swap3A_312, %swap3A_313] : memref<256x3072xbf16, #tpu.memory_space<vmem>>, vector<256x32xbf16>
    tpu.vector_store %arg7[%swap3A_312, %swap3A_313], %convert_element_type3A_311 {strides = array<i32>} : memref<256x3072xbf16, #tpu.memory_space<vmem>>, vector<256x32xbf16>,
    %slice3A_315 = vector.extract_strided_slice %add3A_22 {offsets = [0, 1728], sizes = [256, 64], strides = [1, 1]} : vector<256x3072xf32> to vector<256x64xf32>
    %convert_element_type3A_316 = arith.truncf %slice3A_315 : vector<256x64xf32> to vector<256x64xbf16>
    %swap3A_317 = arith.constant 0 : index
    %swap3A_318 = arith.constant 1728 : index
    %swap3A_319 = vector.load %arg7[%swap3A_317, %swap3A_318] : memref<256x3072xbf16, #tpu.memory_space<vmem>>, vector<256x64xbf16>
    tpu.vector_store %arg7[%swap3A_317, %swap3A_318], %convert_element_type3A_316 {strides = array<i32>} : memref<256x3072xbf16, #tpu.memory_space<vmem>>, vector<256x64xbf16>,
    %slice3A_320 = vector.extract_strided_slice %add3A_22 {offsets = [0, 1792], sizes = [256, 32], strides = [1, 1]} : vector<256x3072xf32> to vector<256x32xf32>
    %slice3A_321 = vector.extract_strided_slice %add3A_22 {offsets = [0, 1824], sizes = [256, 32], strides = [1, 1]} : vector<256x3072xf32> to vector<256x32xf32>
    %mul3A_322 = arith.mulf %slice3A_320, %get3A_25 : vector<256x32xf32>
    %mul3A_323 = arith.mulf %slice3A_321, %get3A_28 : vector<256x32xf32>
    %sub3A_324 = arith.subf %mul3A_322, %mul3A_323 : vector<256x32xf32>
    %convert_element_type3A_325 = arith.truncf %sub3A_324 : vector<256x32xf32> to vector<256x32xbf16>
    %swap3A_326 = arith.constant 0 : index
    %swap3A_327 = arith.constant 1792 : index
    %swap3A_328 = vector.load %arg7[%swap3A_326, %swap3A_327] : memref<256x3072xbf16, #tpu.memory_space<vmem>>, vector<256x32xbf16>
    tpu.vector_store %arg7[%swap3A_326, %swap3A_327], %convert_element_type3A_325 {strides = array<i32>} : memref<256x3072xbf16, #tpu.memory_space<vmem>>, vector<256x32xbf16>,
    %mul3A_329 = arith.mulf %slice3A_321, %get3A_25 : vector<256x32xf32>
    %mul3A_330 = arith.mulf %slice3A_320, %get3A_28 : vector<256x32xf32>
    %add3A_331 = arith.addf %mul3A_329, %mul3A_330 : vector<256x32xf32>
    %convert_element_type3A_332 = arith.truncf %add3A_331 : vector<256x32xf32> to vector<256x32xbf16>
    %swap3A_333 = arith.constant 0 : index
    %swap3A_334 = arith.constant 1824 : index
    %swap3A_335 = vector.load %arg7[%swap3A_333, %swap3A_334] : memref<256x3072xbf16, #tpu.memory_space<vmem>>, vector<256x32xbf16>
    tpu.vector_store %arg7[%swap3A_333, %swap3A_334], %convert_element_type3A_332 {strides = array<i32>} : memref<256x3072xbf16, #tpu.memory_space<vmem>>, vector<256x32xbf16>,
    %slice3A_336 = vector.extract_strided_slice %add3A_22 {offsets = [0, 1856], sizes = [256, 64], strides = [1, 1]} : vector<256x3072xf32> to vector<256x64xf32>
    %convert_element_type3A_337 = arith.truncf %slice3A_336 : vector<256x64xf32> to vector<256x64xbf16>
    %swap3A_338 = arith.constant 0 : index
    %swap3A_339 = arith.constant 1856 : index
    %swap3A_340 = vector.load %arg7[%swap3A_338, %swap3A_339] : memref<256x3072xbf16, #tpu.memory_space<vmem>>, vector<256x64xbf16>
    tpu.vector_store %arg7[%swap3A_338, %swap3A_339], %convert_element_type3A_337 {strides = array<i32>} : memref<256x3072xbf16, #tpu.memory_space<vmem>>, vector<256x64xbf16>,
    %slice3A_341 = vector.extract_strided_slice %add3A_22 {offsets = [0, 1920], sizes = [256, 32], strides = [1, 1]} : vector<256x3072xf32> to vector<256x32xf32>
    %slice3A_342 = vector.extract_strided_slice %add3A_22 {offsets = [0, 1952], sizes = [256, 32], strides = [1, 1]} : vector<256x3072xf32> to vector<256x32xf32>
    %mul3A_343 = arith.mulf %slice3A_341, %get3A_25 : vector<256x32xf32>
    %mul3A_344 = arith.mulf %slice3A_342, %get3A_28 : vector<256x32xf32>
    %sub3A_345 = arith.subf %mul3A_343, %mul3A_344 : vector<256x32xf32>
    %convert_element_type3A_346 = arith.truncf %sub3A_345 : vector<256x32xf32> to vector<256x32xbf16>
    %swap3A_347 = arith.constant 0 : index
    %swap3A_348 = arith.constant 1920 : index
    %swap3A_349 = vector.load %arg7[%swap3A_347, %swap3A_348] : memref<256x3072xbf16, #tpu.memory_space<vmem>>, vector<256x32xbf16>
    tpu.vector_store %arg7[%swap3A_347, %swap3A_348], %convert_element_type3A_346 {strides = array<i32>} : memref<256x3072xbf16, #tpu.memory_space<vmem>>, vector<256x32xbf16>,
    %mul3A_350 = arith.mulf %slice3A_342, %get3A_25 : vector<256x32xf32>
    %mul3A_351 = arith.mulf %slice3A_341, %get3A_28 : vector<256x32xf32>
    %add3A_352 = arith.addf %mul3A_350, %mul3A_351 : vector<256x32xf32>
    %convert_element_type3A_353 = arith.truncf %add3A_352 : vector<256x32xf32> to vector<256x32xbf16>
    %swap3A_354 = arith.constant 0 : index
    %swap3A_355 = arith.constant 1952 : index
    %swap3A_356 = vector.load %arg7[%swap3A_354, %swap3A_355] : memref<256x3072xbf16, #tpu.memory_space<vmem>>, vector<256x32xbf16>
    tpu.vector_store %arg7[%swap3A_354, %swap3A_355], %convert_element_type3A_353 {strides = array<i32>} : memref<256x3072xbf16, #tpu.memory_space<vmem>>, vector<256x32xbf16>,
    %slice3A_357 = vector.extract_strided_slice %add3A_22 {offsets = [0, 1984], sizes = [256, 64], strides = [1, 1]} : vector<256x3072xf32> to vector<256x64xf32>
    %convert_element_type3A_358 = arith.truncf %slice3A_357 : vector<256x64xf32> to vector<256x64xbf16>
    %swap3A_359 = arith.constant 0 : index
    %swap3A_360 = arith.constant 1984 : index
    %swap3A_361 = vector.load %arg7[%swap3A_359, %swap3A_360] : memref<256x3072xbf16, #tpu.memory_space<vmem>>, vector<256x64xbf16>
    tpu.vector_store %arg7[%swap3A_359, %swap3A_360], %convert_element_type3A_358 {strides = array<i32>} : memref<256x3072xbf16, #tpu.memory_space<vmem>>, vector<256x64xbf16>,
    %slice3A_362 = vector.extract_strided_slice %add3A_22 {offsets = [0, 2048], sizes = [256, 32], strides = [1, 1]} : vector<256x3072xf32> to vector<256x32xf32>
    %slice3A_363 = vector.extract_strided_slice %add3A_22 {offsets = [0, 2080], sizes = [256, 32], strides = [1, 1]} : vector<256x3072xf32> to vector<256x32xf32>
    %mul3A_364 = arith.mulf %slice3A_362, %get3A_25 : vector<256x32xf32>
    %mul3A_365 = arith.mulf %slice3A_363, %get3A_28 : vector<256x32xf32>
    %sub3A_366 = arith.subf %mul3A_364, %mul3A_365 : vector<256x32xf32>
    %convert_element_type3A_367 = arith.truncf %sub3A_366 : vector<256x32xf32> to vector<256x32xbf16>
    %swap3A_368 = arith.constant 0 : index
    %swap3A_369 = arith.constant 2048 : index
    %swap3A_370 = vector.load %arg7[%swap3A_368, %swap3A_369] : memref<256x3072xbf16, #tpu.memory_space<vmem>>, vector<256x32xbf16>
    tpu.vector_store %arg7[%swap3A_368, %swap3A_369], %convert_element_type3A_367 {strides = array<i32>} : memref<256x3072xbf16, #tpu.memory_space<vmem>>, vector<256x32xbf16>,
    %mul3A_371 = arith.mulf %slice3A_363, %get3A_25 : vector<256x32xf32>
    %mul3A_372 = arith.mulf %slice3A_362, %get3A_28 : vector<256x32xf32>
    %add3A_373 = arith.addf %mul3A_371, %mul3A_372 : vector<256x32xf32>
    %convert_element_type3A_374 = arith.truncf %add3A_373 : vector<256x32xf32> to vector<256x32xbf16>
    %swap3A_375 = arith.constant 0 : index
    %swap3A_376 = arith.constant 2080 : index
    %swap3A_377 = vector.load %arg7[%swap3A_375, %swap3A_376] : memref<256x3072xbf16, #tpu.memory_space<vmem>>, vector<256x32xbf16>
    tpu.vector_store %arg7[%swap3A_375, %swap3A_376], %convert_element_type3A_374 {strides = array<i32>} : memref<256x3072xbf16, #tpu.memory_space<vmem>>, vector<256x32xbf16>,
    %slice3A_378 = vector.extract_strided_slice %add3A_22 {offsets = [0, 2112], sizes = [256, 64], strides = [1, 1]} : vector<256x3072xf32> to vector<256x64xf32>
    %convert_element_type3A_379 = arith.truncf %slice3A_378 : vector<256x64xf32> to vector<256x64xbf16>
    %swap3A_380 = arith.constant 0 : index
    %swap3A_381 = arith.constant 2112 : index
    %swap3A_382 = vector.load %arg7[%swap3A_380, %swap3A_381] : memref<256x3072xbf16, #tpu.memory_space<vmem>>, vector<256x64xbf16>
    tpu.vector_store %arg7[%swap3A_380, %swap3A_381], %convert_element_type3A_379 {strides = array<i32>} : memref<256x3072xbf16, #tpu.memory_space<vmem>>, vector<256x64xbf16>,
    %slice3A_383 = vector.extract_strided_slice %add3A_22 {offsets = [0, 2176], sizes = [256, 32], strides = [1, 1]} : vector<256x3072xf32> to vector<256x32xf32>
    %slice3A_384 = vector.extract_strided_slice %add3A_22 {offsets = [0, 2208], sizes = [256, 32], strides = [1, 1]} : vector<256x3072xf32> to vector<256x32xf32>
    %mul3A_385 = arith.mulf %slice3A_383, %get3A_25 : vector<256x32xf32>
    %mul3A_386 = arith.mulf %slice3A_384, %get3A_28 : vector<256x32xf32>
    %sub3A_387 = arith.subf %mul3A_385, %mul3A_386 : vector<256x32xf32>
    %convert_element_type3A_388 = arith.truncf %sub3A_387 : vector<256x32xf32> to vector<256x32xbf16>
    %swap3A_389 = arith.constant 0 : index
    %swap3A_390 = arith.constant 2176 : index
    %swap3A_391 = vector.load %arg7[%swap3A_389, %swap3A_390] : memref<256x3072xbf16, #tpu.memory_space<vmem>>, vector<256x32xbf16>
    tpu.vector_store %arg7[%swap3A_389, %swap3A_390], %convert_element_type3A_388 {strides = array<i32>} : memref<256x3072xbf16, #tpu.memory_space<vmem>>, vector<256x32xbf16>,
    %mul3A_392 = arith.mulf %slice3A_384, %get3A_25 : vector<256x32xf32>
    %mul3A_393 = arith.mulf %slice3A_383, %get3A_28 : vector<256x32xf32>
    %add3A_394 = arith.addf %mul3A_392, %mul3A_393 : vector<256x32xf32>
    %convert_element_type3A_395 = arith.truncf %add3A_394 : vector<256x32xf32> to vector<256x32xbf16>
    %swap3A_396 = arith.constant 0 : index
    %swap3A_397 = arith.constant 2208 : index
    %swap3A_398 = vector.load %arg7[%swap3A_396, %swap3A_397] : memref<256x3072xbf16, #tpu.memory_space<vmem>>, vector<256x32xbf16>
    tpu.vector_store %arg7[%swap3A_396, %swap3A_397], %convert_element_type3A_395 {strides = array<i32>} : memref<256x3072xbf16, #tpu.memory_space<vmem>>, vector<256x32xbf16>,
    %slice3A_399 = vector.extract_strided_slice %add3A_22 {offsets = [0, 2240], sizes = [256, 64], strides = [1, 1]} : vector<256x3072xf32> to vector<256x64xf32>
    %convert_element_type3A_400 = arith.truncf %slice3A_399 : vector<256x64xf32> to vector<256x64xbf16>
    %swap3A_401 = arith.constant 0 : index
    %swap3A_402 = arith.constant 2240 : index
    %swap3A_403 = vector.load %arg7[%swap3A_401, %swap3A_402] : memref<256x3072xbf16, #tpu.memory_space<vmem>>, vector<256x64xbf16>
    tpu.vector_store %arg7[%swap3A_401, %swap3A_402], %convert_element_type3A_400 {strides = array<i32>} : memref<256x3072xbf16, #tpu.memory_space<vmem>>, vector<256x64xbf16>,
    %slice3A_404 = vector.extract_strided_slice %add3A_22 {offsets = [0, 2304], sizes = [256, 32], strides = [1, 1]} : vector<256x3072xf32> to vector<256x32xf32>
    %slice3A_405 = vector.extract_strided_slice %add3A_22 {offsets = [0, 2336], sizes = [256, 32], strides = [1, 1]} : vector<256x3072xf32> to vector<256x32xf32>
    %mul3A_406 = arith.mulf %slice3A_404, %get3A_25 : vector<256x32xf32>
    %mul3A_407 = arith.mulf %slice3A_405, %get3A_28 : vector<256x32xf32>
    %sub3A_408 = arith.subf %mul3A_406, %mul3A_407 : vector<256x32xf32>
    %convert_element_type3A_409 = arith.truncf %sub3A_408 : vector<256x32xf32> to vector<256x32xbf16>
    %swap3A_410 = arith.constant 0 : index
    %swap3A_411 = arith.constant 2304 : index
    %swap3A_412 = vector.load %arg7[%swap3A_410, %swap3A_411] : memref<256x3072xbf16, #tpu.memory_space<vmem>>, vector<256x32xbf16>
    tpu.vector_store %arg7[%swap3A_410, %swap3A_411], %convert_element_type3A_409 {strides = array<i32>} : memref<256x3072xbf16, #tpu.memory_space<vmem>>, vector<256x32xbf16>,
    %mul3A_413 = arith.mulf %slice3A_405, %get3A_25 : vector<256x32xf32>
    %mul3A_414 = arith.mulf %slice3A_404, %get3A_28 : vector<256x32xf32>
    %add3A_415 = arith.addf %mul3A_413, %mul3A_414 : vector<256x32xf32>
    %convert_element_type3A_416 = arith.truncf %add3A_415 : vector<256x32xf32> to vector<256x32xbf16>
    %swap3A_417 = arith.constant 0 : index
    %swap3A_418 = arith.constant 2336 : index
    %swap3A_419 = vector.load %arg7[%swap3A_417, %swap3A_418] : memref<256x3072xbf16, #tpu.memory_space<vmem>>, vector<256x32xbf16>
    tpu.vector_store %arg7[%swap3A_417, %swap3A_418], %convert_element_type3A_416 {strides = array<i32>} : memref<256x3072xbf16, #tpu.memory_space<vmem>>, vector<256x32xbf16>,
    %slice3A_420 = vector.extract_strided_slice %add3A_22 {offsets = [0, 2368], sizes = [256, 64], strides = [1, 1]} : vector<256x3072xf32> to vector<256x64xf32>
    %convert_element_type3A_421 = arith.truncf %slice3A_420 : vector<256x64xf32> to vector<256x64xbf16>
    %swap3A_422 = arith.constant 0 : index
    %swap3A_423 = arith.constant 2368 : index
    %swap3A_424 = vector.load %arg7[%swap3A_422, %swap3A_423] : memref<256x3072xbf16, #tpu.memory_space<vmem>>, vector<256x64xbf16>
    tpu.vector_store %arg7[%swap3A_422, %swap3A_423], %convert_element_type3A_421 {strides = array<i32>} : memref<256x3072xbf16, #tpu.memory_space<vmem>>, vector<256x64xbf16>,
    %slice3A_425 = vector.extract_strided_slice %add3A_22 {offsets = [0, 2432], sizes = [256, 32], strides = [1, 1]} : vector<256x3072xf32> to vector<256x32xf32>
    %slice3A_426 = vector.extract_strided_slice %add3A_22 {offsets = [0, 2464], sizes = [256, 32], strides = [1, 1]} : vector<256x3072xf32> to vector<256x32xf32>
    %mul3A_427 = arith.mulf %slice3A_425, %get3A_25 : vector<256x32xf32>
    %mul3A_428 = arith.mulf %slice3A_426, %get3A_28 : vector<256x32xf32>
    %sub3A_429 = arith.subf %mul3A_427, %mul3A_428 : vector<256x32xf32>
    %convert_element_type3A_430 = arith.truncf %sub3A_429 : vector<256x32xf32> to vector<256x32xbf16>
    %swap3A_431 = arith.constant 0 : index
    %swap3A_432 = arith.constant 2432 : index
    %swap3A_433 = vector.load %arg7[%swap3A_431, %swap3A_432] : memref<256x3072xbf16, #tpu.memory_space<vmem>>, vector<256x32xbf16>
    tpu.vector_store %arg7[%swap3A_431, %swap3A_432], %convert_element_type3A_430 {strides = array<i32>} : memref<256x3072xbf16, #tpu.memory_space<vmem>>, vector<256x32xbf16>,
    %mul3A_434 = arith.mulf %slice3A_426, %get3A_25 : vector<256x32xf32>
    %mul3A_435 = arith.mulf %slice3A_425, %get3A_28 : vector<256x32xf32>
    %add3A_436 = arith.addf %mul3A_434, %mul3A_435 : vector<256x32xf32>
    %convert_element_type3A_437 = arith.truncf %add3A_436 : vector<256x32xf32> to vector<256x32xbf16>
    %swap3A_438 = arith.constant 0 : index
    %swap3A_439 = arith.constant 2464 : index
    %swap3A_440 = vector.load %arg7[%swap3A_438, %swap3A_439] : memref<256x3072xbf16, #tpu.memory_space<vmem>>, vector<256x32xbf16>
    tpu.vector_store %arg7[%swap3A_438, %swap3A_439], %convert_element_type3A_437 {strides = array<i32>} : memref<256x3072xbf16, #tpu.memory_space<vmem>>, vector<256x32xbf16>,
    %slice3A_441 = vector.extract_strided_slice %add3A_22 {offsets = [0, 2496], sizes = [256, 64], strides = [1, 1]} : vector<256x3072xf32> to vector<256x64xf32>
    %convert_element_type3A_442 = arith.truncf %slice3A_441 : vector<256x64xf32> to vector<256x64xbf16>
    %swap3A_443 = arith.constant 0 : index
    %swap3A_444 = arith.constant 2496 : index
    %swap3A_445 = vector.load %arg7[%swap3A_443, %swap3A_444] : memref<256x3072xbf16, #tpu.memory_space<vmem>>, vector<256x64xbf16>
    tpu.vector_store %arg7[%swap3A_443, %swap3A_444], %convert_element_type3A_442 {strides = array<i32>} : memref<256x3072xbf16, #tpu.memory_space<vmem>>, vector<256x64xbf16>,
    %slice3A_446 = vector.extract_strided_slice %add3A_22 {offsets = [0, 2560], sizes = [256, 512], strides = [1, 1]} : vector<256x3072xf32> to vector<256x512xf32>
    %convert_element_type3A_447 = arith.truncf %slice3A_446 : vector<256x512xf32> to vector<256x512xbf16>
    %swap3A_448 = arith.constant 0 : index
    %swap3A_449 = arith.constant 2560 : index
    %swap3A_450 = vector.load %arg7[%swap3A_448, %swap3A_449] : memref<256x3072xbf16, #tpu.memory_space<vmem>>, vector<256x512xbf16>
    tpu.vector_store %arg7[%swap3A_448, %swap3A_449], %convert_element_type3A_447 {strides = array<i32>} : memref<256x3072xbf16, #tpu.memory_space<vmem>>, vector<256x512xbf16>,
    return
  }
  func.func @transform_0(%arg0: i32) -> (i32, i32) {
    %c0_i32 = arith.constant 0 : i32
    %c0_i32_0 = arith.constant 0 : i32
    return %arg0, %c0_i32 : i32, i32
  }
  func.func @transform_1(%arg0: i32) -> (i32, i32) {
    %c0_i32 = arith.constant 0 : i32
    %c0_i32_0 = arith.constant 0 : i32
    %c0_i32_1 = arith.constant 0 : i32
    return %c0_i32, %c0_i32_0 : i32, i32
  }
  func.func @transform_2(%arg0: i32) -> (i32, i32) {
    %c0_i32 = arith.constant 0 : i32
    %c0_i32_0 = arith.constant 0 : i32
    %c0_i32_1 = arith.constant 0 : i32
    return %c0_i32, %c0_i32_0 : i32, i32
  }
  func.func @transform_3(%arg0: i32) -> (i32, i32) {
    %c0_i32 = arith.constant 0 : i32
    %c0_i32_0 = arith.constant 0 : i32
    return %arg0, %c0_i32 : i32, i32
  }
  func.func @transform_4(%arg0: i32) -> (i32, i32) {
    %c0_i32 = arith.constant 0 : i32
    %c0_i32_0 = arith.constant 0 : i32
    return %arg0, %c0_i32 : i32, i32
  }
  func.func @transform_5(%arg0: i32) -> (i32, i32) {
    %c0_i32 = arith.constant 0 : i32
    %c0_i32_0 = arith.constant 0 : i32
    %c0_i32_1 = arith.constant 0 : i32
    return %c0_i32, %c0_i32_0 : i32, i32
  }
  func.func @transform_6(%arg0: i32) -> (i32, i32) {
    %c0_i32 = arith.constant 0 : i32
    %c0_i32_0 = arith.constant 0 : i32
    return %arg0, %c0_i32 : i32, i32
  }
}

module attributes {stable_mosaic.version = 14 : i64} {
  func.func @_attn_body(%arg0: i32, %arg1: i32, %arg2: memref<256x128xbf16, #tpu.memory_space<vmem>>, %arg3: memref<2048x128xbf16, #tpu.memory_space<vmem>>, %arg4: memref<2048x128xbf16, #tpu.memory_space<vmem>>, %arg5: memref<256x128xbf16, #tpu.memory_space<vmem>>) attributes {dimension_semantics = [#tpu.dimension_semantics<arbitrary>, #tpu.dimension_semantics<arbitrary>], iteration_bounds = array<i64: 16, 8>, scalar_prefetch = 0 : i64, scratch_operands = 0 : i64, tpu.core_type = #tpu.core_type<tc>, window_params = [{transform_indices = @transform_0, window_bounds = array<i64: 256, 128>}, {transform_indices = @transform_1, window_bounds = array<i64: 2048, 128>}, {transform_indices = @transform_2, window_bounds = array<i64: 2048, 128>}, {transform_indices = @transform_3, window_bounds = array<i64: 256, 128>}]} {
    %get3A = arith.constant 0 : index
    %get3A_0 = arith.constant 0 : index
    %get3A_1 = vector.load %arg2[%get3A, %get3A_0] : memref<256x128xbf16, #tpu.memory_space<vmem>>, vector<256x128xbf16>
    %get3A_2 = arith.constant 0 : index
    %get3A_3 = arith.constant 0 : index
    %get3A_4 = vector.load %arg3[%get3A_2, %get3A_3] : memref<2048x128xbf16, #tpu.memory_space<vmem>>, vector<2048x128xbf16>
    %dot_general3A = arith.constant dense<0.000000e+00> : vector<256x2048xf32>
    %dot_general3A_5 = tpu.matmul %get3A_1, %get3A_4, %dot_general3A {dimension_numbers = #tpu.dot_dimension_numbers<[1], [1], [0], [0], [0, 0, 1, 0], [], []>, transpose_lhs_hint = false} : vector<256x128xbf16>, vector<2048x128xbf16>, vector<256x2048xf32> -> vector<256x2048xf32>
    %mul3A = arith.constant 0.0883883461 : f32
    %mul3A_6 = vector.broadcast %mul3A : f32 to vector<256x2048xf32>
    %mul3A_7 = arith.mulf %dot_general3A_5, %mul3A_6 : vector<256x2048xf32>
    %mul3A_8 = arith.constant 256 : i32
    %mul3A_9 = arith.muli %arg1, %mul3A_8 : i32
    %iota3A = tpu.iota {dimensions = array<i32: 0>} : vector<256x2048xi32>
    %add3A = vector.broadcast %mul3A_9 : i32 to vector<256x2048xi32>
    %add3A_10 = arith.addi %add3A, %iota3A : vector<256x2048xi32>
    %iota3A_11 = tpu.iota {dimensions = array<i32: 1>} : vector<256x2048xi32>
    %le3A = arith.cmpi sle, %iota3A_11, %add3A_10 : vector<256x2048xi32>
    %jit3A = arith.constant -1.000000e+30 : f32
    %broadcast_in_dim3A = vector.broadcast %jit3A : f32 to vector<256x2048xf32>
    %select_n3A = arith.select %le3A, %mul3A_7, %broadcast_in_dim3A : vector<256x2048xi1>, vector<256x2048xf32>
    %reduce_max3A = arith.constant dense<0xFF800000> : vector<256xf32>
    %reduce_max3A_12 = vector.multi_reduction <maximumf>, %select_n3A, %reduce_max3A [1] : vector<256x2048xf32> to vector<256xf32>
    %broadcast_in_dim3A_13 = vector.shape_cast %reduce_max3A_12 : vector<256xf32> to vector<256x1xf32>
    %sub3A = vector.broadcast %broadcast_in_dim3A_13 : vector<256x1xf32> to vector<256x2048xf32>
    %sub3A_14 = arith.subf %select_n3A, %sub3A : vector<256x2048xf32>
    %exp3A = math.exp %sub3A_14 : vector<256x2048xf32>
    %reduce_sum3A = arith.constant dense<0.000000e+00> : vector<256xf32>
    %reduce_sum3A_15 = vector.multi_reduction <add>, %exp3A, %reduce_sum3A [1] : vector<256x2048xf32> to vector<256xf32>
    %broadcast_in_dim3A_16 = vector.shape_cast %reduce_sum3A_15 : vector<256xf32> to vector<256x1xf32>
    %div3A = vector.broadcast %broadcast_in_dim3A_16 : vector<256x1xf32> to vector<256x2048xf32>
    %div3A_17 = arith.divf %exp3A, %div3A : vector<256x2048xf32>
    %convert_element_type3A = arith.truncf %div3A_17 : vector<256x2048xf32> to vector<256x2048xbf16>
    %get3A_18 = arith.constant 0 : index
    %get3A_19 = arith.constant 0 : index
    %get3A_20 = vector.load %arg4[%get3A_18, %get3A_19] : memref<2048x128xbf16, #tpu.memory_space<vmem>>, vector<2048x128xbf16>
    %dot_general3A_21 = arith.constant dense<0.000000e+00> : vector<256x128xf32>
    %dot_general3A_22 = tpu.matmul %convert_element_type3A, %get3A_20, %dot_general3A_21 {dimension_numbers = #tpu.dot_dimension_numbers<[1], [0], [0], [1], [0, 0, 1, 1], [], []>, transpose_lhs_hint = false} : vector<256x2048xbf16>, vector<2048x128xbf16>, vector<256x128xf32> -> vector<256x128xf32>
    %convert_element_type3A_23 = arith.truncf %dot_general3A_22 : vector<256x128xf32> to vector<256x128xbf16>
    %swap3A = arith.constant 0 : index
    %swap3A_24 = arith.constant 0 : index
    %swap3A_25 = vector.load %arg5[%swap3A, %swap3A_24] : memref<256x128xbf16, #tpu.memory_space<vmem>>, vector<256x128xbf16>
    tpu.vector_store %arg5[%swap3A, %swap3A_24], %convert_element_type3A_23 {strides = array<i32>} : memref<256x128xbf16, #tpu.memory_space<vmem>>, vector<256x128xbf16>,
    return
  }
  func.func @transform_0(%arg0: i32, %arg1: i32) -> (i32, i32) {
    %c0_i32 = arith.constant 0 : i32
    return %arg1, %arg0 : i32, i32
  }
  func.func @transform_1(%arg0: i32, %arg1: i32) -> (i32, i32) {
    %jit3A = arith.constant 4 : i32
    %div3A = arith.divsi %arg0, %jit3A : i32
    %sign3A = arith.constant 0 : i32
    %sign3A_0 = arith.cmpi sgt, %arg0, %sign3A : i32
    %sign3A_1 = arith.extui %sign3A_0 : i1 to i32
    %sign3A_2 = arith.constant 0 : i32
    %sign3A_3 = arith.cmpi slt, %arg0, %sign3A_2 : i32
    %sign3A_4 = arith.extui %sign3A_3 : i1 to i32
    %sign3A_5 = arith.subi %sign3A_1, %sign3A_4 : i32
    %sign3A_6 = arith.constant 0 : i32
    %sign3A_7 = arith.cmpi sgt, %jit3A, %sign3A_6 : i32
    %sign3A_8 = arith.extui %sign3A_7 : i1 to i32
    %sign3A_9 = arith.constant 0 : i32
    %sign3A_10 = arith.cmpi slt, %jit3A, %sign3A_9 : i32
    %sign3A_11 = arith.extui %sign3A_10 : i1 to i32
    %sign3A_12 = arith.subi %sign3A_8, %sign3A_11 : i32
    %ne3A = arith.cmpi ne, %sign3A_5, %sign3A_12 : i32
    %rem3A = arith.remsi %arg0, %jit3A : i32
    %ne3A_13 = arith.constant 0 : i32
    %ne3A_14 = arith.cmpi ne, %rem3A, %ne3A_13 : i32
    %and3A = arith.andi %ne3A, %ne3A_14 : i1
    %sub3A = arith.constant 1 : i32
    %sub3A_15 = arith.subi %div3A, %sub3A : i32
    %select_n3A = arith.select %and3A, %sub3A_15, %div3A : i32
    %add3A = arith.constant 16 : i32
    %add3A_16 = arith.addi %add3A, %select_n3A : i32
    %c0_i32 = arith.constant 0 : i32
    %c0_i32_17 = arith.constant 0 : i32
    return %c0_i32, %add3A_16 : i32, i32
  }
  func.func @transform_2(%arg0: i32, %arg1: i32) -> (i32, i32) {
    %jit3A = arith.constant 4 : i32
    %div3A = arith.divsi %arg0, %jit3A : i32
    %sign3A = arith.constant 0 : i32
    %sign3A_0 = arith.cmpi sgt, %arg0, %sign3A : i32
    %sign3A_1 = arith.extui %sign3A_0 : i1 to i32
    %sign3A_2 = arith.constant 0 : i32
    %sign3A_3 = arith.cmpi slt, %arg0, %sign3A_2 : i32
    %sign3A_4 = arith.extui %sign3A_3 : i1 to i32
    %sign3A_5 = arith.subi %sign3A_1, %sign3A_4 : i32
    %sign3A_6 = arith.constant 0 : i32
    %sign3A_7 = arith.cmpi sgt, %jit3A, %sign3A_6 : i32
    %sign3A_8 = arith.extui %sign3A_7 : i1 to i32
    %sign3A_9 = arith.constant 0 : i32
    %sign3A_10 = arith.cmpi slt, %jit3A, %sign3A_9 : i32
    %sign3A_11 = arith.extui %sign3A_10 : i1 to i32
    %sign3A_12 = arith.subi %sign3A_8, %sign3A_11 : i32
    %ne3A = arith.cmpi ne, %sign3A_5, %sign3A_12 : i32
    %rem3A = arith.remsi %arg0, %jit3A : i32
    %ne3A_13 = arith.constant 0 : i32
    %ne3A_14 = arith.cmpi ne, %rem3A, %ne3A_13 : i32
    %and3A = arith.andi %ne3A, %ne3A_14 : i1
    %sub3A = arith.constant 1 : i32
    %sub3A_15 = arith.subi %div3A, %sub3A : i32
    %select_n3A = arith.select %and3A, %sub3A_15, %div3A : i32
    %add3A = arith.constant 20 : i32
    %add3A_16 = arith.addi %add3A, %select_n3A : i32
    %c0_i32 = arith.constant 0 : i32
    %c0_i32_17 = arith.constant 0 : i32
    return %c0_i32, %add3A_16 : i32, i32
  }
  func.func @transform_3(%arg0: i32, %arg1: i32) -> (i32, i32) {
    %c0_i32 = arith.constant 0 : i32
    return %arg1, %arg0 : i32, i32
  }
}

module attributes {stable_mosaic.version = 14 : i64} {
  func.func @_oproj_body(%arg0: i32, %arg1: memref<256x2048xbf16, #tpu.memory_space<vmem>>, %arg2: memref<2048x2048xbf16, #tpu.memory_space<vmem>>, %arg3: memref<256x2048xf32, #tpu.memory_space<vmem>>, %arg4: memref<256x2048xf32, #tpu.memory_space<vmem>>) attributes {dimension_semantics = [#tpu.dimension_semantics<arbitrary>], iteration_bounds = array<i64: 8>, scalar_prefetch = 0 : i64, scratch_operands = 0 : i64, tpu.core_type = #tpu.core_type<tc>, window_params = [{transform_indices = @transform_0, window_bounds = array<i64: 256, 2048>}, {pipeline_mode = #tpu.pipeline_mode<synchronous>, transform_indices = @transform_1, window_bounds = array<i64: 2048, 2048>}, {transform_indices = @transform_2, window_bounds = array<i64: 256, 2048>}, {transform_indices = @transform_3, window_bounds = array<i64: 256, 2048>}]} {
    %get3A = arith.constant 0 : index
    %get3A_0 = arith.constant 0 : index
    %get3A_1 = vector.load %arg3[%get3A, %get3A_0] : memref<256x2048xf32, #tpu.memory_space<vmem>>, vector<256x2048xf32>
    %get3A_2 = arith.constant 0 : index
    %get3A_3 = arith.constant 0 : index
    %get3A_4 = vector.load %arg1[%get3A_2, %get3A_3] : memref<256x2048xbf16, #tpu.memory_space<vmem>>, vector<256x2048xbf16>
    %get3A_5 = arith.constant 0 : index
    %get3A_6 = arith.constant 0 : index
    %get3A_7 = vector.load %arg2[%get3A_5, %get3A_6] : memref<2048x2048xbf16, #tpu.memory_space<vmem>>, vector<2048x2048xbf16>
    %dot_general3A = arith.constant dense<0.000000e+00> : vector<256x2048xf32>
    %dot_general3A_8 = tpu.matmul %get3A_4, %get3A_7, %dot_general3A {dimension_numbers = #tpu.dot_dimension_numbers<[1], [0], [0], [1], [0, 0, 1, 1], [], []>, transpose_lhs_hint = false} : vector<256x2048xbf16>, vector<2048x2048xbf16>, vector<256x2048xf32> -> vector<256x2048xf32>
    %add3A = arith.addf %get3A_1, %dot_general3A_8 : vector<256x2048xf32>
    %swap3A = arith.constant 0 : index
    %swap3A_9 = arith.constant 0 : index
    %swap3A_10 = vector.load %arg4[%swap3A, %swap3A_9] : memref<256x2048xf32, #tpu.memory_space<vmem>>, vector<256x2048xf32>
    tpu.vector_store %arg4[%swap3A, %swap3A_9], %add3A {strides = array<i32>} : memref<256x2048xf32, #tpu.memory_space<vmem>>, vector<256x2048xf32>,
    return
  }
  func.func @transform_0(%arg0: i32) -> (i32, i32) {
    %c0_i32 = arith.constant 0 : i32
    %c0_i32_0 = arith.constant 0 : i32
    return %arg0, %c0_i32 : i32, i32
  }
  func.func @transform_1(%arg0: i32) -> (i32, i32) {
    %c0_i32 = arith.constant 0 : i32
    %c0_i32_0 = arith.constant 0 : i32
    %c0_i32_1 = arith.constant 0 : i32
    return %c0_i32, %c0_i32_0 : i32, i32
  }
  func.func @transform_2(%arg0: i32) -> (i32, i32) {
    %c0_i32 = arith.constant 0 : i32
    %c0_i32_0 = arith.constant 0 : i32
    return %arg0, %c0_i32 : i32, i32
  }
  func.func @transform_3(%arg0: i32) -> (i32, i32) {
    %c0_i32 = arith.constant 0 : i32
    %c0_i32_0 = arith.constant 0 : i32
    return %arg0, %c0_i32 : i32, i32
  }
}

module attributes {stable_mosaic.version = 14 : i64} {
  func.func @_router_body(%arg0: i32, %arg1: memref<256x2048xf32, #tpu.memory_space<vmem>>, %arg2: memref<1x2048xf32, #tpu.memory_space<vmem>>, %arg3: memref<2048x8xf32, #tpu.memory_space<vmem>>, %arg4: memref<1x8xf32, #tpu.memory_space<vmem>>, %arg5: memref<256x2048xf32, #tpu.memory_space<vmem>>, %arg6: memref<256x2048xbf16, #tpu.memory_space<vmem>>, %arg7: memref<256x1024xi32, #tpu.memory_space<vmem>>, %arg8: memref<256x2xf32, #tpu.memory_space<vmem>>, %arg9: memref<256x16xf32, #tpu.memory_space<vmem>>) attributes {dimension_semantics = [#tpu.dimension_semantics<arbitrary>], iteration_bounds = array<i64: 8>, scalar_prefetch = 0 : i64, scratch_operands = 0 : i64, tpu.core_type = #tpu.core_type<tc>, window_params = [{transform_indices = @transform_0, window_bounds = array<i64: 256, 2048>}, {pipeline_mode = #tpu.pipeline_mode<synchronous>, transform_indices = @transform_1, window_bounds = array<i64: 1, 2048>}, {pipeline_mode = #tpu.pipeline_mode<synchronous>, transform_indices = @transform_2, window_bounds = array<i64: 2048, 8>}, {pipeline_mode = #tpu.pipeline_mode<synchronous>, transform_indices = @transform_3, window_bounds = array<i64: 1, 8>}, {transform_indices = @transform_4, window_bounds = array<i64: 256, 2048>}, {transform_indices = @transform_5, window_bounds = array<i64: 256, 2048>}, {transform_indices = @transform_6, window_bounds = array<i64: 256, 1024>}, {transform_indices = @transform_7, window_bounds = array<i64: 256, 2>}, {transform_indices = @transform_8, window_bounds = array<i64: 256, 16>}]} {
    %get3A = arith.constant 0 : index
    %get3A_0 = arith.constant 0 : index
    %get3A_1 = vector.load %arg1[%get3A, %get3A_0] : memref<256x2048xf32, #tpu.memory_space<vmem>>, vector<256x2048xf32>
    %mul3A = arith.mulf %get3A_1, %get3A_1 : vector<256x2048xf32>
    %reduce_sum3A = arith.constant dense<0.000000e+00> : vector<256xf32>
    %reduce_sum3A_2 = vector.multi_reduction <add>, %mul3A, %reduce_sum3A [1] : vector<256x2048xf32> to vector<256xf32>
    %broadcast_in_dim3A = vector.shape_cast %reduce_sum3A_2 : vector<256xf32> to vector<256x1xf32>
    %div3A = arith.constant 2.048000e+03 : f32
    %div3A_3 = vector.broadcast %div3A : f32 to vector<256x1xf32>
    %div3A_4 = arith.divf %broadcast_in_dim3A, %div3A_3 : vector<256x1xf32>
    %add3A = arith.constant 9.99999974E-6 : f32
    %add3A_5 = vector.broadcast %add3A : f32 to vector<256x1xf32>
    %add3A_6 = arith.addf %div3A_4, %add3A_5 : vector<256x1xf32>
    %rsqrt3A = math.rsqrt %add3A_6 : vector<256x1xf32>
    %mul3A_7 = vector.broadcast %rsqrt3A : vector<256x1xf32> to vector<256x2048xf32>
    %mul3A_8 = arith.mulf %get3A_1, %mul3A_7 : vector<256x2048xf32>
    %get3A_9 = arith.constant 0 : index
    %get3A_10 = arith.constant 0 : index
    %get3A_11 = vector.load %arg2[%get3A_9, %get3A_10] : memref<1x2048xf32, #tpu.memory_space<vmem>>, vector<1x2048xf32>
    %mul3A_12 = vector.broadcast %get3A_11 : vector<1x2048xf32> to vector<256x2048xf32>
    %mul3A_13 = arith.mulf %mul3A_8, %mul3A_12 : vector<256x2048xf32>
    %swap3A = arith.constant 0 : index
    %swap3A_14 = arith.constant 0 : index
    %swap3A_15 = vector.load %arg5[%swap3A, %swap3A_14] : memref<256x2048xf32, #tpu.memory_space<vmem>>, vector<256x2048xf32>
    tpu.vector_store %arg5[%swap3A, %swap3A_14], %mul3A_13 {strides = array<i32>} : memref<256x2048xf32, #tpu.memory_space<vmem>>, vector<256x2048xf32>,
    %convert_element_type3A = arith.truncf %mul3A_13 : vector<256x2048xf32> to vector<256x2048xbf16>
    %swap3A_16 = arith.constant 0 : index
    %swap3A_17 = arith.constant 0 : index
    %swap3A_18 = vector.load %arg6[%swap3A_16, %swap3A_17] : memref<256x2048xbf16, #tpu.memory_space<vmem>>, vector<256x2048xbf16>
    tpu.vector_store %arg6[%swap3A_16, %swap3A_17], %convert_element_type3A {strides = array<i32>} : memref<256x2048xbf16, #tpu.memory_space<vmem>>, vector<256x2048xbf16>,
    %bitcast_convert_type3A = tpu.bitcast %convert_element_type3A : vector<256x2048xbf16> -> vector<256x2048xi16>
    %slice3A = vector.extract_strided_slice %bitcast_convert_type3A {offsets = [0, 0], sizes = [256, 1024], strides = [1, 1]} : vector<256x2048xi16> to vector<256x1024xi16>
    %convert_element_type3A_19 = arith.extui %slice3A : vector<256x1024xi16> to vector<256x1024xi32>
    %slice3A_20 = vector.extract_strided_slice %bitcast_convert_type3A {offsets = [0, 1024], sizes = [256, 1024], strides = [1, 1]} : vector<256x2048xi16> to vector<256x1024xi16>
    %convert_element_type3A_21 = arith.extui %slice3A_20 : vector<256x1024xi16> to vector<256x1024xi32>
    %shift_left3A = arith.constant 16 : i32
    %shift_left3A_22 = vector.broadcast %shift_left3A : i32 to vector<256x1024xi32>
    %shift_left3A_23 = arith.shli %convert_element_type3A_21, %shift_left3A_22 : vector<256x1024xi32>
    %or3A = arith.ori %convert_element_type3A_19, %shift_left3A_23 : vector<256x1024xi32>
    %swap3A_24 = arith.constant 0 : index
    %swap3A_25 = arith.constant 0 : index
    %swap3A_26 = vector.load %arg7[%swap3A_24, %swap3A_25] : memref<256x1024xi32, #tpu.memory_space<vmem>>, vector<256x1024xi32>
    tpu.vector_store %arg7[%swap3A_24, %swap3A_25], %or3A {strides = array<i32>} : memref<256x1024xi32, #tpu.memory_space<vmem>>, vector<256x1024xi32>,
    %get3A_27 = arith.constant 0 : index
    %get3A_28 = arith.constant 0 : index
    %get3A_29 = vector.load %arg3[%get3A_27, %get3A_28] : memref<2048x8xf32, #tpu.memory_space<vmem>>, vector<2048x8xf32>
    %dot_general3A = arith.constant dense<0.000000e+00> : vector<256x8xf32>
    %dot_general3A_30 = tpu.matmul %mul3A_13, %get3A_29, %dot_general3A {dimension_numbers = #tpu.dot_dimension_numbers<[1], [0], [0], [1], [0, 0, 1, 1], [], []>, transpose_lhs_hint = false} : vector<256x2048xf32>, vector<2048x8xf32>, vector<256x8xf32> -> vector<256x8xf32>
    %logistic3A = arith.negf %dot_general3A_30 : vector<256x8xf32>
    %logistic3A_31 = math.exp %logistic3A : vector<256x8xf32>
    %logistic3A_32 = arith.constant 1.000000e+00 : f32
    %logistic3A_33 = vector.broadcast %logistic3A_32 : f32 to vector<256x8xf32>
    %logistic3A_34 = arith.addf %logistic3A_33, %logistic3A_31 : vector<256x8xf32>
    %logistic3A_35 = arith.divf %logistic3A_33, %logistic3A_34 : vector<256x8xf32>
    %get3A_36 = arith.constant 0 : index
    %get3A_37 = arith.constant 0 : index
    %get3A_38 = vector.load %arg4[%get3A_36, %get3A_37] : memref<1x8xf32, #tpu.memory_space<vmem>>, vector<1x8xf32>
    %add3A_39 = vector.broadcast %get3A_38 : vector<1x8xf32> to vector<256x8xf32>
    %add3A_40 = arith.addf %logistic3A_35, %add3A_39 : vector<256x8xf32>
    %iota3A = tpu.iota {dimensions = array<i32: 1>} : vector<256x8xi32>
    %argmax3A = tpu.reduce_index %add3A_40 {axis = 1 : i32, kind = #tpu.reduction_kind<arg_max>} : vector<256x8xf32> -> vector<256xi32>
    %broadcast_in_dim3A_41 = vector.shape_cast %argmax3A : vector<256xi32> to vector<256x1xi32>
    %eq3A = vector.broadcast %broadcast_in_dim3A_41 : vector<256x1xi32> to vector<256x8xi32>
    %eq3A_42 = arith.cmpi eq, %iota3A, %eq3A : vector<256x8xi32>
    %jit3A = arith.constant 0.000000e+00 : f32
    %broadcast_in_dim3A_43 = vector.broadcast %jit3A : f32 to vector<256x8xf32>
    %select_n3A = arith.select %eq3A_42, %logistic3A_35, %broadcast_in_dim3A_43 : vector<256x8xi1>, vector<256x8xf32>
    %reduce_sum3A_44 = arith.constant dense<0.000000e+00> : vector<256xf32>
    %reduce_sum3A_45 = vector.multi_reduction <add>, %select_n3A, %reduce_sum3A_44 [1] : vector<256x8xf32> to vector<256xf32>
    %broadcast_in_dim3A_46 = vector.shape_cast %reduce_sum3A_45 : vector<256xf32> to vector<256x1xf32>
    %jit3A_47 = arith.constant 0xFF800000 : f32
    %broadcast_in_dim3A_48 = vector.broadcast %jit3A_47 : f32 to vector<256x8xf32>
    %select_n3A_49 = arith.select %eq3A_42, %broadcast_in_dim3A_48, %add3A_40 : vector<256x8xi1>, vector<256x8xf32>
    %argmax3A_50 = tpu.reduce_index %select_n3A_49 {axis = 1 : i32, kind = #tpu.reduction_kind<arg_max>} : vector<256x8xf32> -> vector<256xi32>
    %broadcast_in_dim3A_51 = vector.shape_cast %argmax3A_50 : vector<256xi32> to vector<256x1xi32>
    %eq3A_52 = vector.broadcast %broadcast_in_dim3A_51 : vector<256x1xi32> to vector<256x8xi32>
    %eq3A_53 = arith.cmpi eq, %iota3A, %eq3A_52 : vector<256x8xi32>
    %jit3A_54 = arith.constant 0.000000e+00 : f32
    %broadcast_in_dim3A_55 = vector.broadcast %jit3A_54 : f32 to vector<256x8xf32>
    %select_n3A_56 = arith.select %eq3A_53, %logistic3A_35, %broadcast_in_dim3A_55 : vector<256x8xi1>, vector<256x8xf32>
    %reduce_sum3A_57 = arith.constant dense<0.000000e+00> : vector<256xf32>
    %reduce_sum3A_58 = vector.multi_reduction <add>, %select_n3A_56, %reduce_sum3A_57 [1] : vector<256x8xf32> to vector<256xf32>
    %broadcast_in_dim3A_59 = vector.shape_cast %reduce_sum3A_58 : vector<256xf32> to vector<256x1xf32>
    %add3A_60 = arith.addf %broadcast_in_dim3A_46, %broadcast_in_dim3A_59 : vector<256x1xf32>
    %add3A_61 = arith.constant 9.99999968E-21 : f32
    %add3A_62 = vector.broadcast %add3A_61 : f32 to vector<256x1xf32>
    %add3A_63 = arith.addf %add3A_60, %add3A_62 : vector<256x1xf32>
    %div3A_64 = arith.divf %broadcast_in_dim3A_46, %add3A_63 : vector<256x1xf32>
    %swap3A_65 = arith.constant 0 : index
    %swap3A_66 = arith.constant 0 : index
    %swap3A_67 = vector.load %arg8[%swap3A_65, %swap3A_66] : memref<256x2xf32, #tpu.memory_space<vmem>>, vector<256x1xf32>
    tpu.vector_store %arg8[%swap3A_65, %swap3A_66], %div3A_64 {strides = array<i32>} : memref<256x2xf32, #tpu.memory_space<vmem>>, vector<256x1xf32>,
    %div3A_68 = arith.divf %broadcast_in_dim3A_59, %add3A_63 : vector<256x1xf32>
    %swap3A_69 = arith.constant 0 : index
    %swap3A_70 = arith.constant 1 : index
    %swap3A_71 = vector.load %arg8[%swap3A_69, %swap3A_70] : memref<256x2xf32, #tpu.memory_space<vmem>>, vector<256x1xf32>
    tpu.vector_store %arg8[%swap3A_69, %swap3A_70], %div3A_68 {strides = array<i32>} : memref<256x2xf32, #tpu.memory_space<vmem>>, vector<256x1xf32>,
    %convert_element_type3A_72 = arith.extui %eq3A_42 : vector<256x8xi1> to vector<256x8xi32>
    %convert_element_type3A_73 = arith.sitofp %convert_element_type3A_72 : vector<256x8xi32> to vector<256x8xf32>
    %swap3A_74 = arith.constant 0 : index
    %swap3A_75 = arith.constant 0 : index
    %swap3A_76 = vector.load %arg9[%swap3A_74, %swap3A_75] : memref<256x16xf32, #tpu.memory_space<vmem>>, vector<256x8xf32>
    tpu.vector_store %arg9[%swap3A_74, %swap3A_75], %convert_element_type3A_73 {strides = array<i32>} : memref<256x16xf32, #tpu.memory_space<vmem>>, vector<256x8xf32>,
    %convert_element_type3A_77 = arith.extui %eq3A_53 : vector<256x8xi1> to vector<256x8xi32>
    %convert_element_type3A_78 = arith.sitofp %convert_element_type3A_77 : vector<256x8xi32> to vector<256x8xf32>
    %swap3A_79 = arith.constant 0 : index
    %swap3A_80 = arith.constant 8 : index
    %swap3A_81 = vector.load %arg9[%swap3A_79, %swap3A_80] : memref<256x16xf32, #tpu.memory_space<vmem>>, vector<256x8xf32>
    tpu.vector_store %arg9[%swap3A_79, %swap3A_80], %convert_element_type3A_78 {strides = array<i32>} : memref<256x16xf32, #tpu.memory_space<vmem>>, vector<256x8xf32>,
    return
  }
  func.func @transform_0(%arg0: i32) -> (i32, i32) {
    %c0_i32 = arith.constant 0 : i32
    %c0_i32_0 = arith.constant 0 : i32
    return %arg0, %c0_i32 : i32, i32
  }
  func.func @transform_1(%arg0: i32) -> (i32, i32) {
    %c0_i32 = arith.constant 0 : i32
    %c0_i32_0 = arith.constant 0 : i32
    %c0_i32_1 = arith.constant 0 : i32
    return %c0_i32, %c0_i32_0 : i32, i32
  }
  func.func @transform_2(%arg0: i32) -> (i32, i32) {
    %c0_i32 = arith.constant 0 : i32
    %c0_i32_0 = arith.constant 0 : i32
    %c0_i32_1 = arith.constant 0 : i32
    return %c0_i32, %c0_i32_0 : i32, i32
  }
  func.func @transform_3(%arg0: i32) -> (i32, i32) {
    %c0_i32 = arith.constant 0 : i32
    %c0_i32_0 = arith.constant 0 : i32
    %c0_i32_1 = arith.constant 0 : i32
    return %c0_i32, %c0_i32_0 : i32, i32
  }
  func.func @transform_4(%arg0: i32) -> (i32, i32) {
    %c0_i32 = arith.constant 0 : i32
    %c0_i32_0 = arith.constant 0 : i32
    return %arg0, %c0_i32 : i32, i32
  }
  func.func @transform_5(%arg0: i32) -> (i32, i32) {
    %c0_i32 = arith.constant 0 : i32
    %c0_i32_0 = arith.constant 0 : i32
    return %arg0, %c0_i32 : i32, i32
  }
  func.func @transform_6(%arg0: i32) -> (i32, i32) {
    %c0_i32 = arith.constant 0 : i32
    %c0_i32_0 = arith.constant 0 : i32
    return %arg0, %c0_i32 : i32, i32
  }
  func.func @transform_7(%arg0: i32) -> (i32, i32) {
    %c0_i32 = arith.constant 0 : i32
    %c0_i32_0 = arith.constant 0 : i32
    return %arg0, %c0_i32 : i32, i32
  }
  func.func @transform_8(%arg0: i32) -> (i32, i32) {
    %c0_i32 = arith.constant 0 : i32
    %c0_i32_0 = arith.constant 0 : i32
    return %arg0, %c0_i32 : i32, i32
  }
}

module attributes {stable_mosaic.version = 14 : i64} {
  func.func @_rank_body(%arg0: i32, %arg1: memref<512x8xf32, #tpu.memory_space<vmem>>, %arg2: memref<512x512xf32, #tpu.memory_space<vmem>>, %arg3: memref<512x1xf32, #tpu.memory_space<vmem>>, %arg4: memref<1x8xf32, #tpu.memory_space<vmem>>, %arg5: memref<1x8xf32, #tpu.memory_space<vmem>>) attributes {dimension_semantics = [#tpu.dimension_semantics<arbitrary>], iteration_bounds = array<i64: 8>, scalar_prefetch = 0 : i64, scratch_operands = 1 : i64, tpu.core_type = #tpu.core_type<tc>, window_params = [{transform_indices = @transform_0, window_bounds = array<i64: 512, 8>}, {pipeline_mode = #tpu.pipeline_mode<synchronous>, transform_indices = @transform_1, window_bounds = array<i64: 512, 512>}, {transform_indices = @transform_2, window_bounds = array<i64: 512, 1>}, {pipeline_mode = #tpu.pipeline_mode<synchronous>, transform_indices = @transform_3, window_bounds = array<i64: 1, 8>}]} {
    %eq3A = arith.constant 0 : i32
    %eq3A_0 = arith.cmpi eq, %arg0, %eq3A : i32
    %convert_element_type3A = arith.extui %eq3A_0 : i1 to i32
    %cond3A = arith.constant 0 : i32
    %cond3A_1 = arith.cmpi ne, %convert_element_type3A, %cond3A : i32
    scf.if %cond3A_1 {
      %broadcast_in_dim3A_28 = arith.constant 0.000000e+00 : f32
      %broadcast_in_dim3A_29 = vector.broadcast %broadcast_in_dim3A_28 : f32 to vector<1x8xf32>
      %swap3A_30 = arith.constant 0 : index
      %swap3A_31 = arith.constant 0 : index
      %swap3A_32 = vector.load %arg5[%swap3A_30, %swap3A_31] : memref<1x8xf32, #tpu.memory_space<vmem>>, vector<1x8xf32>
      tpu.vector_store %arg5[%swap3A_30, %swap3A_31], %broadcast_in_dim3A_29 {strides = array<i32>} : memref<1x8xf32, #tpu.memory_space<vmem>>, vector<1x8xf32>,
    } else {
    }
    %get3A = arith.constant 0 : index
    %get3A_2 = arith.constant 0 : index
    %get3A_3 = vector.load %arg1[%get3A, %get3A_2] : memref<512x8xf32, #tpu.memory_space<vmem>>, vector<512x8xf32>
    %get3A_4 = arith.constant 0 : index
    %get3A_5 = arith.constant 0 : index
    %get3A_6 = vector.load %arg5[%get3A_4, %get3A_5] : memref<1x8xf32, #tpu.memory_space<vmem>>, vector<1x8xf32>
    %get3A_7 = arith.constant 0 : index
    %get3A_8 = arith.constant 0 : index
    %get3A_9 = vector.load %arg2[%get3A_7, %get3A_8] : memref<512x512xf32, #tpu.memory_space<vmem>>, vector<512x512xf32>
    %dot_general3A = arith.constant dense<0.000000e+00> : vector<512x8xf32>
    %dot_general3A_10 = tpu.matmul %get3A_9, %get3A_3, %dot_general3A {dimension_numbers = #tpu.dot_dimension_numbers<[1], [0], [0], [1], [0, 0, 1, 1], [], []>, transpose_lhs_hint = false} : vector<512x512xf32>, vector<512x8xf32>, vector<512x8xf32> -> vector<512x8xf32>
    %add3A = vector.broadcast %get3A_6 : vector<1x8xf32> to vector<512x8xf32>
    %add3A_11 = arith.addf %add3A, %dot_general3A_10 : vector<512x8xf32>
    %mul3A = arith.mulf %add3A_11, %get3A_3 : vector<512x8xf32>
    %reduce_sum3A = arith.constant dense<0.000000e+00> : vector<512xf32>
    %reduce_sum3A_12 = vector.multi_reduction <add>, %mul3A, %reduce_sum3A [1] : vector<512x8xf32> to vector<512xf32>
    %broadcast_in_dim3A = vector.shape_cast %reduce_sum3A_12 : vector<512xf32> to vector<512x1xf32>
    %swap3A = arith.constant 0 : index
    %swap3A_13 = arith.constant 0 : index
    %swap3A_14 = vector.load %arg3[%swap3A, %swap3A_13] : memref<512x1xf32, #tpu.memory_space<vmem>>, vector<512x1xf32>
    tpu.vector_store %arg3[%swap3A, %swap3A_13], %broadcast_in_dim3A {strides = array<i32>} : memref<512x1xf32, #tpu.memory_space<vmem>>, vector<512x1xf32>,
    %reduce_sum3A_15 = arith.constant dense<0.000000e+00> : vector<8xf32>
    %reduce_sum3A_16 = vector.multi_reduction <add>, %get3A_3, %reduce_sum3A_15 [0] : vector<512x8xf32> to vector<8xf32>
    %broadcast_in_dim3A_17 = vector.shape_cast %reduce_sum3A_16 : vector<8xf32> to vector<1x8xf32>
    %add3A_18 = arith.addf %get3A_6, %broadcast_in_dim3A_17 : vector<1x8xf32>
    %swap3A_19 = arith.constant 0 : index
    %swap3A_20 = arith.constant 0 : index
    %swap3A_21 = vector.load %arg5[%swap3A_19, %swap3A_20] : memref<1x8xf32, #tpu.memory_space<vmem>>, vector<1x8xf32>
    tpu.vector_store %arg5[%swap3A_19, %swap3A_20], %add3A_18 {strides = array<i32>} : memref<1x8xf32, #tpu.memory_space<vmem>>, vector<1x8xf32>,
    %get3A_22 = arith.constant 0 : index
    %get3A_23 = arith.constant 0 : index
    %get3A_24 = vector.load %arg5[%get3A_22, %get3A_23] : memref<1x8xf32, #tpu.memory_space<vmem>>, vector<1x8xf32>
    %swap3A_25 = arith.constant 0 : index
    %swap3A_26 = arith.constant 0 : index
    %swap3A_27 = vector.load %arg4[%swap3A_25, %swap3A_26] : memref<1x8xf32, #tpu.memory_space<vmem>>, vector<1x8xf32>
    tpu.vector_store %arg4[%swap3A_25, %swap3A_26], %get3A_24 {strides = array<i32>} : memref<1x8xf32, #tpu.memory_space<vmem>>, vector<1x8xf32>,
    return
  }
  func.func @transform_0(%arg0: i32) -> (i32, i32) {
    %c0_i32 = arith.constant 0 : i32
    %c0_i32_0 = arith.constant 0 : i32
    return %arg0, %c0_i32 : i32, i32
  }
  func.func @transform_1(%arg0: i32) -> (i32, i32) {
    %c0_i32 = arith.constant 0 : i32
    %c0_i32_0 = arith.constant 0 : i32
    %c0_i32_1 = arith.constant 0 : i32
    return %c0_i32, %c0_i32_0 : i32, i32
  }
  func.func @transform_2(%arg0: i32) -> (i32, i32) {
    %c0_i32 = arith.constant 0 : i32
    %c0_i32_0 = arith.constant 0 : i32
    return %arg0, %c0_i32 : i32, i32
  }
  func.func @transform_3(%arg0: i32) -> (i32, i32) {
    %c0_i32 = arith.constant 0 : i32
    %c0_i32_0 = arith.constant 0 : i32
    %c0_i32_1 = arith.constant 0 : i32
    return %c0_i32, %c0_i32_0 : i32, i32
  }
}

module attributes {stable_mosaic.version = 14 : i64} {
  func.func @_pos_body(%arg0: i32, %arg1: memref<4096x8xf32, #tpu.memory_space<vmem>>, %arg2: memref<4096x1xf32, #tpu.memory_space<vmem>>, %arg3: memref<1x8xf32, #tpu.memory_space<vmem>>, %arg4: memref<4096x1xi32, #tpu.memory_space<vmem>>) attributes {dimension_semantics = [#tpu.dimension_semantics<arbitrary>], iteration_bounds = array<i64: 1>, scalar_prefetch = 0 : i64, scratch_operands = 0 : i64, tpu.core_type = #tpu.core_type<tc>, window_params = [{pipeline_mode = #tpu.pipeline_mode<synchronous>, transform_indices = @transform_0, window_bounds = array<i64: 4096, 8>}, {pipeline_mode = #tpu.pipeline_mode<synchronous>, transform_indices = @transform_1, window_bounds = array<i64: 4096, 1>}, {pipeline_mode = #tpu.pipeline_mode<synchronous>, transform_indices = @transform_2, window_bounds = array<i64: 1, 8>}, {pipeline_mode = #tpu.pipeline_mode<synchronous>, transform_indices = @transform_3, window_bounds = array<i64: 4096, 1>}]} {
    %get3A = arith.constant 0 : index
    %get3A_0 = arith.constant 0 : index
    %get3A_1 = vector.load %arg1[%get3A, %get3A_0] : memref<4096x8xf32, #tpu.memory_space<vmem>>, vector<4096x8xf32>
    %get3A_2 = arith.constant 0 : index
    %get3A_3 = arith.constant 0 : index
    %get3A_4 = vector.load %arg3[%get3A_2, %get3A_3] : memref<1x8xf32, #tpu.memory_space<vmem>>, vector<1x8xf32>
    %mul3A = vector.broadcast %get3A_4 : vector<1x8xf32> to vector<4096x8xf32>
    %mul3A_5 = arith.mulf %get3A_1, %mul3A : vector<4096x8xf32>
    %reduce_sum3A = arith.constant dense<0.000000e+00> : vector<4096xf32>
    %reduce_sum3A_6 = vector.multi_reduction <add>, %mul3A_5, %reduce_sum3A [1] : vector<4096x8xf32> to vector<4096xf32>
    %broadcast_in_dim3A = vector.shape_cast %reduce_sum3A_6 : vector<4096xf32> to vector<4096x1xf32>
    %get3A_7 = arith.constant 0 : index
    %get3A_8 = arith.constant 0 : index
    %get3A_9 = vector.load %arg2[%get3A_7, %get3A_8] : memref<4096x1xf32, #tpu.memory_space<vmem>>, vector<4096x1xf32>
    %add3A = arith.addf %broadcast_in_dim3A, %get3A_9 : vector<4096x1xf32>
    %convert_element_type3A = arith.fptosi %add3A : vector<4096x1xf32> to vector<4096x1xi32>
    %swap3A = arith.constant 0 : index
    %swap3A_10 = arith.constant 0 : index
    %swap3A_11 = vector.load %arg4[%swap3A, %swap3A_10] : memref<4096x1xi32, #tpu.memory_space<vmem>>, vector<4096x1xi32>
    tpu.vector_store %arg4[%swap3A, %swap3A_10], %convert_element_type3A {strides = array<i32>} : memref<4096x1xi32, #tpu.memory_space<vmem>>, vector<4096x1xi32>,
    return
  }
  func.func @transform_0(%arg0: i32) -> (i32, i32) {
    %c0_i32 = arith.constant 0 : i32
    %c0_i32_0 = arith.constant 0 : i32
    %c0_i32_1 = arith.constant 0 : i32
    return %c0_i32, %c0_i32_0 : i32, i32
  }
  func.func @transform_1(%arg0: i32) -> (i32, i32) {
    %c0_i32 = arith.constant 0 : i32
    %c0_i32_0 = arith.constant 0 : i32
    %c0_i32_1 = arith.constant 0 : i32
    return %c0_i32, %c0_i32_0 : i32, i32
  }
  func.func @transform_2(%arg0: i32) -> (i32, i32) {
    %c0_i32 = arith.constant 0 : i32
    %c0_i32_0 = arith.constant 0 : i32
    %c0_i32_1 = arith.constant 0 : i32
    return %c0_i32, %c0_i32_0 : i32, i32
  }
  func.func @transform_3(%arg0: i32) -> (i32, i32) {
    %c0_i32 = arith.constant 0 : i32
    %c0_i32_0 = arith.constant 0 : i32
    %c0_i32_1 = arith.constant 0 : i32
    return %c0_i32, %c0_i32_0 : i32, i32
  }
}

module attributes {stable_mosaic.version = 14 : i64} {
  func.func @_gmm_body(%arg0: i32, %arg1: memref<24xi32, #tpu.memory_space<smem>>, %arg2: memref<256x1024xi32, #tpu.memory_space<vmem>>, %arg3: memref<1x2048x1536xbf16, #tpu.memory_space<vmem>>, %arg4: memref<1x768x2048xbf16, #tpu.memory_space<vmem>>, %arg5: memref<256x1024xi32, #tpu.memory_space<vmem>>) attributes {dimension_semantics = [#tpu.dimension_semantics<arbitrary>], iteration_bounds = array<i64: 24>, scalar_prefetch = 1 : i64, scratch_operands = 0 : i64, tpu.core_type = #tpu.core_type<tc>, window_params = [{transform_indices = @transform_0, window_bounds = array<i64: 256, 1024>}, {transform_indices = @transform_1, window_bounds = array<i64: 1, 2048, 1536>}, {transform_indices = @transform_2, window_bounds = array<i64: 1, 768, 2048>}, {transform_indices = @transform_3, window_bounds = array<i64: 256, 1024>}]} {
    %get3A = arith.constant 0 : index
    %get3A_0 = arith.constant 0 : index
    %get3A_1 = vector.load %arg2[%get3A, %get3A_0] : memref<256x1024xi32, #tpu.memory_space<vmem>>, vector<256x1024xi32>
    %convert_element_type3A = arith.trunci %get3A_1 : vector<256x1024xi32> to vector<256x1024xi16>
    %bitcast_convert_type3A = tpu.bitcast %convert_element_type3A : vector<256x1024xi16> -> vector<256x1024xbf16>
    %shift_right_logical3A = arith.constant 16 : i32
    %shift_right_logical3A_2 = vector.broadcast %shift_right_logical3A : i32 to vector<256x1024xi32>
    %shift_right_logical3A_3 = arith.shrui %get3A_1, %shift_right_logical3A_2 : vector<256x1024xi32>
    %convert_element_type3A_4 = arith.trunci %shift_right_logical3A_3 : vector<256x1024xi32> to vector<256x1024xi16>
    %bitcast_convert_type3A_5 = tpu.bitcast %convert_element_type3A_4 : vector<256x1024xi16> -> vector<256x1024xbf16>
    %concatenate3A = tpu.concatenate %bitcast_convert_type3A, %bitcast_convert_type3A_5 in 1 : vector<256x1024xbf16>, vector<256x1024xbf16> -> vector<256x2048xbf16>
    %get3A_6 = arith.constant 0 : index
    %get3A_7 = arith.constant 0 : index
    %get3A_8 = arith.constant 0 : index
    %get3A_9 = vector.load %arg3[%get3A_6, %get3A_7, %get3A_8] : memref<1x2048x1536xbf16, #tpu.memory_space<vmem>>, vector<1x2048x1536xbf16>
    %get3A_10 = vector.shape_cast %get3A_9 : vector<1x2048x1536xbf16> to vector<2048x1536xbf16>
    %dot_general3A = arith.constant dense<0.000000e+00> : vector<256x1536xf32>
    %dot_general3A_11 = tpu.matmul %concatenate3A, %get3A_10, %dot_general3A {dimension_numbers = #tpu.dot_dimension_numbers<[1], [0], [0], [1], [0, 0, 1, 1], [], []>, transpose_lhs_hint = false} : vector<256x2048xbf16>, vector<2048x1536xbf16>, vector<256x1536xf32> -> vector<256x1536xf32>
    %slice3A = vector.extract_strided_slice %dot_general3A_11 {offsets = [0, 0], sizes = [256, 768], strides = [1, 1]} : vector<256x1536xf32> to vector<256x768xf32>
    %slice3A_12 = vector.extract_strided_slice %dot_general3A_11 {offsets = [0, 768], sizes = [256, 768], strides = [1, 1]} : vector<256x1536xf32> to vector<256x768xf32>
    %logistic3A = arith.negf %slice3A : vector<256x768xf32>
    %logistic3A_13 = math.exp %logistic3A : vector<256x768xf32>
    %logistic3A_14 = arith.constant 1.000000e+00 : f32
    %logistic3A_15 = vector.broadcast %logistic3A_14 : f32 to vector<256x768xf32>
    %logistic3A_16 = arith.addf %logistic3A_15, %logistic3A_13 : vector<256x768xf32>
    %logistic3A_17 = arith.divf %logistic3A_15, %logistic3A_16 : vector<256x768xf32>
    %mul3A = arith.mulf %slice3A, %logistic3A_17 : vector<256x768xf32>
    %mul3A_18 = arith.mulf %mul3A, %slice3A_12 : vector<256x768xf32>
    %convert_element_type3A_19 = arith.truncf %mul3A_18 : vector<256x768xf32> to vector<256x768xbf16>
    %get3A_20 = arith.constant 0 : index
    %get3A_21 = arith.constant 0 : index
    %get3A_22 = arith.constant 0 : index
    %get3A_23 = vector.load %arg4[%get3A_20, %get3A_21, %get3A_22] : memref<1x768x2048xbf16, #tpu.memory_space<vmem>>, vector<1x768x2048xbf16>
    %get3A_24 = vector.shape_cast %get3A_23 : vector<1x768x2048xbf16> to vector<768x2048xbf16>
    %dot_general3A_25 = arith.constant dense<0.000000e+00> : vector<256x2048xf32>
    %dot_general3A_26 = tpu.matmul %convert_element_type3A_19, %get3A_24, %dot_general3A_25 {dimension_numbers = #tpu.dot_dimension_numbers<[1], [0], [0], [1], [0, 0, 1, 1], [], []>, transpose_lhs_hint = false} : vector<256x768xbf16>, vector<768x2048xbf16>, vector<256x2048xf32> -> vector<256x2048xf32>
    %convert_element_type3A_27 = arith.truncf %dot_general3A_26 : vector<256x2048xf32> to vector<256x2048xbf16>
    %bitcast_convert_type3A_28 = tpu.bitcast %convert_element_type3A_27 : vector<256x2048xbf16> -> vector<256x2048xi16>
    %slice3A_29 = vector.extract_strided_slice %bitcast_convert_type3A_28 {offsets = [0, 0], sizes = [256, 1024], strides = [1, 1]} : vector<256x2048xi16> to vector<256x1024xi16>
    %convert_element_type3A_30 = arith.extui %slice3A_29 : vector<256x1024xi16> to vector<256x1024xi32>
    %slice3A_31 = vector.extract_strided_slice %bitcast_convert_type3A_28 {offsets = [0, 1024], sizes = [256, 1024], strides = [1, 1]} : vector<256x2048xi16> to vector<256x1024xi16>
    %convert_element_type3A_32 = arith.extui %slice3A_31 : vector<256x1024xi16> to vector<256x1024xi32>
    %shift_left3A = arith.constant 16 : i32
    %shift_left3A_33 = vector.broadcast %shift_left3A : i32 to vector<256x1024xi32>
    %shift_left3A_34 = arith.shli %convert_element_type3A_32, %shift_left3A_33 : vector<256x1024xi32>
    %or3A = arith.ori %convert_element_type3A_30, %shift_left3A_34 : vector<256x1024xi32>
    %swap3A = arith.constant 0 : index
    %swap3A_35 = arith.constant 0 : index
    %swap3A_36 = vector.load %arg5[%swap3A, %swap3A_35] : memref<256x1024xi32, #tpu.memory_space<vmem>>, vector<256x1024xi32>
    tpu.vector_store %arg5[%swap3A, %swap3A_35], %or3A {strides = array<i32>} : memref<256x1024xi32, #tpu.memory_space<vmem>>, vector<256x1024xi32>,
    return
  }
  func.func @transform_0(%arg0: i32, %arg1: memref<24xi32, #tpu.memory_space<smem>>) -> (i32, i32) {
    %c0_i32 = arith.constant 0 : i32
    %c0_i32_0 = arith.constant 0 : i32
    return %arg0, %c0_i32 : i32, i32
  }
  func.func @transform_1(%arg0: i32, %arg1: memref<24xi32, #tpu.memory_space<smem>>) -> (i32, i32, i32) {
    %get3A = arith.index_cast %arg0 : i32 to index
    %get3A_0 = memref.load %arg1[%get3A] : memref<24xi32, #tpu.memory_space<smem>>
    %c0_i32 = arith.constant 0 : i32
    %c0_i32_1 = arith.constant 0 : i32
    %c0_i32_2 = arith.constant 0 : i32
    return %get3A_0, %c0_i32, %c0_i32_1 : i32, i32, i32
  }
  func.func @transform_2(%arg0: i32, %arg1: memref<24xi32, #tpu.memory_space<smem>>) -> (i32, i32, i32) {
    %get3A = arith.index_cast %arg0 : i32 to index
    %get3A_0 = memref.load %arg1[%get3A] : memref<24xi32, #tpu.memory_space<smem>>
    %c0_i32 = arith.constant 0 : i32
    %c0_i32_1 = arith.constant 0 : i32
    %c0_i32_2 = arith.constant 0 : i32
    return %get3A_0, %c0_i32, %c0_i32_1 : i32, i32, i32
  }
  func.func @transform_3(%arg0: i32, %arg1: memref<24xi32, #tpu.memory_space<smem>>) -> (i32, i32) {
    %c0_i32 = arith.constant 0 : i32
    %c0_i32_0 = arith.constant 0 : i32
    return %arg0, %c0_i32 : i32, i32
  }
}

module attributes {stable_mosaic.version = 14 : i64} {
  func.func @_shared_body(%arg0: i32, %arg1: memref<256x2048xbf16, #tpu.memory_space<vmem>>, %arg2: memref<2048x1536xbf16, #tpu.memory_space<vmem>>, %arg3: memref<768x2048xbf16, #tpu.memory_space<vmem>>, %arg4: memref<256x2048xf32, #tpu.memory_space<vmem>>, %arg5: memref<256x2x1024xi32, #tpu.memory_space<vmem>>, %arg6: memref<256x2xf32, #tpu.memory_space<vmem>>, %arg7: memref<256x2048xf32, #tpu.memory_space<vmem>>) attributes {dimension_semantics = [#tpu.dimension_semantics<arbitrary>], iteration_bounds = array<i64: 8>, scalar_prefetch = 0 : i64, scratch_operands = 0 : i64, tpu.core_type = #tpu.core_type<tc>, window_params = [{transform_indices = @transform_0, window_bounds = array<i64: 256, 2048>}, {pipeline_mode = #tpu.pipeline_mode<synchronous>, transform_indices = @transform_1, window_bounds = array<i64: 2048, 1536>}, {pipeline_mode = #tpu.pipeline_mode<synchronous>, transform_indices = @transform_2, window_bounds = array<i64: 768, 2048>}, {transform_indices = @transform_3, window_bounds = array<i64: 256, 2048>}, {transform_indices = @transform_4, window_bounds = array<i64: 256, 2, 1024>}, {transform_indices = @transform_5, window_bounds = array<i64: 256, 2>}, {transform_indices = @transform_6, window_bounds = array<i64: 256, 2048>}]} {
    %get3A = arith.constant 0 : index
    %get3A_0 = arith.constant 0 : index
    %get3A_1 = vector.load %arg1[%get3A, %get3A_0] : memref<256x2048xbf16, #tpu.memory_space<vmem>>, vector<256x2048xbf16>
    %get3A_2 = arith.constant 0 : index
    %get3A_3 = arith.constant 0 : index
    %get3A_4 = vector.load %arg2[%get3A_2, %get3A_3] : memref<2048x1536xbf16, #tpu.memory_space<vmem>>, vector<2048x1536xbf16>
    %dot_general3A = arith.constant dense<0.000000e+00> : vector<256x1536xf32>
    %dot_general3A_5 = tpu.matmul %get3A_1, %get3A_4, %dot_general3A {dimension_numbers = #tpu.dot_dimension_numbers<[1], [0], [0], [1], [0, 0, 1, 1], [], []>, transpose_lhs_hint = false} : vector<256x2048xbf16>, vector<2048x1536xbf16>, vector<256x1536xf32> -> vector<256x1536xf32>
    %slice3A = vector.extract_strided_slice %dot_general3A_5 {offsets = [0, 0], sizes = [256, 768], strides = [1, 1]} : vector<256x1536xf32> to vector<256x768xf32>
    %slice3A_6 = vector.extract_strided_slice %dot_general3A_5 {offsets = [0, 768], sizes = [256, 768], strides = [1, 1]} : vector<256x1536xf32> to vector<256x768xf32>
    %logistic3A = arith.negf %slice3A : vector<256x768xf32>
    %logistic3A_7 = math.exp %logistic3A : vector<256x768xf32>
    %logistic3A_8 = arith.constant 1.000000e+00 : f32
    %logistic3A_9 = vector.broadcast %logistic3A_8 : f32 to vector<256x768xf32>
    %logistic3A_10 = arith.addf %logistic3A_9, %logistic3A_7 : vector<256x768xf32>
    %logistic3A_11 = arith.divf %logistic3A_9, %logistic3A_10 : vector<256x768xf32>
    %mul3A = arith.mulf %slice3A, %logistic3A_11 : vector<256x768xf32>
    %mul3A_12 = arith.mulf %mul3A, %slice3A_6 : vector<256x768xf32>
    %convert_element_type3A = arith.truncf %mul3A_12 : vector<256x768xf32> to vector<256x768xbf16>
    %get3A_13 = arith.constant 0 : index
    %get3A_14 = arith.constant 0 : index
    %get3A_15 = vector.load %arg3[%get3A_13, %get3A_14] : memref<768x2048xbf16, #tpu.memory_space<vmem>>, vector<768x2048xbf16>
    %dot_general3A_16 = arith.constant dense<0.000000e+00> : vector<256x2048xf32>
    %dot_general3A_17 = tpu.matmul %convert_element_type3A, %get3A_15, %dot_general3A_16 {dimension_numbers = #tpu.dot_dimension_numbers<[1], [0], [0], [1], [0, 0, 1, 1], [], []>, transpose_lhs_hint = false} : vector<256x768xbf16>, vector<768x2048xbf16>, vector<256x2048xf32> -> vector<256x2048xf32>
    %get3A_18 = arith.constant 0 : index
    %get3A_19 = arith.constant 0 : index
    %get3A_20 = arith.constant 0 : index
    %get3A_21 = vector.load %arg5[%get3A_18, %get3A_19, %get3A_20] : memref<256x2x1024xi32, #tpu.memory_space<vmem>>, vector<256x1x1024xi32>
    %get3A_22 = vector.shape_cast %get3A_21 : vector<256x1x1024xi32> to vector<256x1024xi32>
    %convert_element_type3A_23 = arith.trunci %get3A_22 : vector<256x1024xi32> to vector<256x1024xi16>
    %bitcast_convert_type3A = tpu.bitcast %convert_element_type3A_23 : vector<256x1024xi16> -> vector<256x1024xbf16>
    %shift_right_logical3A = arith.constant 16 : i32
    %shift_right_logical3A_24 = vector.broadcast %shift_right_logical3A : i32 to vector<256x1024xi32>
    %shift_right_logical3A_25 = arith.shrui %get3A_22, %shift_right_logical3A_24 : vector<256x1024xi32>
    %convert_element_type3A_26 = arith.trunci %shift_right_logical3A_25 : vector<256x1024xi32> to vector<256x1024xi16>
    %bitcast_convert_type3A_27 = tpu.bitcast %convert_element_type3A_26 : vector<256x1024xi16> -> vector<256x1024xbf16>
    %concatenate3A = tpu.concatenate %bitcast_convert_type3A, %bitcast_convert_type3A_27 in 1 : vector<256x1024xbf16>, vector<256x1024xbf16> -> vector<256x2048xbf16>
    %convert_element_type3A_28 = arith.extf %concatenate3A : vector<256x2048xbf16> to vector<256x2048xf32>
    %get3A_29 = arith.constant 0 : index
    %get3A_30 = arith.constant 1 : index
    %get3A_31 = arith.constant 0 : index
    %get3A_32 = vector.load %arg5[%get3A_29, %get3A_30, %get3A_31] : memref<256x2x1024xi32, #tpu.memory_space<vmem>>, vector<256x1x1024xi32>
    %get3A_33 = vector.shape_cast %get3A_32 : vector<256x1x1024xi32> to vector<256x1024xi32>
    %convert_element_type3A_34 = arith.trunci %get3A_33 : vector<256x1024xi32> to vector<256x1024xi16>
    %bitcast_convert_type3A_35 = tpu.bitcast %convert_element_type3A_34 : vector<256x1024xi16> -> vector<256x1024xbf16>
    %shift_right_logical3A_36 = arith.constant 16 : i32
    %shift_right_logical3A_37 = vector.broadcast %shift_right_logical3A_36 : i32 to vector<256x1024xi32>
    %shift_right_logical3A_38 = arith.shrui %get3A_33, %shift_right_logical3A_37 : vector<256x1024xi32>
    %convert_element_type3A_39 = arith.trunci %shift_right_logical3A_38 : vector<256x1024xi32> to vector<256x1024xi16>
    %bitcast_convert_type3A_40 = tpu.bitcast %convert_element_type3A_39 : vector<256x1024xi16> -> vector<256x1024xbf16>
    %concatenate3A_41 = tpu.concatenate %bitcast_convert_type3A_35, %bitcast_convert_type3A_40 in 1 : vector<256x1024xbf16>, vector<256x1024xbf16> -> vector<256x2048xbf16>
    %convert_element_type3A_42 = arith.extf %concatenate3A_41 : vector<256x2048xbf16> to vector<256x2048xf32>
    %get3A_43 = arith.constant 0 : index
    %get3A_44 = arith.constant 0 : index
    %get3A_45 = vector.load %arg6[%get3A_43, %get3A_44] : memref<256x2xf32, #tpu.memory_space<vmem>>, vector<256x1xf32>
    %mul3A_46 = vector.broadcast %get3A_45 : vector<256x1xf32> to vector<256x2048xf32>
    %mul3A_47 = arith.mulf %mul3A_46, %convert_element_type3A_28 : vector<256x2048xf32>
    %get3A_48 = arith.constant 0 : index
    %get3A_49 = arith.constant 1 : index
    %get3A_50 = vector.load %arg6[%get3A_48, %get3A_49] : memref<256x2xf32, #tpu.memory_space<vmem>>, vector<256x1xf32>
    %mul3A_51 = vector.broadcast %get3A_50 : vector<256x1xf32> to vector<256x2048xf32>
    %mul3A_52 = arith.mulf %mul3A_51, %convert_element_type3A_42 : vector<256x2048xf32>
    %add3A = arith.addf %mul3A_47, %mul3A_52 : vector<256x2048xf32>
    %get3A_53 = arith.constant 0 : index
    %get3A_54 = arith.constant 0 : index
    %get3A_55 = vector.load %arg4[%get3A_53, %get3A_54] : memref<256x2048xf32, #tpu.memory_space<vmem>>, vector<256x2048xf32>
    %add3A_56 = arith.addf %get3A_55, %add3A : vector<256x2048xf32>
    %add3A_57 = arith.addf %add3A_56, %dot_general3A_17 : vector<256x2048xf32>
    %swap3A = arith.constant 0 : index
    %swap3A_58 = arith.constant 0 : index
    %swap3A_59 = vector.load %arg7[%swap3A, %swap3A_58] : memref<256x2048xf32, #tpu.memory_space<vmem>>, vector<256x2048xf32>
    tpu.vector_store %arg7[%swap3A, %swap3A_58], %add3A_57 {strides = array<i32>} : memref<256x2048xf32, #tpu.memory_space<vmem>>, vector<256x2048xf32>,
    return
  }
  func.func @transform_0(%arg0: i32) -> (i32, i32) {
    %c0_i32 = arith.constant 0 : i32
    %c0_i32_0 = arith.constant 0 : i32
    return %arg0, %c0_i32 : i32, i32
  }
  func.func @transform_1(%arg0: i32) -> (i32, i32) {
    %c0_i32 = arith.constant 0 : i32
    %c0_i32_0 = arith.constant 0 : i32
    %c0_i32_1 = arith.constant 0 : i32
    return %c0_i32, %c0_i32_0 : i32, i32
  }
  func.func @transform_2(%arg0: i32) -> (i32, i32) {
    %c0_i32 = arith.constant 0 : i32
    %c0_i32_0 = arith.constant 0 : i32
    %c0_i32_1 = arith.constant 0 : i32
    return %c0_i32, %c0_i32_0 : i32, i32
  }
  func.func @transform_3(%arg0: i32) -> (i32, i32) {
    %c0_i32 = arith.constant 0 : i32
    %c0_i32_0 = arith.constant 0 : i32
    return %arg0, %c0_i32 : i32, i32
  }
  func.func @transform_4(%arg0: i32) -> (i32, i32, i32) {
    %c0_i32 = arith.constant 0 : i32
    %c0_i32_0 = arith.constant 0 : i32
    %c0_i32_1 = arith.constant 0 : i32
    return %arg0, %c0_i32, %c0_i32_0 : i32, i32, i32
  }
  func.func @transform_5(%arg0: i32) -> (i32, i32) {
    %c0_i32 = arith.constant 0 : i32
    %c0_i32_0 = arith.constant 0 : i32
    return %arg0, %c0_i32 : i32, i32
  }
  func.func @transform_6(%arg0: i32) -> (i32, i32) {
    %c0_i32 = arith.constant 0 : i32
    %c0_i32_0 = arith.constant 0 : i32
    return %arg0, %c0_i32 : i32, i32
  }
}

</mosaic_0001>

<sc_bundles>
// kernel: kernel.12.cloned.1.call-start
scs
__scs_entry_jumppad:
0x0: {  	(pc) =	sbr.rel $0x88, $3  }
0x1: {  	(tag) =	ssettag $0x0;
	lr =	simm.s32 $0x1  }
0x2: {  	[smem:$0x3F94] =	sst lr;
	_ =	strace $0xD0000000  }
0x3: {  	_ = 	snop  }
0x4: {  	_ = 	snop  }
0x5: {  	_ = 	snop  }
0x6: {  	_ = 	snop  }
0x7: {  	_ = 	snop  }
__scs_overlays_trampoline_lowered:
0x8: {  	[smem:$0x3FA3] =	sst s0  }
0x9: {  	[smem:$0x3FA4] =	sst s1  }
0xa: {  	[smem:$0x3FA5] =	sst s2  }
0xb: {  	[smem:$0x3FA6] =	sst s3  }
0xc: {  	[smem:$0x3FA7] =	sst s4  }
0xd: {  	[smem:$0x3FA8] =	sst s5  }
0xe: {  	[smem:$0x3FA9] =	sst s6  }
0xf: {  	[smem:$0x3FAA] =	sst s7  }
0x10: {  	[smem:$0x3FAB] =	sst s8  }
0x11: {  	[smem:$0x3FAC] =	sst s9;
	s0 =	simm.s32 @!p0 $0x0  }
0x12: {  	s1 =	sld [smem:$0x3F92];
	s0 =	simm.s32 @p0 $0x1  }
0x13: {  	[smem:$0x3FAD] =	sst s0;
	s0 =	simm.s32 @!p1 $0x0  }
0x14: {  	s2 =	sld [smem:$0x3F91];
	s0 =	simm.s32 @p1 $0x1  }
0x15: {  	[smem:$0x3FAE] =	sst s0;
	s0 =	simm.s32 @!p2 $0x0  }
0x16: {  	s3 =	sld [smem:$0x3FDB];
	s0 =	simm.s32 @p2 $0x1  }
0x17: {  	s4 =	simm.s32 $0x1BF5;
	[smem:$0x3FB0] =	sst s0  }
0x18: {  	s0 =	sld [smem:$0x3F93];
	_ =	swait.ge [sflag:s4], $0x0  }
0x19: {  	s7 =	sld [smem:$0x3F94]  }
0x1a: {  	s8 =	sadd.s32 $0xFFFFE003, lr  }
0x1b: {  	s9 =	sadd.s32 $0xFFFFFEF7, lr;
	s5 =	simm.s32 $0xFFFFFFFF;
	p2 =	slt.u32 s8, $0xFFFFF086  }
0x1c: {  	p1 =	slt.u32 s9, $0xF7A;
	s5 =	simm.s32 @!p2 $0x0  }
0x1d: {  	s5 =	simm.s32 @p1 $0x1;
	p0 =	seq.s32 s7, s2  }
0x1e: {  	s7 =	smul.u32 @!p0 $0xF7A, s2;
	p2 =	seq.s32 @!p0 s5, $0x0  }
0x1f: {  	s9 =	smul.u32 $0xF7A, s1;
	s8 =	simm.s32 @!p0 $0x1BF5;
	p2 =	por !p2, p0  }
0x20: {  	[sflag:s8] =	ssyncset.s32 @!p0 $0xFFFFF086;
	s6 =	sadd.s32 @!p0 s3, s7;
	s7 =	simm.s32 @!p0 $0x108  }
0x21: {  	s3 =	sadd.s32 s3, s9;
	s6 =	sadd.s32 @!p0 $0x88, s6;
	s7 =	simm.s32 @p2 $0x1082  }
0x22: {  	[simem:s7], [sflag:s8] =	dma.local @!p0 [hbm:s6], $0xF7A  }
0x23: {  	s9 =	sor.u32 $0xD0000000, s2;
	s6 =	simm.s32 $0x108;
	_ =	swait.ge @!p0 [sflag:s8], $0x0  }
0x24: {  	s3 =	sadd.s32 $0x88, s3;
	s6 =	simm.s32 @!p1 $0x1082;
	[sflag:s4] =	ssyncset.s32 $0xFFFFF086  }
0x25: {  	[simem:s6], [sflag:s4] =	dma.local [hbm:s3], $0xF7A  }
0x26: {  	[smem:$0x3F94] =	sst s1;
	(tag) =	ssettag s2;
	_ =	strace s9  }
0x27: {  	s1 =	sld [smem:$0x3FA4]  }
0x28: {  	s2 =	sld [smem:$0x3FA5]  }
0x29: {  	s4 =	sld [smem:$0x3FA7]  }
0x2a: {  	p0 =	seq.s32 s5, $0x0;
	s5 =	sld [smem:$0x3FA8]  }
0x2b: {  	s6 =	sld [smem:$0x3FA9]  }
0x2c: {  	s7 =	sld [smem:$0x3FAA]  }
0x2d: {  	s3 =	simm.s32 $0x108;
	s8 =	sld [smem:$0x3FAB]  }
0x2e: {  	s3 =	simm.s32 @!p0 $0x1082;
	s9 =	sld [smem:$0x3FAC]  }
0x2f: {  	lr =	sadd.s32 s0, s3;
	s0 =	sld [smem:$0x3FA3]  }
0x30: {  	s3 =	sld [smem:$0x3FA6]  }
0x31: {  	[smem:$0x3FAF] =	sst s10  }
0x32: {  	s10 =	sld [smem:$0x3FAD];
	_ =	sdelay $0x3  }
0x33: {  	p0 =	seq.s32 s10, $0x1;
	s10 =	sld [smem:$0x3FAF];
	_ =	sdelay $0x3  }
0x34: {  	[smem:$0x3FAF] =	sst s10  }
0x35: {  	s10 =	sld [smem:$0x3FAE];
	_ =	sdelay $0x3  }
0x36: {  	p1 =	seq.s32 s10, $0x1;
	s10 =	sld [smem:$0x3FAF];
	_ =	sdelay $0x3  }
0x37: {  	[smem:$0x3FAF] =	sst s10  }
0x38: {  	s10 =	sld [smem:$0x3FB0]  }
0x39: {  	_ = 	snop;
	(pc) =	sbr.ind lr, $3  }
0x3a: {  	_ = 	snop  }
0x3b: {  	_ = 	snop  }
0x3c: {  	p2 =	seq.s32 s10, $0x1;
	s10 =	sld [smem:$0x3FAF]  }
0x3d: {  	_ =	shalt  }
0x3e: {  	_ =	shalt  }
0x3f: {  	_ =	shalt  }
0x40: {  	_ =	shalt  }
0x41: {  	_ =	shalt  }
0x42: {  	_ =	shalt  }
0x43: {  	_ =	shalt  }
0x44: {  	_ =	shalt  }
0x45: {  	_ =	shalt  }
0x46: {  	_ =	shalt  }
0x47: {  	_ =	shalt  }
0x48: {  	_ =	shalt  }
0x49: {  	_ =	shalt  }
0x4a: {  	_ =	shalt  }
0x4b: {  	_ =	shalt  }
0x4c: {  	_ =	shalt  }
0x4d: {  	_ =	shalt  }
0x4e: {  	_ =	shalt  }
0x4f: {  	_ =	shalt  }
0x50: {  	_ =	shalt  }
0x51: {  	_ =	shalt  }
0x52: {  	_ =	shalt  }
0x53: {  	_ =	shalt  }
0x54: {  	_ =	shalt  }
0x55: {  	_ =	shalt  }
0x56: {  	_ =	shalt  }
0x57: {  	_ =	shalt  }
0x58: {  	_ =	shalt  }
0x59: {  	_ =	shalt  }
0x5a: {  	_ =	shalt  }
0x5b: {  	_ =	shalt  }
0x5c: {  	_ =	shalt  }
0x5d: {  	_ =	shalt  }
0x5e: {  	_ =	shalt  }
0x5f: {  	_ =	shalt  }
0x60: {  	_ =	shalt  }
0x61: {  	_ =	shalt  }
0x62: {  	_ =	shalt  }
0x63: {  	_ =	shalt  }
0x64: {  	_ =	shalt  }
0x65: {  	_ =	shalt  }
0x66: {  	_ =	shalt  }
0x67: {  	_ =	shalt  }
0x68: {  	_ =	shalt  }
0x69: {  	_ =	shalt  }
0x6a: {  	_ =	shalt  }
0x6b: {  	_ =	shalt  }
0x6c: {  	_ =	shalt  }
0x6d: {  	_ =	shalt  }
0x6e: {  	_ =	shalt  }
0x6f: {  	_ =	shalt  }
0x70: {  	_ =	shalt  }
0x71: {  	_ =	shalt  }
0x72: {  	_ =	shalt  }
0x73: {  	_ =	shalt  }
0x74: {  	_ =	shalt  }
0x75: {  	_ =	shalt  }
0x76: {  	_ =	shalt  }
0x77: {  	_ =	shalt  }
0x78: {  	_ =	shalt  }
0x79: {  	_ =	shalt  }
0x7a: {  	_ =	shalt  }
0x7b: {  	_ =	shalt  }
0x7c: {  	_ =	shalt  }
0x7d: {  	_ =	shalt  }
0x7e: {  	_ =	shalt  }
0x7f: {  	_ =	shalt  }
0x80: {  	_ =	shalt  }
0x81: {  	_ =	shalt  }
0x82: {  	_ =	shalt  }
0x83: {  	_ =	shalt  }
0x84: {  	_ =	shalt  }
0x85: {  	_ =	shalt  }
0x86: {  	_ =	shalt  }
0x87: {  	_ =	shalt  }
.Lfunc_end0:
.L_simem_size_0:
called_computation_lowered:
.L_overlay_start_0:
0x88: {  	s2 =	sld [smem:$0x3FD9]  }
0x89: {  	s3 =	sld [smem:$0x3FFE];
	_ =	sdelay $0x1  }
0x8a: {  	s1 =	srdreg.scid  }
0x8b: {  	s0 =	sand.u32 $0x1, s1  }
0x8c: {  	s17 =	sshll.u32 s0, $0xA;
	s2 =	sadd.s32 s3, s2  }
0x8d: {  	s2 =	sadd.s32 s2, s17  }
0x8e: {  	[smem:$0x3FBB] =	sst s2  }
0x8f: {  	_ = 	snop  }
0x90: {  	s2 =	sld [smem:$0x3FD0];
	(tm) =	ssettm $0x1  }
0x91: {  	s18 =	sld [smem:$0x3FFB];
	_ =	sdelay $0x3  }
0x92: {  	_ =	strace s18  }
0x93: {  	s3 =	sld [smem:$0x3FFC];
	_ =	sdelay $0x3  }
0x94: {  	_ =	strace s3  }
0x95: {  	s3 =	sld [smem:$0x3FFD];
	_ =	sdelay $0x3  }
0x96: {  	_ =	strace s3  }
0x97: {  	_ =	strace $0x8FFFFFFF  }
0x98: {  	s19 =	sld [smem:$0x3FDB];
	_ =	sdelay $0x1  }
0x99: {  	s4 =	simm.s32 $_scs_section_size  }
0x9a: {  	s5 =	simm.s32 $_size__tile_overlayer_lowered;
	s6 =	simm.s32 $_tile_overlayer_lowered  }
0x9b: {  	s22 =	simm.s32 $0x1BFF;
	s21 =	sshll.u32 s6, $0x1;
	s3 =	sadd.s32 s4, s19  }
0x9c: {  	s7 =	simm.s32 $0x0;
	s20 =	sshll.u32 s5, $0x1;
	s5 =	sadd.s32 s21, s3  }
0x9d: {  	[timem:s7], [sflag:s22] =	dma.local [hbm:s5], s20  }
0x9e: {  	_ =	swait.ge [sflag:s22], s20  }
0x9f: {  	s4 =	ssub.s32 $0x0, s20;
	[sflag:s22] =	ssyncset.done $0x0  }
0xa0: {  	[sflag:s22] =	ssyncadd.s32 s4;
	_ =	sdelay $0x1  }
0xa1: {  	s23 =	simm.s32 $0x1B8B  }
0xa2: {  	_ =	swait.ge [sflag:s23], $0x1  }
0xa3: {  	[sflag:s23] =	ssyncset.done $0x0  }
0xa4: {  	s25 =	simm.s32 $0x1B8E;
	s24 =	sld [smem:$0x3FFE];
	[sflag:s23] =	ssyncadd.s32 $0xFFFFFFFF  }
0xa5: {  	s26 =	simm.s32 $execute0_lowered;
	[smem:$0x3FD2] =	sst s25  }
0xa6: {  	s5 =	sshll.u32 s26, $0x1;
	_ =	strace $0x80000046;
	[dreg:$0x1] =	wrdreg $0xFFFFFFFF  }
0xa7: {  	s28 =	simm.s32 $_size_execute0_lowered;
	s3 =	sadd.s32 s3, s5;
	[dreg:$0x0] =	wrdreg $0x0  }
0xa8: {  	s5 =	sshll.u32 s28, $0x1;
	[dreg:$0x2] =	wrdreg s3  }
0xa9: {  	[dreg:$0x3] =	wrdreg s5  }
0xaa: {  	[dreg:$0x4] =	wrdreg $0xC0  }
0xab: {  	_ =	task [dreg:s7], $0x5FFFF  }
0xac: {  	[dreg:$0x1] =	wrdreg $0xFFFFFFFF  }
0xad: {  	[dreg:$0x0] =	wrdreg $0x60  }
0xae: {  	[dreg:$0x2] =	wrdreg s2  }
0xaf: {  	[dreg:$0x3] =	wrdreg s24  }
0xb0: {  	[dreg:$0x4] =	wrdreg $0x9  }
0xb1: {  	_ =	task.clear_ibuf [dreg:s7], $0x5FFFF;
	_ =	strace $0x90000046  }
0xb2: {  	s29 =	simm.s32 $0x9;
	_ =	strace $0x80000048  }
0xb3: {  	_ =	swait.ge [sflag:s29], $0x1  }
0xb4: {  	[sflag:s29] =	ssyncadd.s32 $0xFFFFFFFF  }
0xb5: {  	_ =	strace $0x90000048  }
0xb6: {  	_ =	sfence  }
0xb7: {  	s30 =	sld [smem:$0x0];
	_ =	sdelay $0x2  }
0xb8: {  	s31 =	sshll.u32 s1, $0xD;
	s1 =	sshrl.u32 s1, $0x2  }
0xb9: {  	s3 =	sand.u32 $0x4000, s31;
	s1 =	sadd.s32 s1, s30  }
0xba: {  	s0 =	sor.u32 s3, s0;
	s1 =	sshll.u32 s1, $0x11  }
0xbb: {  	s0 =	sor.u32 s1, s0  }
0xbc: {  	s0 =	sadd.s32 $0x8F2B, s0  }
0xbd: {  	[sflag:s0] =	ssyncadd.remote.s32 $0x1  }
0xbe: {  	_ =	sfence.sel $0xFFFF  }
0xbf: {  	[dreg:$0x0] =	wrdreg $0xFFFFFFFF;
	(pc) =	sbr.abs _section_cstart, $3  }
0xc0: {  	[dreg:$0x1] =	wrdreg $0xFFFFFFFF  }
0xc1: {  	_ =	task.clear_ibuf [dreg:s7], $0x2FFFF;
	_ =	strace $0x9FFFFFFF  }
0xc2: {  	(tm) =	ssettm $0x7FFFFFFF  }
0xc3: {  	_ =	shalt  }
tec
execute0_lowered:
.L_overlay_start_1:
0x0: {  	(tag) =	ssettag $0x1  }
0x1: {  	s4 =	rddreg [dreg:$0x0];
	s1 =	srdreg.scid  }
0x2: {  	s0 =	stileid.u32;
	s7 =	rddreg [dreg:$0x1]  }
0x3: {  	s2 =	simm.s32 $0x0;
	s12 =	simm.s32 $0x3;
	s13 =	simm.s32 $0x400  }
0x4: {  	s14 =	simm.s32 $0x1;
	s15 =	simm.s32 $0xC00;
	s16 =	simm.s32 $0x1400  }
0x5: {  	s17 =	simm.s32 $0x1C00;
	s18 =	simm.s32 $0x2400;
	s19 =	simm.s32 $0x2C00  }
0x6: {  	s20 =	simm.s32 $0x3400;
	s21 =	simm.s32 $0x3C00;
	s22 =	simm.s32 $0x4400  }
0x7: {  	s23 =	simm.s32 $0x4C00;
	s24 =	simm.s32 $0x5400;
	s25 =	simm.s32 $0x5C00  }
0x8: {  	s26 =	simm.s32 $0x6400;
	s28 =	simm.s32 $0x6C00;
	s29 =	simm.s32 $0x7400  }
0x9: {  	s30 =	simm.s32 $0x7C00;
	s3 =	sand.u32 $0x1, s1;
	s5 =	sshll.u32 s0, $0x1  }
0xa: {  	s31 =	simm.s32 $0x2;
	[smem:$0x7FF] =	sst s2;
	s5 =	sor.u32 s3, s5  }
0xb: {  	_ =	strace $0x80000047;
	s8 =	ssub.s32 $0x2, s3;
	s3 =	sadd.s32 $0xCCA00, s7  }
0xc: {  	s6 =	sshll.u32 s5, $0x7;
	s9 =	sshrl.u32 s8, $0x1;
	s5 =	sshll.u32 s5, $0xD  }
0xd: {  	s6 =	sadd.s32 s6, s7;
	s11 =	ssub.s32 s8, s9;
	s4 =	sadd.s32 s4, s5  }
0xe: {  	v2 =	vlaneseq.u32;
	s5 =	sadd.s32 $0xCCB00, s7;
	s6 =	sadd.s32 $0xCBA00, s6;
	s8 =	sadd.s32 $0x800, s4  }
0xf: {  	vm0 =	vmmov $0xffff;
	v1 =	vshrl.u32 v2, $0x3;
	s9 =	sadd.s32 $0x1000, s4;
	s10 =	sadd.s32 $0x1800, s4;
	s11 =	smax.u32 s11, $0x1  }
0x10: {  	v0 =	vand.u32 $0x7, v2;
	v2 =	vor.u32 $0x8, v2;
	v1 =	vmul.u32 $0x8, v1;
	[dreg:$0x3] =	wrdreg s6;
	s6 =	sadd.s32 $0xCCC00, s7;
	s7 =	sadd.s32 $0xCCD00, s7  }
.LBB2_1:
0x11: {  	s1 =	rddreg [dreg:$0x3]  }
0x12: {  	[tilespmem:s2], [sflag:$0x3] =	stream.linear.gather [hbm4b:s1+s2], $0x400, $0x38;
	[tilespmem:$0x8400] =	vst v63  }
0x13: {  	_ =	swait.ge [sflag:s12], $0x400  }
0x14: {  	[sflag:s12] =	ssyncset.done $0x0  }
0x15: {  	[sflag:s12] =	ssyncadd.s32 $0xFFFFFC00  }
0x16: {  	[tilespmem:s13], [sflag:$0x1] =	stream.linear.gather [hbm4b:s4+s2], $0x4000, $0x38;
	[tilespmem:$0x8400] =	vst v63  }
0x17: {  	_ =	swait.ge [sflag:s14], $0x4000  }
0x18: {  	[sflag:s14] =	ssyncset.done $0x0  }
0x19: {  	[sflag:s14] =	ssyncadd.s32 $0xFFFFC000  }
0x1a: {  	v3 =	vld [tilespmem:$0x0];
	_ =	sdelay $0x4  }
0x1b: {  	v4 =	vshll.u32 v3, $0x3  }
0x1c: {  	v3 =	vand.u32 $0x7, v3;
	v4 =	vand.u32 $0xFFFFFFC0, v4  }
0x1d: {  	v3 =	vor.u32 v3, v4  }
0x1e: {  	v4 =	vperm.xlane v3, v0;
	_ =	sdelay $0x1  }
0x1f: {  	v4 =	vadd.s32 v1, v4;
	_ =	sdelay $0x4  }
0x20: {  	[hbm4b:s3+s2] =	stream.indirect_vreg.scatter [tilespmem:s13], [sflag:$0x2], $0x80, v4, vm0, $0xb8;
	[tilespmem:$0x8400] =	vst v63  }
0x21: {  	v3 =	vperm.xlane v3, v2  }
0x22: {  	[hbm4b:s5+s2] =	stream.indirect_vreg.scatter [tilespmem:s15], [sflag:$0x2], $0x80, v4, vm0, $0xb8;
	[tilespmem:$0x8400] =	vst v63  }
0x23: {  	v3 =	vadd.s32 v1, v3  }
0x24: {  	[hbm4b:s6+s2] =	stream.indirect_vreg.scatter [tilespmem:s16], [sflag:$0x2], $0x80, v4, vm0, $0xb8;
	[tilespmem:$0x8400] =	vst v63  }
0x25: {  	_ = 	snop  }
0x26: {  	[hbm4b:s7+s2] =	stream.indirect_vreg.scatter [tilespmem:s17], [sflag:$0x2], $0x80, v4, vm0, $0xb8;
	[tilespmem:$0x8400] =	vst v63  }
0x27: {  	_ = 	snop  }
0x28: {  	[hbm4b:s3+s2] =	stream.indirect_vreg.scatter [tilespmem:s18], [sflag:$0x2], $0x80, v3, vm0, $0xb8;
	[tilespmem:$0x8400] =	vst v63  }
0x29: {  	_ = 	snop  }
0x2a: {  	[hbm4b:s5+s2] =	stream.indirect_vreg.scatter [tilespmem:s19], [sflag:$0x2], $0x80, v3, vm0, $0xb8;
	[tilespmem:$0x8400] =	vst v63  }
0x2b: {  	_ = 	snop  }
0x2c: {  	[hbm4b:s6+s2] =	stream.indirect_vreg.scatter [tilespmem:s20], [sflag:$0x2], $0x80, v3, vm0, $0xb8;
	[tilespmem:$0x8400] =	vst v63  }
0x2d: {  	_ = 	snop  }
0x2e: {  	[hbm4b:s7+s2] =	stream.indirect_vreg.scatter [tilespmem:s21], [sflag:$0x2], $0x80, v3, vm0, $0xb8;
	[tilespmem:$0x8400] =	vst v63  }
0x2f: {  	v3 =	vld [tilespmem:$0x200];
	_ =	sdelay $0x4  }
0x30: {  	v57 =	vshll.u32 v3, $0x3  }
0x31: {  	v3 =	vand.u32 $0x7, v3;
	v4 =	vand.u32 $0xFFFFFFC0, v57  }
0x32: {  	v3 =	vor.u32 v3, v4  }
0x33: {  	v4 =	vperm.xlane v3, v0;
	_ =	sdelay $0x1  }
0x34: {  	v4 =	vadd.s32 v1, v4;
	_ =	sdelay $0x4  }
0x35: {  	[hbm4b:s3+s2] =	stream.indirect_vreg.scatter [tilespmem:s13], [sflag:$0x2], $0x80, v4, vm0, $0xb8;
	[tilespmem:$0x8400] =	vst v63  }
0x36: {  	v3 =	vperm.xlane v3, v2  }
0x37: {  	[hbm4b:s5+s2] =	stream.indirect_vreg.scatter [tilespmem:s15], [sflag:$0x2], $0x80, v4, vm0, $0xb8;
	[tilespmem:$0x8400] =	vst v63  }
0x38: {  	v3 =	vadd.s32 v1, v3  }
0x39: {  	[hbm4b:s6+s2] =	stream.indirect_vreg.scatter [tilespmem:s16], [sflag:$0x2], $0x80, v4, vm0, $0xb8;
	[tilespmem:$0x8400] =	vst v63  }
0x3a: {  	_ = 	snop  }
0x3b: {  	[hbm4b:s7+s2] =	stream.indirect_vreg.scatter [tilespmem:s17], [sflag:$0x2], $0x80, v4, vm0, $0xb8;
	[tilespmem:$0x8400] =	vst v63  }
0x3c: {  	_ = 	snop  }
0x3d: {  	[hbm4b:s3+s2] =	stream.indirect_vreg.scatter [tilespmem:s18], [sflag:$0x2], $0x80, v3, vm0, $0xb8;
	[tilespmem:$0x8400] =	vst v63  }
0x3e: {  	_ = 	snop  }
0x3f: {  	[hbm4b:s5+s2] =	stream.indirect_vreg.scatter [tilespmem:s19], [sflag:$0x2], $0x80, v3, vm0, $0xb8;
	[tilespmem:$0x8400] =	vst v63  }
0x40: {  	_ = 	snop  }
0x41: {  	[hbm4b:s6+s2] =	stream.indirect_vreg.scatter [tilespmem:s20], [sflag:$0x2], $0x80, v3, vm0, $0xb8;
	[tilespmem:$0x8400] =	vst v63  }
0x42: {  	_ = 	snop  }
0x43: {  	[hbm4b:s7+s2] =	stream.indirect_vreg.scatter [tilespmem:s21], [sflag:$0x2], $0x80, v3, vm0, $0xb8;
	[tilespmem:$0x8400] =	vst v63  }
0x44: {  	_ = 	snop  }
0x45: {  	[tilespmem:s22], [sflag:$0x1] =	stream.linear.gather [hbm4b:s8+s2], $0x4000, $0x38;
	[tilespmem:$0x8400] =	vst v63  }
0x46: {  	_ =	swait.ge [sflag:s14], $0x4000  }
0x47: {  	[sflag:s14] =	ssyncset.done $0x0  }
0x48: {  	[sflag:s14] =	ssyncadd.s32 $0xFFFFC000  }
0x49: {  	v3 =	vld [tilespmem:$0x80];
	_ =	sdelay $0x4  }
0x4a: {  	v58 =	vshll.u32 v3, $0x3  }
0x4b: {  	v3 =	vand.u32 $0x7, v3;
	v4 =	vand.u32 $0xFFFFFFC0, v58  }
0x4c: {  	v3 =	vor.u32 v3, v4  }
0x4d: {  	v4 =	vperm.xlane v3, v0;
	_ =	sdelay $0x1  }
0x4e: {  	v4 =	vadd.s32 v1, v4;
	_ =	sdelay $0x4  }
0x4f: {  	[hbm4b:s3+s2] =	stream.indirect_vreg.scatter [tilespmem:s22], [sflag:$0x2], $0x80, v4, vm0, $0xb8;
	[tilespmem:$0x8400] =	vst v63  }
0x50: {  	v3 =	vperm.xlane v3, v2  }
0x51: {  	[hbm4b:s5+s2] =	stream.indirect_vreg.scatter [tilespmem:s23], [sflag:$0x2], $0x80, v4, vm0, $0xb8;
	[tilespmem:$0x8400] =	vst v63  }
0x52: {  	v3 =	vadd.s32 v1, v3  }
0x53: {  	[hbm4b:s6+s2] =	stream.indirect_vreg.scatter [tilespmem:s24], [sflag:$0x2], $0x80, v4, vm0, $0xb8;
	[tilespmem:$0x8400] =	vst v63  }
0x54: {  	_ = 	snop  }
0x55: {  	[hbm4b:s7+s2] =	stream.indirect_vreg.scatter [tilespmem:s25], [sflag:$0x2], $0x80, v4, vm0, $0xb8;
	[tilespmem:$0x8400] =	vst v63  }
0x56: {  	_ = 	snop  }
0x57: {  	[hbm4b:s3+s2] =	stream.indirect_vreg.scatter [tilespmem:s26], [sflag:$0x2], $0x80, v3, vm0, $0xb8;
	[tilespmem:$0x8400] =	vst v63  }
0x58: {  	_ = 	snop  }
0x59: {  	[hbm4b:s5+s2] =	stream.indirect_vreg.scatter [tilespmem:s28], [sflag:$0x2], $0x80, v3, vm0, $0xb8;
	[tilespmem:$0x8400] =	vst v63  }
0x5a: {  	_ = 	snop  }
0x5b: {  	[hbm4b:s6+s2] =	stream.indirect_vreg.scatter [tilespmem:s29], [sflag:$0x2], $0x80, v3, vm0, $0xb8;
	[tilespmem:$0x8400] =	vst v63  }
0x5c: {  	_ = 	snop  }
0x5d: {  	[hbm4b:s7+s2] =	stream.indirect_vreg.scatter [tilespmem:s30], [sflag:$0x2], $0x80, v3, vm0, $0xb8;
	[tilespmem:$0x8400] =	vst v63  }
0x5e: {  	v3 =	vld [tilespmem:$0x280];
	_ =	sdelay $0x4  }
0x5f: {  	v59 =	vshll.u32 v3, $0x3  }
0x60: {  	v3 =	vand.u32 $0x7, v3;
	v4 =	vand.u32 $0xFFFFFFC0, v59  }
0x61: {  	v3 =	vor.u32 v3, v4  }
0x62: {  	v4 =	vperm.xlane v3, v0;
	_ =	sdelay $0x1  }
0x63: {  	v4 =	vadd.s32 v1, v4;
	_ =	sdelay $0x4  }
0x64: {  	[hbm4b:s3+s2] =	stream.indirect_vreg.scatter [tilespmem:s22], [sflag:$0x2], $0x80, v4, vm0, $0xb8;
	[tilespmem:$0x8400] =	vst v63  }
0x65: {  	v3 =	vperm.xlane v3, v2  }
0x66: {  	[hbm4b:s5+s2] =	stream.indirect_vreg.scatter [tilespmem:s23], [sflag:$0x2], $0x80, v4, vm0, $0xb8;
	[tilespmem:$0x8400] =	vst v63  }
0x67: {  	v3 =	vadd.s32 v1, v3  }
0x68: {  	[hbm4b:s6+s2] =	stream.indirect_vreg.scatter [tilespmem:s24], [sflag:$0x2], $0x80, v4, vm0, $0xb8;
	[tilespmem:$0x8400] =	vst v63  }
0x69: {  	_ = 	snop  }
0x6a: {  	[hbm4b:s7+s2] =	stream.indirect_vreg.scatter [tilespmem:s25], [sflag:$0x2], $0x80, v4, vm0, $0xb8;
	[tilespmem:$0x8400] =	vst v63  }
0x6b: {  	_ = 	snop  }
0x6c: {  	[hbm4b:s3+s2] =	stream.indirect_vreg.scatter [tilespmem:s26], [sflag:$0x2], $0x80, v3, vm0, $0xb8;
	[tilespmem:$0x8400] =	vst v63  }
0x6d: {  	_ = 	snop  }
0x6e: {  	[hbm4b:s5+s2] =	stream.indirect_vreg.scatter [tilespmem:s28], [sflag:$0x2], $0x80, v3, vm0, $0xb8;
	[tilespmem:$0x8400] =	vst v63  }
0x6f: {  	_ = 	snop  }
0x70: {  	[hbm4b:s6+s2] =	stream.indirect_vreg.scatter [tilespmem:s29], [sflag:$0x2], $0x80, v3, vm0, $0xb8;
	[tilespmem:$0x8400] =	vst v63  }
0x71: {  	_ = 	snop  }
0x72: {  	[hbm4b:s7+s2] =	stream.indirect_vreg.scatter [tilespmem:s30], [sflag:$0x2], $0x80, v3, vm0, $0xb8;
	[tilespmem:$0x8400] =	vst v63  }
0x73: {  	_ =	swait.ge [sflag:s31], $0x4000  }
0x74: {  	[sflag:s31] =	ssyncset.done $0x0  }
0x75: {  	[sflag:s31] =	ssyncadd.s32 $0xFFFFC000  }
0x76: {  	_ =	swait.ge [sflag:s31], $0x4000  }
0x77: {  	[sflag:s31] =	ssyncset.done $0x0  }
0x78: {  	[sflag:s31] =	ssyncadd.s32 $0xFFFFC000  }
0x79: {  	[tilespmem:s13], [sflag:$0x1] =	stream.linear.gather [hbm4b:s9+s2], $0x4000, $0x38;
	[tilespmem:$0x8400] =	vst v63  }
0x7a: {  	_ =	swait.ge [sflag:s14], $0x4000  }
0x7b: {  	[sflag:s14] =	ssyncset.done $0x0  }
0x7c: {  	[sflag:s14] =	ssyncadd.s32 $0xFFFFC000  }
0x7d: {  	v3 =	vld [tilespmem:$0x100];
	_ =	sdelay $0x4  }
0x7e: {  	v60 =	vshll.u32 v3, $0x3  }
0x7f: {  	v3 =	vand.u32 $0x7, v3;
	v4 =	vand.u32 $0xFFFFFFC0, v60  }
0x80: {  	v3 =	vor.u32 v3, v4  }
0x81: {  	v4 =	vperm.xlane v3, v0;
	_ =	sdelay $0x1  }
0x82: {  	v4 =	vadd.s32 v1, v4;
	_ =	sdelay $0x4  }
0x83: {  	[hbm4b:s3+s2] =	stream.indirect_vreg.scatter [tilespmem:s13], [sflag:$0x2], $0x80, v4, vm0, $0xb8;
	[tilespmem:$0x8400] =	vst v63  }
0x84: {  	v3 =	vperm.xlane v3, v2  }
0x85: {  	[hbm4b:s5+s2] =	stream.indirect_vreg.scatter [tilespmem:s15], [sflag:$0x2], $0x80, v4, vm0, $0xb8;
	[tilespmem:$0x8400] =	vst v63  }
0x86: {  	v3 =	vadd.s32 v1, v3  }
0x87: {  	[hbm4b:s6+s2] =	stream.indirect_vreg.scatter [tilespmem:s16], [sflag:$0x2], $0x80, v4, vm0, $0xb8;
	[tilespmem:$0x8400] =	vst v63  }
0x88: {  	_ = 	snop  }
0x89: {  	[hbm4b:s7+s2] =	stream.indirect_vreg.scatter [tilespmem:s17], [sflag:$0x2], $0x80, v4, vm0, $0xb8;
	[tilespmem:$0x8400] =	vst v63  }
0x8a: {  	_ = 	snop  }
0x8b: {  	[hbm4b:s3+s2] =	stream.indirect_vreg.scatter [tilespmem:s18], [sflag:$0x2], $0x80, v3, vm0, $0xb8;
	[tilespmem:$0x8400] =	vst v63  }
0x8c: {  	_ = 	snop  }
0x8d: {  	[hbm4b:s5+s2] =	stream.indirect_vreg.scatter [tilespmem:s19], [sflag:$0x2], $0x80, v3, vm0, $0xb8;
	[tilespmem:$0x8400] =	vst v63  }
0x8e: {  	_ = 	snop  }
0x8f: {  	[hbm4b:s6+s2] =	stream.indirect_vreg.scatter [tilespmem:s20], [sflag:$0x2], $0x80, v3, vm0, $0xb8;
	[tilespmem:$0x8400] =	vst v63  }
0x90: {  	_ = 	snop  }
0x91: {  	[hbm4b:s7+s2] =	stream.indirect_vreg.scatter [tilespmem:s21], [sflag:$0x2], $0x80, v3, vm0, $0xb8;
	[tilespmem:$0x8400] =	vst v63  }
0x92: {  	v3 =	vld [tilespmem:$0x300];
	_ =	sdelay $0x4  }
0x93: {  	v61 =	vshll.u32 v3, $0x3  }
0x94: {  	v3 =	vand.u32 $0x7, v3;
	v4 =	vand.u32 $0xFFFFFFC0, v61  }
0x95: {  	v3 =	vor.u32 v3, v4  }
0x96: {  	v4 =	vperm.xlane v3, v0;
	_ =	sdelay $0x1  }
0x97: {  	v4 =	vadd.s32 v1, v4;
	_ =	sdelay $0x4  }
0x98: {  	[hbm4b:s3+s2] =	stream.indirect_vreg.scatter [tilespmem:s13], [sflag:$0x2], $0x80, v4, vm0, $0xb8;
	[tilespmem:$0x8400] =	vst v63  }
0x99: {  	v3 =	vperm.xlane v3, v2  }
0x9a: {  	[hbm4b:s5+s2] =	stream.indirect_vreg.scatter [tilespmem:s15], [sflag:$0x2], $0x80, v4, vm0, $0xb8;
	[tilespmem:$0x8400] =	vst v63  }
0x9b: {  	v3 =	vadd.s32 v1, v3  }
0x9c: {  	[hbm4b:s6+s2] =	stream.indirect_vreg.scatter [tilespmem:s16], [sflag:$0x2], $0x80, v4, vm0, $0xb8;
	[tilespmem:$0x8400] =	vst v63  }
0x9d: {  	_ = 	snop  }
0x9e: {  	[hbm4b:s7+s2] =	stream.indirect_vreg.scatter [tilespmem:s17], [sflag:$0x2], $0x80, v4, vm0, $0xb8;
	[tilespmem:$0x8400] =	vst v63  }
0x9f: {  	_ = 	snop  }
0xa0: {  	[hbm4b:s3+s2] =	stream.indirect_vreg.scatter [tilespmem:s18], [sflag:$0x2], $0x80, v3, vm0, $0xb8;
	[tilespmem:$0x8400] =	vst v63  }
0xa1: {  	_ = 	snop  }
0xa2: {  	[hbm4b:s5+s2] =	stream.indirect_vreg.scatter [tilespmem:s19], [sflag:$0x2], $0x80, v3, vm0, $0xb8;
	[tilespmem:$0x8400] =	vst v63  }
0xa3: {  	_ = 	snop  }
0xa4: {  	[hbm4b:s6+s2] =	stream.indirect_vreg.scatter [tilespmem:s20], [sflag:$0x2], $0x80, v3, vm0, $0xb8;
	[tilespmem:$0x8400] =	vst v63  }
0xa5: {  	_ = 	snop  }
0xa6: {  	[hbm4b:s7+s2] =	stream.indirect_vreg.scatter [tilespmem:s21], [sflag:$0x2], $0x80, v3, vm0, $0xb8;
	[tilespmem:$0x8400] =	vst v63  }
0xa7: {  	_ =	swait.ge [sflag:s31], $0x4000  }
0xa8: {  	[sflag:s31] =	ssyncset.done $0x0  }
0xa9: {  	[sflag:s31] =	ssyncadd.s32 $0xFFFFC000  }
0xaa: {  	_ =	swait.ge [sflag:s31], $0x4000  }
0xab: {  	[sflag:s31] =	ssyncset.done $0x0  }
0xac: {  	[sflag:s31] =	ssyncadd.s32 $0xFFFFC000  }
0xad: {  	[tilespmem:s22], [sflag:$0x1] =	stream.linear.gather [hbm4b:s10+s2], $0x4000, $0x38;
	[tilespmem:$0x8400] =	vst v63  }
0xae: {  	_ =	swait.ge [sflag:s14], $0x4000  }
0xaf: {  	[sflag:s14] =	ssyncset.done $0x0  }
0xb0: {  	[sflag:s14] =	ssyncadd.s32 $0xFFFFC000  }
0xb1: {  	v3 =	vld [tilespmem:$0x180];
	_ =	sdelay $0x4  }
0xb2: {  	v62 =	vshll.u32 v3, $0x3  }
0xb3: {  	v3 =	vand.u32 $0x7, v3;
	v4 =	vand.u32 $0xFFFFFFC0, v62  }
0xb4: {  	v3 =	vor.u32 v3, v4  }
0xb5: {  	v4 =	vperm.xlane v3, v0;
	_ =	sdelay $0x1  }
0xb6: {  	v4 =	vadd.s32 v1, v4;
	_ =	sdelay $0x4  }
0xb7: {  	[hbm4b:s3+s2] =	stream.indirect_vreg.scatter [tilespmem:s22], [sflag:$0x2], $0x80, v4, vm0, $0xb8;
	[tilespmem:$0x8400] =	vst v63  }
0xb8: {  	v3 =	vperm.xlane v3, v2  }
0xb9: {  	[hbm4b:s5+s2] =	stream.indirect_vreg.scatter [tilespmem:s23], [sflag:$0x2], $0x80, v4, vm0, $0xb8;
	[tilespmem:$0x8400] =	vst v63  }
0xba: {  	v3 =	vadd.s32 v1, v3  }
0xbb: {  	[hbm4b:s6+s2] =	stream.indirect_vreg.scatter [tilespmem:s24], [sflag:$0x2], $0x80, v4, vm0, $0xb8;
	[tilespmem:$0x8400] =	vst v63  }
0xbc: {  	_ = 	snop  }
0xbd: {  	[hbm4b:s7+s2] =	stream.indirect_vreg.scatter [tilespmem:s25], [sflag:$0x2], $0x80, v4, vm0, $0xb8;
	[tilespmem:$0x8400] =	vst v63  }
0xbe: {  	_ = 	snop  }
0xbf: {  	[hbm4b:s3+s2] =	stream.indirect_vreg.scatter [tilespmem:s26], [sflag:$0x2], $0x80, v3, vm0, $0xb8;
	[tilespmem:$0x8400] =	vst v63  }
0xc0: {  	_ = 	snop  }
0xc1: {  	[hbm4b:s5+s2] =	stream.indirect_vreg.scatter [tilespmem:s28], [sflag:$0x2], $0x80, v3, vm0, $0xb8;
	[tilespmem:$0x8400] =	vst v63  }
0xc2: {  	_ = 	snop  }
0xc3: {  	[hbm4b:s6+s2] =	stream.indirect_vreg.scatter [tilespmem:s29], [sflag:$0x2], $0x80, v3, vm0, $0xb8;
	[tilespmem:$0x8400] =	vst v63  }
0xc4: {  	_ = 	snop  }
0xc5: {  	[hbm4b:s7+s2] =	stream.indirect_vreg.scatter [tilespmem:s30], [sflag:$0x2], $0x80, v3, vm0, $0xb8;
	[tilespmem:$0x8400] =	vst v63  }
0xc6: {  	v3 =	vld [tilespmem:$0x380];
	_ =	sdelay $0x4  }
0xc7: {  	v63 =	vshll.u32 v3, $0x3  }
0xc8: {  	v3 =	vand.u32 $0x7, v3;
	v4 =	vand.u32 $0xFFFFFFC0, v63  }
0xc9: {  	v3 =	vor.u32 v3, v4  }
0xca: {  	v4 =	vperm.xlane v3, v0;
	_ =	sdelay $0x1  }
0xcb: {  	v4 =	vadd.s32 v1, v4;
	_ =	sdelay $0x4  }
0xcc: {  	[hbm4b:s3+s2] =	stream.indirect_vreg.scatter [tilespmem:s22], [sflag:$0x2], $0x80, v4, vm0, $0xb8;
	[tilespmem:$0x8400] =	vst v63  }
0xcd: {  	v3 =	vperm.xlane v3, v2  }
0xce: {  	[hbm4b:s5+s2] =	stream.indirect_vreg.scatter [tilespmem:s23], [sflag:$0x2], $0x80, v4, vm0, $0xb8;
	[tilespmem:$0x8400] =	vst v63  }
0xcf: {  	v3 =	vadd.s32 v1, v3  }
0xd0: {  	[hbm4b:s6+s2] =	stream.indirect_vreg.scatter [tilespmem:s24], [sflag:$0x2], $0x80, v4, vm0, $0xb8;
	[tilespmem:$0x8400] =	vst v63  }
0xd1: {  	_ = 	snop  }
0xd2: {  	[hbm4b:s7+s2] =	stream.indirect_vreg.scatter [tilespmem:s25], [sflag:$0x2], $0x80, v4, vm0, $0xb8;
	[tilespmem:$0x8400] =	vst v63  }
0xd3: {  	_ = 	snop  }
0xd4: {  	[hbm4b:s3+s2] =	stream.indirect_vreg.scatter [tilespmem:s26], [sflag:$0x2], $0x80, v3, vm0, $0xb8;
	[tilespmem:$0x8400] =	vst v63  }
0xd5: {  	_ = 	snop  }
0xd6: {  	[hbm4b:s5+s2] =	stream.indirect_vreg.scatter [tilespmem:s28], [sflag:$0x2], $0x80, v3, vm0, $0xb8;
	[tilespmem:$0x8400] =	vst v63  }
0xd7: {  	_ = 	snop  }
0xd8: {  	[hbm4b:s6+s2] =	stream.indirect_vreg.scatter [tilespmem:s29], [sflag:$0x2], $0x80, v3, vm0, $0xb8;
	[tilespmem:$0x8400] =	vst v63  }
0xd9: {  	_ = 	snop  }
0xda: {  	[hbm4b:s7+s2] =	stream.indirect_vreg.scatter [tilespmem:s30], [sflag:$0x2], $0x80, v3, vm0, $0xb8;
	[tilespmem:$0x8400] =	vst v63  }
0xdb: {  	_ =	swait.ge [sflag:s31], $0x4000  }
0xdc: {  	[sflag:s31] =	ssyncset.done $0x0  }
0xdd: {  	[sflag:s31] =	ssyncadd.s32 $0xFFFFC000  }
0xde: {  	_ =	swait.ge [sflag:s31], $0x4000  }
0xdf: {  	[sflag:s31] =	ssyncset.done $0x0  }
0xe0: {  	[sflag:s31] =	ssyncadd.s32 $0xFFFFC000  }
0xe1: {  	p0 =	sne.s32 s11, $0x1;
	_ =	swait.ge [sflag:s31], $0x4000  }
.Ltmp0:
0xe2: {  	[sflag:s31] =	ssyncset.done $0x0;
	(pc) =	sbr.rel @p0 .LBB2_1-.Ltmp0, $4  }
0xe3: {  	[sflag:s31] =	ssyncadd.s32 $0xFFFFC000  }
0xe4: {  	_ =	swait.ge [sflag:s31], $0x4000  }
0xe5: {  	[sflag:s31] =	ssyncset.done $0x0  }
0xe6: {  	s11 =	sadd.s32 $0xFFFFFFFF, s11;
	[sflag:s31] =	ssyncadd.s32 $0xFFFFC000  }
0xe7: {  	_ =	sfence.sel $0x180000  }
0xe8: {  	[bflag:$0x0] =	sbarrier.arrive $0xFFFF  }
0xe9: {  	_ =	strace $0x90000047  }
0xea: {  	[bflag:$0x2] =	sbarrier.arrive $0xFFFF  }
0xeb: {  	p0 =	sne.s32 s0, $0x0;
	s0 =	rddreg [dreg:$0x2]  }
0xec: {  	s0 =	sadd.s32 @!p0 $0x100000, s0  }
0xed: {  	[sflag:s0] =	ssyncadd.tile.s32 @!p0 $0x1;
	_ =	shalt  }
.Lfunc_end2:
_tile_overlayer_lowered:
.L_overlay_start_2:
0xee: {  	(tag) =	ssettag $0x2  }
0xef: {  	s0 =	rddreg [dreg:$0x0];
	s2 =	stileid.u32  }
0xf0: {  	s1 =	rddreg [dreg:$0x1];
	p0 =	sne.s32 s2, $0x0  }
0xf1: {  	s3 =	rddreg [dreg:$0x2];
	[bflag:$0x3] =	sbarrier.arrive $0xFFFF;
	s2 =	simm.s32 @!p0 $0x1C03  }
0xf2: {  	[timem:s3], [sflag:s2] =	dma.local @!p0 [hbm:s0], s1  }
0xf3: {  	s0 =	simm.s32 @!p0 $0x3  }
0xf4: {  	_ =	swait.ge @!p0 [sflag:s0], s1  }
0xf5: {  	s1 =	ssub.s32 @!p0 $0x0, s1;
	[sflag:s0] =	ssyncset.done @!p0 $0x0  }
0xf6: {  	[sflag:s0] =	ssyncadd.s32 @!p0 s1  }
0xf7: {  	[bflag:$0x3] =	sbarrier.arrive $0xFFFF  }
0xf8: {  	_ =	shalt  }

// kernel: kernel.15.cloned.1.call-start
scs
__scs_entry_jumppad:
0x0: {  	(pc) =	sbr.rel $0x88, $3  }
0x1: {  	(tag) =	ssettag $0x0;
	lr =	simm.s32 $0x1  }
0x2: {  	[smem:$0x3F94] =	sst lr;
	_ =	strace $0xD0000000  }
0x3: {  	_ = 	snop  }
0x4: {  	_ = 	snop  }
0x5: {  	_ = 	snop  }
0x6: {  	_ = 	snop  }
0x7: {  	_ = 	snop  }
__scs_overlays_trampoline_lowered:
0x8: {  	[smem:$0x3FA3] =	sst s0  }
0x9: {  	[smem:$0x3FA4] =	sst s1  }
0xa: {  	[smem:$0x3FA5] =	sst s2  }
0xb: {  	[smem:$0x3FA6] =	sst s3  }
0xc: {  	[smem:$0x3FA7] =	sst s4  }
0xd: {  	[smem:$0x3FA8] =	sst s5  }
0xe: {  	[smem:$0x3FA9] =	sst s6  }
0xf: {  	[smem:$0x3FAA] =	sst s7  }
0x10: {  	[smem:$0x3FAB] =	sst s8  }
0x11: {  	[smem:$0x3FAC] =	sst s9;
	s0 =	simm.s32 @!p0 $0x0  }
0x12: {  	s1 =	sld [smem:$0x3F92];
	s0 =	simm.s32 @p0 $0x1  }
0x13: {  	[smem:$0x3FAD] =	sst s0;
	s0 =	simm.s32 @!p1 $0x0  }
0x14: {  	s2 =	sld [smem:$0x3F91];
	s0 =	simm.s32 @p1 $0x1  }
0x15: {  	[smem:$0x3FAE] =	sst s0;
	s0 =	simm.s32 @!p2 $0x0  }
0x16: {  	s3 =	sld [smem:$0x3FDB];
	s0 =	simm.s32 @p2 $0x1  }
0x17: {  	s4 =	simm.s32 $0x1BF5;
	[smem:$0x3FB0] =	sst s0  }
0x18: {  	s0 =	sld [smem:$0x3F93];
	_ =	swait.ge [sflag:s4], $0x0  }
0x19: {  	s7 =	sld [smem:$0x3F94]  }
0x1a: {  	s8 =	sadd.s32 $0xFFFFE003, lr  }
0x1b: {  	s9 =	sadd.s32 $0xFFFFFEF7, lr;
	s5 =	simm.s32 $0xFFFFFFFF;
	p2 =	slt.u32 s8, $0xFFFFF086  }
0x1c: {  	p1 =	slt.u32 s9, $0xF7A;
	s5 =	simm.s32 @!p2 $0x0  }
0x1d: {  	s5 =	simm.s32 @p1 $0x1;
	p0 =	seq.s32 s7, s2  }
0x1e: {  	s7 =	smul.u32 @!p0 $0xF7A, s2;
	p2 =	seq.s32 @!p0 s5, $0x0  }
0x1f: {  	s9 =	smul.u32 $0xF7A, s1;
	s8 =	simm.s32 @!p0 $0x1BF5;
	p2 =	por !p2, p0  }
0x20: {  	[sflag:s8] =	ssyncset.s32 @!p0 $0xFFFFF086;
	s6 =	sadd.s32 @!p0 s3, s7;
	s7 =	simm.s32 @!p0 $0x108  }
0x21: {  	s3 =	sadd.s32 s3, s9;
	s6 =	sadd.s32 @!p0 $0x88, s6;
	s7 =	simm.s32 @p2 $0x1082  }
0x22: {  	[simem:s7], [sflag:s8] =	dma.local @!p0 [hbm:s6], $0xF7A  }
0x23: {  	s9 =	sor.u32 $0xD0000000, s2;
	s6 =	simm.s32 $0x108;
	_ =	swait.ge @!p0 [sflag:s8], $0x0  }
0x24: {  	s3 =	sadd.s32 $0x88, s3;
	s6 =	simm.s32 @!p1 $0x1082;
	[sflag:s4] =	ssyncset.s32 $0xFFFFF086  }
0x25: {  	[simem:s6], [sflag:s4] =	dma.local [hbm:s3], $0xF7A  }
0x26: {  	[smem:$0x3F94] =	sst s1;
	(tag) =	ssettag s2;
	_ =	strace s9  }
0x27: {  	s1 =	sld [smem:$0x3FA4]  }
0x28: {  	s2 =	sld [smem:$0x3FA5]  }
0x29: {  	s4 =	sld [smem:$0x3FA7]  }
0x2a: {  	p0 =	seq.s32 s5, $0x0;
	s5 =	sld [smem:$0x3FA8]  }
0x2b: {  	s6 =	sld [smem:$0x3FA9]  }
0x2c: {  	s7 =	sld [smem:$0x3FAA]  }
0x2d: {  	s3 =	simm.s32 $0x108;
	s8 =	sld [smem:$0x3FAB]  }
0x2e: {  	s3 =	simm.s32 @!p0 $0x1082;
	s9 =	sld [smem:$0x3FAC]  }
0x2f: {  	lr =	sadd.s32 s0, s3;
	s0 =	sld [smem:$0x3FA3]  }
0x30: {  	s3 =	sld [smem:$0x3FA6]  }
0x31: {  	[smem:$0x3FAF] =	sst s10  }
0x32: {  	s10 =	sld [smem:$0x3FAD];
	_ =	sdelay $0x3  }
0x33: {  	p0 =	seq.s32 s10, $0x1;
	s10 =	sld [smem:$0x3FAF];
	_ =	sdelay $0x3  }
0x34: {  	[smem:$0x3FAF] =	sst s10  }
0x35: {  	s10 =	sld [smem:$0x3FAE];
	_ =	sdelay $0x3  }
0x36: {  	p1 =	seq.s32 s10, $0x1;
	s10 =	sld [smem:$0x3FAF];
	_ =	sdelay $0x3  }
0x37: {  	[smem:$0x3FAF] =	sst s10  }
0x38: {  	s10 =	sld [smem:$0x3FB0]  }
0x39: {  	_ = 	snop;
	(pc) =	sbr.ind lr, $3  }
0x3a: {  	_ = 	snop  }
0x3b: {  	_ = 	snop  }
0x3c: {  	p2 =	seq.s32 s10, $0x1;
	s10 =	sld [smem:$0x3FAF]  }
0x3d: {  	_ =	shalt  }
0x3e: {  	_ =	shalt  }
0x3f: {  	_ =	shalt  }
0x40: {  	_ =	shalt  }
0x41: {  	_ =	shalt  }
0x42: {  	_ =	shalt  }
0x43: {  	_ =	shalt  }
0x44: {  	_ =	shalt  }
0x45: {  	_ =	shalt  }
0x46: {  	_ =	shalt  }
0x47: {  	_ =	shalt  }
0x48: {  	_ =	shalt  }
0x49: {  	_ =	shalt  }
0x4a: {  	_ =	shalt  }
0x4b: {  	_ =	shalt  }
0x4c: {  	_ =	shalt  }
0x4d: {  	_ =	shalt  }
0x4e: {  	_ =	shalt  }
0x4f: {  	_ =	shalt  }
0x50: {  	_ =	shalt  }
0x51: {  	_ =	shalt  }
0x52: {  	_ =	shalt  }
0x53: {  	_ =	shalt  }
0x54: {  	_ =	shalt  }
0x55: {  	_ =	shalt  }
0x56: {  	_ =	shalt  }
0x57: {  	_ =	shalt  }
0x58: {  	_ =	shalt  }
0x59: {  	_ =	shalt  }
0x5a: {  	_ =	shalt  }
0x5b: {  	_ =	shalt  }
0x5c: {  	_ =	shalt  }
0x5d: {  	_ =	shalt  }
0x5e: {  	_ =	shalt  }
0x5f: {  	_ =	shalt  }
0x60: {  	_ =	shalt  }
0x61: {  	_ =	shalt  }
0x62: {  	_ =	shalt  }
0x63: {  	_ =	shalt  }
0x64: {  	_ =	shalt  }
0x65: {  	_ =	shalt  }
0x66: {  	_ =	shalt  }
0x67: {  	_ =	shalt  }
0x68: {  	_ =	shalt  }
0x69: {  	_ =	shalt  }
0x6a: {  	_ =	shalt  }
0x6b: {  	_ =	shalt  }
0x6c: {  	_ =	shalt  }
0x6d: {  	_ =	shalt  }
0x6e: {  	_ =	shalt  }
0x6f: {  	_ =	shalt  }
0x70: {  	_ =	shalt  }
0x71: {  	_ =	shalt  }
0x72: {  	_ =	shalt  }
0x73: {  	_ =	shalt  }
0x74: {  	_ =	shalt  }
0x75: {  	_ =	shalt  }
0x76: {  	_ =	shalt  }
0x77: {  	_ =	shalt  }
0x78: {  	_ =	shalt  }
0x79: {  	_ =	shalt  }
0x7a: {  	_ =	shalt  }
0x7b: {  	_ =	shalt  }
0x7c: {  	_ =	shalt  }
0x7d: {  	_ =	shalt  }
0x7e: {  	_ =	shalt  }
0x7f: {  	_ =	shalt  }
0x80: {  	_ =	shalt  }
0x81: {  	_ =	shalt  }
0x82: {  	_ =	shalt  }
0x83: {  	_ =	shalt  }
0x84: {  	_ =	shalt  }
0x85: {  	_ =	shalt  }
0x86: {  	_ =	shalt  }
0x87: {  	_ =	shalt  }
.Lfunc_end0:
.L_simem_size_0:
called_computation.1_lowered:
.L_overlay_start_0:
0x88: {  	s2 =	sld [smem:$0x3FD9]  }
0x89: {  	s3 =	sld [smem:$0x3FFE];
	_ =	sdelay $0x1  }
0x8a: {  	s1 =	srdreg.scid  }
0x8b: {  	s0 =	sand.u32 $0x1, s1  }
0x8c: {  	s17 =	sshll.u32 s0, $0xA;
	s2 =	sadd.s32 s3, s2  }
0x8d: {  	s2 =	sadd.s32 s2, s17  }
0x8e: {  	[smem:$0x3FBB] =	sst s2  }
0x8f: {  	_ = 	snop  }
0x90: {  	s2 =	sld [smem:$0x3FD0];
	(tm) =	ssettm $0x1  }
0x91: {  	s18 =	sld [smem:$0x3FFB];
	_ =	sdelay $0x3  }
0x92: {  	_ =	strace s18  }
0x93: {  	s3 =	sld [smem:$0x3FFC];
	_ =	sdelay $0x3  }
0x94: {  	_ =	strace s3  }
0x95: {  	s3 =	sld [smem:$0x3FFD];
	_ =	sdelay $0x3  }
0x96: {  	_ =	strace s3  }
0x97: {  	_ =	strace $0x8FFFFFFF  }
0x98: {  	s19 =	sld [smem:$0x3FDB];
	_ =	sdelay $0x1  }
0x99: {  	s4 =	simm.s32 $_scs_section_size  }
0x9a: {  	s5 =	simm.s32 $_size__tile_overlayer_lowered;
	s6 =	simm.s32 $_tile_overlayer_lowered  }
0x9b: {  	s22 =	simm.s32 $0x1BFF;
	s21 =	sshll.u32 s6, $0x1;
	s3 =	sadd.s32 s4, s19  }
0x9c: {  	s7 =	simm.s32 $0x0;
	s20 =	sshll.u32 s5, $0x1;
	s5 =	sadd.s32 s21, s3  }
0x9d: {  	[timem:s7], [sflag:s22] =	dma.local [hbm:s5], s20  }
0x9e: {  	_ =	swait.ge [sflag:s22], s20  }
0x9f: {  	s4 =	ssub.s32 $0x0, s20;
	[sflag:s22] =	ssyncset.done $0x0  }
0xa0: {  	[sflag:s22] =	ssyncadd.s32 s4;
	_ =	sdelay $0x1  }
0xa1: {  	s23 =	simm.s32 $0x1B8B  }
0xa2: {  	_ =	swait.ge [sflag:s23], $0x1  }
0xa3: {  	[sflag:s23] =	ssyncset.done $0x0  }
0xa4: {  	s25 =	simm.s32 $0x1B8E;
	s24 =	sld [smem:$0x3FFE];
	[sflag:s23] =	ssyncadd.s32 $0xFFFFFFFF  }
0xa5: {  	s26 =	simm.s32 $execute0_lowered;
	[smem:$0x3FD2] =	sst s25  }
0xa6: {  	s5 =	sshll.u32 s26, $0x1;
	_ =	strace $0x80000049;
	[dreg:$0x1] =	wrdreg $0xFFFFFFFF  }
0xa7: {  	s28 =	simm.s32 $_size_execute0_lowered;
	s3 =	sadd.s32 s3, s5;
	[dreg:$0x0] =	wrdreg $0x0  }
0xa8: {  	s5 =	sshll.u32 s28, $0x1;
	[dreg:$0x2] =	wrdreg s3  }
0xa9: {  	[dreg:$0x3] =	wrdreg s5  }
0xaa: {  	[dreg:$0x4] =	wrdreg $0xC0  }
0xab: {  	_ =	task [dreg:s7], $0x5FFFF  }
0xac: {  	[dreg:$0x1] =	wrdreg $0xFFFFFFFF  }
0xad: {  	[dreg:$0x0] =	wrdreg $0x60  }
0xae: {  	[dreg:$0x2] =	wrdreg s24  }
0xaf: {  	[dreg:$0x3] =	wrdreg s2  }
0xb0: {  	[dreg:$0x4] =	wrdreg $0x9  }
0xb1: {  	_ =	task.clear_ibuf [dreg:s7], $0x5FFFF;
	_ =	strace $0x90000049  }
0xb2: {  	s29 =	simm.s32 $0x9;
	_ =	strace $0x8000004B  }
0xb3: {  	_ =	swait.ge [sflag:s29], $0x1  }
0xb4: {  	[sflag:s29] =	ssyncadd.s32 $0xFFFFFFFF  }
0xb5: {  	_ =	strace $0x9000004B  }
0xb6: {  	_ =	sfence  }
0xb7: {  	s30 =	sld [smem:$0x0];
	_ =	sdelay $0x2  }
0xb8: {  	s31 =	sshll.u32 s1, $0xD;
	s1 =	sshrl.u32 s1, $0x2  }
0xb9: {  	s3 =	sand.u32 $0x4000, s31;
	s1 =	sadd.s32 s1, s30  }
0xba: {  	s0 =	sor.u32 s3, s0;
	s1 =	sshll.u32 s1, $0x11  }
0xbb: {  	s0 =	sor.u32 s1, s0  }
0xbc: {  	s0 =	sadd.s32 $0x8F2B, s0  }
0xbd: {  	[sflag:s0] =	ssyncadd.remote.s32 $0x1  }
0xbe: {  	_ =	sfence.sel $0xFFFF  }
0xbf: {  	[dreg:$0x0] =	wrdreg $0xFFFFFFFF;
	(pc) =	sbr.abs _section_cstart, $3  }
0xc0: {  	[dreg:$0x1] =	wrdreg $0xFFFFFFFF  }
0xc1: {  	_ =	task.clear_ibuf [dreg:s7], $0x2FFFF;
	_ =	strace $0x9FFFFFFF  }
0xc2: {  	(tm) =	ssettm $0x7FFFFFFF  }
0xc3: {  	_ =	shalt  }
tec
execute0_lowered:
.L_overlay_start_1:
0x0: {  	(tag) =	ssettag $0x1  }
0x1: {  	s0 =	rddreg [dreg:$0x0]  }
0x2: {  	s4 =	rddreg [dreg:$0x1]  }
0x3: {  	s3 =	srdreg.scid;
	s1 =	stileid.u32;
	s2 =	simm.s32 $0x0  }
0x4: {  	s13 =	simm.s32 $0x3;
	s14 =	simm.s32 $0x400;
	s15 =	simm.s32 $0xC00  }
0x5: {  	s16 =	simm.s32 $0x1400;
	s17 =	simm.s32 $0x1C00;
	s18 =	simm.s32 $0x2400  }
0x6: {  	s19 =	simm.s32 $0x2C00;
	s20 =	simm.s32 $0x3400;
	s21 =	simm.s32 $0x3C00  }
0x7: {  	s22 =	simm.s32 $0x1;
	s28 =	simm.s32 $0x6400;
	s29 =	simm.s32 $0x6C00  }
0x8: {  	s30 =	simm.s32 $0x7400;
	s31 =	simm.s32 $0x7C00;
	s5 =	sand.u32 $0x1, s3  }
0x9: {  	s23 =	sshll.u32 s1, $0x1;
	[smem:$0x7FF] =	sst s2;
	s3 =	sadd.s32 $0x3CDC00, s0  }
0xa: {  	s6 =	sor.u32 s5, s23;
	_ =	strace $0x8000004A;
	s5 =	ssub.s32 $0x2, s5  }
0xb: {  	s23 =	simm.s32 $0x4400;
	s7 =	sshll.u32 s6, $0x7;
	s6 =	sshll.u32 s6, $0xE  }
0xc: {  	s24 =	sshrl.u32 s5, $0x1;
	s7 =	sadd.s32 s7, s0;
	s4 =	sadd.s32 s4, s6  }
0xd: {  	s12 =	ssub.s32 s5, s24;
	s5 =	sadd.s32 $0x3CDD00, s0;
	s6 =	sadd.s32 $0x3CDE00, s0  }
0xe: {  	s24 =	simm.s32 $0x4C00;
	s7 =	sadd.s32 $0x18CC00, s7;
	s25 =	sadd.s32 $0x800, s4  }
0xf: {  	s26 =	sadd.s32 $0x1000, s4;
	s8 =	sadd.s32 $0x1800, s4;
	[dreg:$0x3] =	wrdreg s7  }
0x10: {  	s9 =	sadd.s32 $0x2800, s4;
	s10 =	sadd.s32 $0x3000, s4;
	[dreg:$0x4] =	wrdreg s25  }
0x11: {  	v2 =	vlaneseq.u32;
	s11 =	sadd.s32 $0x3800, s4;
	s12 =	smax.u32 s12, $0x1;
	[dreg:$0x5] =	wrdreg s26  }
0x12: {  	vm0 =	vmmov $0xffff;
	v1 =	vshrl.u32 v2, $0x3;
	s7 =	sadd.s32 $0x3CDF00, s0;
	[dreg:$0x6] =	wrdreg s8;
	s8 =	sadd.s32 $0x2000, s4  }
0x13: {  	v0 =	vand.u32 $0x7, v2;
	v2 =	vor.u32 $0x8, v2;
	v1 =	vmul.u32 $0x8, v1;
	s25 =	simm.s32 $0x5400;
	s26 =	simm.s32 $0x5C00;
	s0 =	simm.s32 $0x2  }
.LBB2_1:
0x14: {  	s1 =	rddreg [dreg:$0x3]  }
0x15: {  	[tilespmem:s2], [sflag:$0x3] =	stream.linear.gather [hbm4b:s1+s2], $0x400, $0x38;
	[tilespmem:$0x8400] =	vst v63  }
0x16: {  	_ =	swait.ge [sflag:s13], $0x400  }
0x17: {  	[sflag:s13] =	ssyncset.done $0x0  }
0x18: {  	[sflag:s13] =	ssyncadd.s32 $0xFFFFFC00  }
0x19: {  	v3 =	vld [tilespmem:$0x0];
	_ =	sdelay $0x4  }
0x1a: {  	v4 =	vshll.u32 v3, $0x3  }
0x1b: {  	v3 =	vand.u32 $0x7, v3;
	v4 =	vand.u32 $0xFFFFFFC0, v4  }
0x1c: {  	v3 =	vor.u32 v3, v4  }
0x1d: {  	v4 =	vperm.xlane v3, v0;
	_ =	sdelay $0x1  }
0x1e: {  	v4 =	vadd.s32 v1, v4;
	_ =	sdelay $0x4  }
0x1f: {  	[tilespmem:s14], [sflag:$0x1] =	stream.indirect_vreg.gather [hbm4b:s3+s2], $0x80, v4, vm0, $0xb8;
	[tilespmem:$0x8400] =	vst v63  }
0x20: {  	v3 =	vperm.xlane v3, v2  }
0x21: {  	[tilespmem:s15], [sflag:$0x1] =	stream.indirect_vreg.gather [hbm4b:s5+s2], $0x80, v4, vm0, $0xb8;
	[tilespmem:$0x8400] =	vst v63  }
0x22: {  	v3 =	vadd.s32 v1, v3  }
0x23: {  	[tilespmem:s16], [sflag:$0x1] =	stream.indirect_vreg.gather [hbm4b:s6+s2], $0x80, v4, vm0, $0xb8;
	[tilespmem:$0x8400] =	vst v63  }
0x24: {  	_ = 	snop  }
0x25: {  	[tilespmem:s17], [sflag:$0x1] =	stream.indirect_vreg.gather [hbm4b:s7+s2], $0x80, v4, vm0, $0xb8;
	[tilespmem:$0x8400] =	vst v63  }
0x26: {  	_ = 	snop  }
0x27: {  	[tilespmem:s18], [sflag:$0x1] =	stream.indirect_vreg.gather [hbm4b:s3+s2], $0x80, v3, vm0, $0xb8;
	[tilespmem:$0x8400] =	vst v63  }
0x28: {  	_ = 	snop  }
0x29: {  	[tilespmem:s19], [sflag:$0x1] =	stream.indirect_vreg.gather [hbm4b:s5+s2], $0x80, v3, vm0, $0xb8;
	[tilespmem:$0x8400] =	vst v63  }
0x2a: {  	_ = 	snop  }
0x2b: {  	[tilespmem:s20], [sflag:$0x1] =	stream.indirect_vreg.gather [hbm4b:s6+s2], $0x80, v3, vm0, $0xb8;
	[tilespmem:$0x8400] =	vst v63  }
0x2c: {  	_ = 	snop  }
0x2d: {  	[tilespmem:s21], [sflag:$0x1] =	stream.indirect_vreg.gather [hbm4b:s7+s2], $0x80, v3, vm0, $0xb8;
	[tilespmem:$0x8400] =	vst v63  }
0x2e: {  	_ =	swait.ge [sflag:s22], $0x4000  }
0x2f: {  	[sflag:s22] =	ssyncset.done $0x0  }
0x30: {  	[sflag:s22] =	ssyncadd.s32 $0xFFFFC000  }
0x31: {  	[hbm4b:s4+s2] =	stream.linear.scatter [tilespmem:s14], [sflag:$0x2], $0x4000, $0x38;
	[tilespmem:$0x8400] =	vst v63  }
0x32: {  	v3 =	vld [tilespmem:$0x80];
	_ =	sdelay $0x4  }
0x33: {  	v57 =	vshll.u32 v3, $0x3  }
0x34: {  	v3 =	vand.u32 $0x7, v3;
	v4 =	vand.u32 $0xFFFFFFC0, v57  }
0x35: {  	v3 =	vor.u32 v3, v4  }
0x36: {  	v4 =	vperm.xlane v3, v0;
	_ =	sdelay $0x1  }
0x37: {  	v4 =	vadd.s32 v1, v4;
	_ =	sdelay $0x4  }
0x38: {  	[tilespmem:s23], [sflag:$0x1] =	stream.indirect_vreg.gather [hbm4b:s3+s2], $0x80, v4, vm0, $0xb8;
	[tilespmem:$0x8400] =	vst v63  }
0x39: {  	v3 =	vperm.xlane v3, v2  }
0x3a: {  	[tilespmem:s24], [sflag:$0x1] =	stream.indirect_vreg.gather [hbm4b:s5+s2], $0x80, v4, vm0, $0xb8;
	[tilespmem:$0x8400] =	vst v63  }
0x3b: {  	v3 =	vadd.s32 v1, v3  }
0x3c: {  	[tilespmem:s25], [sflag:$0x1] =	stream.indirect_vreg.gather [hbm4b:s6+s2], $0x80, v4, vm0, $0xb8;
	[tilespmem:$0x8400] =	vst v63  }
0x3d: {  	_ = 	snop  }
0x3e: {  	[tilespmem:s26], [sflag:$0x1] =	stream.indirect_vreg.gather [hbm4b:s7+s2], $0x80, v4, vm0, $0xb8;
	[tilespmem:$0x8400] =	vst v63  }
0x3f: {  	_ = 	snop  }
0x40: {  	[tilespmem:s28], [sflag:$0x1] =	stream.indirect_vreg.gather [hbm4b:s3+s2], $0x80, v3, vm0, $0xb8;
	[tilespmem:$0x8400] =	vst v63  }
0x41: {  	_ = 	snop  }
0x42: {  	[tilespmem:s29], [sflag:$0x1] =	stream.indirect_vreg.gather [hbm4b:s5+s2], $0x80, v3, vm0, $0xb8;
	[tilespmem:$0x8400] =	vst v63  }
0x43: {  	_ = 	snop  }
0x44: {  	[tilespmem:s30], [sflag:$0x1] =	stream.indirect_vreg.gather [hbm4b:s6+s2], $0x80, v3, vm0, $0xb8;
	[tilespmem:$0x8400] =	vst v63  }
0x45: {  	_ = 	snop  }
0x46: {  	[tilespmem:s31], [sflag:$0x1] =	stream.indirect_vreg.gather [hbm4b:s7+s2], $0x80, v3, vm0, $0xb8;
	[tilespmem:$0x8400] =	vst v63  }
0x47: {  	_ =	swait.ge [sflag:s22], $0x4000  }
0x48: {  	[sflag:s22] =	ssyncset.done $0x0  }
0x49: {  	s1 =	rddreg [dreg:$0x4];
	[sflag:s22] =	ssyncadd.s32 $0xFFFFC000  }
0x4a: {  	[hbm4b:s1+s2] =	stream.linear.scatter [tilespmem:s23], [sflag:$0x2], $0x4000, $0x38;
	[tilespmem:$0x8400] =	vst v63  }
0x4b: {  	_ =	swait.ge [sflag:s0], $0x4000  }
0x4c: {  	[sflag:s0] =	ssyncset.done $0x0  }
0x4d: {  	[sflag:s0] =	ssyncadd.s32 $0xFFFFC000  }
0x4e: {  	v3 =	vld [tilespmem:$0x100];
	_ =	sdelay $0x4  }
0x4f: {  	v58 =	vshll.u32 v3, $0x3  }
0x50: {  	v3 =	vand.u32 $0x7, v3;
	v4 =	vand.u32 $0xFFFFFFC0, v58  }
0x51: {  	v3 =	vor.u32 v3, v4  }
0x52: {  	v4 =	vperm.xlane v3, v0;
	_ =	sdelay $0x1  }
0x53: {  	v4 =	vadd.s32 v1, v4;
	_ =	sdelay $0x4  }
0x54: {  	[tilespmem:s14], [sflag:$0x1] =	stream.indirect_vreg.gather [hbm4b:s3+s2], $0x80, v4, vm0, $0xb8;
	[tilespmem:$0x8400] =	vst v63  }
0x55: {  	v3 =	vperm.xlane v3, v2  }
0x56: {  	[tilespmem:s15], [sflag:$0x1] =	stream.indirect_vreg.gather [hbm4b:s5+s2], $0x80, v4, vm0, $0xb8;
	[tilespmem:$0x8400] =	vst v63  }
0x57: {  	v3 =	vadd.s32 v1, v3  }
0x58: {  	[tilespmem:s16], [sflag:$0x1] =	stream.indirect_vreg.gather [hbm4b:s6+s2], $0x80, v4, vm0, $0xb8;
	[tilespmem:$0x8400] =	vst v63  }
0x59: {  	_ = 	snop  }
0x5a: {  	[tilespmem:s17], [sflag:$0x1] =	stream.indirect_vreg.gather [hbm4b:s7+s2], $0x80, v4, vm0, $0xb8;
	[tilespmem:$0x8400] =	vst v63  }
0x5b: {  	_ = 	snop  }
0x5c: {  	[tilespmem:s18], [sflag:$0x1] =	stream.indirect_vreg.gather [hbm4b:s3+s2], $0x80, v3, vm0, $0xb8;
	[tilespmem:$0x8400] =	vst v63  }
0x5d: {  	_ = 	snop  }
0x5e: {  	[tilespmem:s19], [sflag:$0x1] =	stream.indirect_vreg.gather [hbm4b:s5+s2], $0x80, v3, vm0, $0xb8;
	[tilespmem:$0x8400] =	vst v63  }
0x5f: {  	_ = 	snop  }
0x60: {  	[tilespmem:s20], [sflag:$0x1] =	stream.indirect_vreg.gather [hbm4b:s6+s2], $0x80, v3, vm0, $0xb8;
	[tilespmem:$0x8400] =	vst v63  }
0x61: {  	_ = 	snop  }
0x62: {  	[tilespmem:s21], [sflag:$0x1] =	stream.indirect_vreg.gather [hbm4b:s7+s2], $0x80, v3, vm0, $0xb8;
	[tilespmem:$0x8400] =	vst v63  }
0x63: {  	_ =	swait.ge [sflag:s22], $0x4000  }
0x64: {  	[sflag:s22] =	ssyncset.done $0x0  }
0x65: {  	s1 =	rddreg [dreg:$0x5];
	[sflag:s22] =	ssyncadd.s32 $0xFFFFC000  }
0x66: {  	[hbm4b:s1+s2] =	stream.linear.scatter [tilespmem:s14], [sflag:$0x2], $0x4000, $0x38;
	[tilespmem:$0x8400] =	vst v63  }
0x67: {  	_ =	swait.ge [sflag:s0], $0x4000  }
0x68: {  	[sflag:s0] =	ssyncset.done $0x0  }
0x69: {  	[sflag:s0] =	ssyncadd.s32 $0xFFFFC000  }
0x6a: {  	v3 =	vld [tilespmem:$0x180];
	_ =	sdelay $0x4  }
0x6b: {  	v59 =	vshll.u32 v3, $0x3  }
0x6c: {  	v3 =	vand.u32 $0x7, v3;
	v4 =	vand.u32 $0xFFFFFFC0, v59  }
0x6d: {  	v3 =	vor.u32 v3, v4  }
0x6e: {  	v4 =	vperm.xlane v3, v0;
	_ =	sdelay $0x1  }
0x6f: {  	v4 =	vadd.s32 v1, v4;
	_ =	sdelay $0x4  }
0x70: {  	[tilespmem:s23], [sflag:$0x1] =	stream.indirect_vreg.gather [hbm4b:s3+s2], $0x80, v4, vm0, $0xb8;
	[tilespmem:$0x8400] =	vst v63  }
0x71: {  	v3 =	vperm.xlane v3, v2  }
0x72: {  	[tilespmem:s24], [sflag:$0x1] =	stream.indirect_vreg.gather [hbm4b:s5+s2], $0x80, v4, vm0, $0xb8;
	[tilespmem:$0x8400] =	vst v63  }
0x73: {  	v3 =	vadd.s32 v1, v3  }
0x74: {  	[tilespmem:s25], [sflag:$0x1] =	stream.indirect_vreg.gather [hbm4b:s6+s2], $0x80, v4, vm0, $0xb8;
	[tilespmem:$0x8400] =	vst v63  }
0x75: {  	_ = 	snop  }
0x76: {  	[tilespmem:s26], [sflag:$0x1] =	stream.indirect_vreg.gather [hbm4b:s7+s2], $0x80, v4, vm0, $0xb8;
	[tilespmem:$0x8400] =	vst v63  }
0x77: {  	_ = 	snop  }
0x78: {  	[tilespmem:s28], [sflag:$0x1] =	stream.indirect_vreg.gather [hbm4b:s3+s2], $0x80, v3, vm0, $0xb8;
	[tilespmem:$0x8400] =	vst v63  }
0x79: {  	_ = 	snop  }
0x7a: {  	[tilespmem:s29], [sflag:$0x1] =	stream.indirect_vreg.gather [hbm4b:s5+s2], $0x80, v3, vm0, $0xb8;
	[tilespmem:$0x8400] =	vst v63  }
0x7b: {  	_ = 	snop  }
0x7c: {  	[tilespmem:s30], [sflag:$0x1] =	stream.indirect_vreg.gather [hbm4b:s6+s2], $0x80, v3, vm0, $0xb8;
	[tilespmem:$0x8400] =	vst v63  }
0x7d: {  	_ = 	snop  }
0x7e: {  	[tilespmem:s31], [sflag:$0x1] =	stream.indirect_vreg.gather [hbm4b:s7+s2], $0x80, v3, vm0, $0xb8;
	[tilespmem:$0x8400] =	vst v63  }
0x7f: {  	_ =	swait.ge [sflag:s22], $0x4000  }
0x80: {  	[sflag:s22] =	ssyncset.done $0x0  }
0x81: {  	s1 =	rddreg [dreg:$0x6];
	[sflag:s22] =	ssyncadd.s32 $0xFFFFC000  }
0x82: {  	[hbm4b:s1+s2] =	stream.linear.scatter [tilespmem:s23], [sflag:$0x2], $0x4000, $0x38;
	[tilespmem:$0x8400] =	vst v63  }
0x83: {  	_ =	swait.ge [sflag:s0], $0x4000  }
0x84: {  	[sflag:s0] =	ssyncset.done $0x0  }
0x85: {  	[sflag:s0] =	ssyncadd.s32 $0xFFFFC000  }
0x86: {  	v3 =	vld [tilespmem:$0x200];
	_ =	sdelay $0x4  }
0x87: {  	v60 =	vshll.u32 v3, $0x3  }
0x88: {  	v3 =	vand.u32 $0x7, v3;
	v4 =	vand.u32 $0xFFFFFFC0, v60  }
0x89: {  	v3 =	vor.u32 v3, v4  }
0x8a: {  	v4 =	vperm.xlane v3, v0;
	_ =	sdelay $0x1  }
0x8b: {  	v4 =	vadd.s32 v1, v4;
	_ =	sdelay $0x4  }
0x8c: {  	[tilespmem:s14], [sflag:$0x1] =	stream.indirect_vreg.gather [hbm4b:s3+s2], $0x80, v4, vm0, $0xb8;
	[tilespmem:$0x8400] =	vst v63  }
0x8d: {  	v3 =	vperm.xlane v3, v2  }
0x8e: {  	[tilespmem:s15], [sflag:$0x1] =	stream.indirect_vreg.gather [hbm4b:s5+s2], $0x80, v4, vm0, $0xb8;
	[tilespmem:$0x8400] =	vst v63  }
0x8f: {  	v3 =	vadd.s32 v1, v3  }
0x90: {  	[tilespmem:s16], [sflag:$0x1] =	stream.indirect_vreg.gather [hbm4b:s6+s2], $0x80, v4, vm0, $0xb8;
	[tilespmem:$0x8400] =	vst v63  }
0x91: {  	_ = 	snop  }
0x92: {  	[tilespmem:s17], [sflag:$0x1] =	stream.indirect_vreg.gather [hbm4b:s7+s2], $0x80, v4, vm0, $0xb8;
	[tilespmem:$0x8400] =	vst v63  }
0x93: {  	_ = 	snop  }
0x94: {  	[tilespmem:s18], [sflag:$0x1] =	stream.indirect_vreg.gather [hbm4b:s3+s2], $0x80, v3, vm0, $0xb8;
	[tilespmem:$0x8400] =	vst v63  }
0x95: {  	_ = 	snop  }
0x96: {  	[tilespmem:s19], [sflag:$0x1] =	stream.indirect_vreg.gather [hbm4b:s5+s2], $0x80, v3, vm0, $0xb8;
	[tilespmem:$0x8400] =	vst v63  }
0x97: {  	_ = 	snop  }
0x98: {  	[tilespmem:s20], [sflag:$0x1] =	stream.indirect_vreg.gather [hbm4b:s6+s2], $0x80, v3, vm0, $0xb8;
	[tilespmem:$0x8400] =	vst v63  }
0x99: {  	_ = 	snop  }
0x9a: {  	[tilespmem:s21], [sflag:$0x1] =	stream.indirect_vreg.gather [hbm4b:s7+s2], $0x80, v3, vm0, $0xb8;
	[tilespmem:$0x8400] =	vst v63  }
0x9b: {  	_ =	swait.ge [sflag:s22], $0x4000  }
0x9c: {  	[sflag:s22] =	ssyncset.done $0x0  }
0x9d: {  	[sflag:s22] =	ssyncadd.s32 $0xFFFFC000  }
0x9e: {  	[hbm4b:s8+s2] =	stream.linear.scatter [tilespmem:s14], [sflag:$0x2], $0x4000, $0x38;
	[tilespmem:$0x8400] =	vst v63  }
0x9f: {  	_ =	swait.ge [sflag:s0], $0x4000  }
0xa0: {  	[sflag:s0] =	ssyncset.done $0x0  }
0xa1: {  	[sflag:s0] =	ssyncadd.s32 $0xFFFFC000  }
0xa2: {  	v3 =	vld [tilespmem:$0x280];
	_ =	sdelay $0x4  }
0xa3: {  	v61 =	vshll.u32 v3, $0x3  }
0xa4: {  	v3 =	vand.u32 $0x7, v3;
	v4 =	vand.u32 $0xFFFFFFC0, v61  }
0xa5: {  	v3 =	vor.u32 v3, v4  }
0xa6: {  	v4 =	vperm.xlane v3, v0;
	_ =	sdelay $0x1  }
0xa7: {  	v4 =	vadd.s32 v1, v4;
	_ =	sdelay $0x4  }
0xa8: {  	[tilespmem:s23], [sflag:$0x1] =	stream.indirect_vreg.gather [hbm4b:s3+s2], $0x80, v4, vm0, $0xb8;
	[tilespmem:$0x8400] =	vst v63  }
0xa9: {  	v3 =	vperm.xlane v3, v2  }
0xaa: {  	[tilespmem:s24], [sflag:$0x1] =	stream.indirect_vreg.gather [hbm4b:s5+s2], $0x80, v4, vm0, $0xb8;
	[tilespmem:$0x8400] =	vst v63  }
0xab: {  	v3 =	vadd.s32 v1, v3  }
0xac: {  	[tilespmem:s25], [sflag:$0x1] =	stream.indirect_vreg.gather [hbm4b:s6+s2], $0x80, v4, vm0, $0xb8;
	[tilespmem:$0x8400] =	vst v63  }
0xad: {  	_ = 	snop  }
0xae: {  	[tilespmem:s26], [sflag:$0x1] =	stream.indirect_vreg.gather [hbm4b:s7+s2], $0x80, v4, vm0, $0xb8;
	[tilespmem:$0x8400] =	vst v63  }
0xaf: {  	_ = 	snop  }
0xb0: {  	[tilespmem:s28], [sflag:$0x1] =	stream.indirect_vreg.gather [hbm4b:s3+s2], $0x80, v3, vm0, $0xb8;
	[tilespmem:$0x8400] =	vst v63  }
0xb1: {  	_ = 	snop  }
0xb2: {  	[tilespmem:s29], [sflag:$0x1] =	stream.indirect_vreg.gather [hbm4b:s5+s2], $0x80, v3, vm0, $0xb8;
	[tilespmem:$0x8400] =	vst v63  }
0xb3: {  	_ = 	snop  }
0xb4: {  	[tilespmem:s30], [sflag:$0x1] =	stream.indirect_vreg.gather [hbm4b:s6+s2], $0x80, v3, vm0, $0xb8;
	[tilespmem:$0x8400] =	vst v63  }
0xb5: {  	_ = 	snop  }
0xb6: {  	[tilespmem:s31], [sflag:$0x1] =	stream.indirect_vreg.gather [hbm4b:s7+s2], $0x80, v3, vm0, $0xb8;
	[tilespmem:$0x8400] =	vst v63  }
0xb7: {  	_ =	swait.ge [sflag:s22], $0x4000  }
0xb8: {  	[sflag:s22] =	ssyncset.done $0x0  }
0xb9: {  	[sflag:s22] =	ssyncadd.s32 $0xFFFFC000  }
0xba: {  	[hbm4b:s9+s2] =	stream.linear.scatter [tilespmem:s23], [sflag:$0x2], $0x4000, $0x38;
	[tilespmem:$0x8400] =	vst v63  }
0xbb: {  	_ =	swait.ge [sflag:s0], $0x4000  }
0xbc: {  	[sflag:s0] =	ssyncset.done $0x0  }
0xbd: {  	[sflag:s0] =	ssyncadd.s32 $0xFFFFC000  }
0xbe: {  	v3 =	vld [tilespmem:$0x300];
	_ =	sdelay $0x4  }
0xbf: {  	v62 =	vshll.u32 v3, $0x3  }
0xc0: {  	v3 =	vand.u32 $0x7, v3;
	v4 =	vand.u32 $0xFFFFFFC0, v62  }
0xc1: {  	v3 =	vor.u32 v3, v4  }
0xc2: {  	v4 =	vperm.xlane v3, v0;
	_ =	sdelay $0x1  }
0xc3: {  	v4 =	vadd.s32 v1, v4;
	_ =	sdelay $0x4  }
0xc4: {  	[tilespmem:s14], [sflag:$0x1] =	stream.indirect_vreg.gather [hbm4b:s3+s2], $0x80, v4, vm0, $0xb8;
	[tilespmem:$0x8400] =	vst v63  }
0xc5: {  	v3 =	vperm.xlane v3, v2  }
0xc6: {  	[tilespmem:s15], [sflag:$0x1] =	stream.indirect_vreg.gather [hbm4b:s5+s2], $0x80, v4, vm0, $0xb8;
	[tilespmem:$0x8400] =	vst v63  }
0xc7: {  	v3 =	vadd.s32 v1, v3  }
0xc8: {  	[tilespmem:s16], [sflag:$0x1] =	stream.indirect_vreg.gather [hbm4b:s6+s2], $0x80, v4, vm0, $0xb8;
	[tilespmem:$0x8400] =	vst v63  }
0xc9: {  	_ = 	snop  }
0xca: {  	[tilespmem:s17], [sflag:$0x1] =	stream.indirect_vreg.gather [hbm4b:s7+s2], $0x80, v4, vm0, $0xb8;
	[tilespmem:$0x8400] =	vst v63  }
0xcb: {  	_ = 	snop  }
0xcc: {  	[tilespmem:s18], [sflag:$0x1] =	stream.indirect_vreg.gather [hbm4b:s3+s2], $0x80, v3, vm0, $0xb8;
	[tilespmem:$0x8400] =	vst v63  }
0xcd: {  	_ = 	snop  }
0xce: {  	[tilespmem:s19], [sflag:$0x1] =	stream.indirect_vreg.gather [hbm4b:s5+s2], $0x80, v3, vm0, $0xb8;
	[tilespmem:$0x8400] =	vst v63  }
0xcf: {  	_ = 	snop  }
0xd0: {  	[tilespmem:s20], [sflag:$0x1] =	stream.indirect_vreg.gather [hbm4b:s6+s2], $0x80, v3, vm0, $0xb8;
	[tilespmem:$0x8400] =	vst v63  }
0xd1: {  	_ = 	snop  }
0xd2: {  	[tilespmem:s21], [sflag:$0x1] =	stream.indirect_vreg.gather [hbm4b:s7+s2], $0x80, v3, vm0, $0xb8;
	[tilespmem:$0x8400] =	vst v63  }
0xd3: {  	_ =	swait.ge [sflag:s22], $0x4000  }
0xd4: {  	[sflag:s22] =	ssyncset.done $0x0  }
0xd5: {  	[sflag:s22] =	ssyncadd.s32 $0xFFFFC000  }
0xd6: {  	[hbm4b:s10+s2] =	stream.linear.scatter [tilespmem:s14], [sflag:$0x2], $0x4000, $0x38;
	[tilespmem:$0x8400] =	vst v63  }
0xd7: {  	_ =	swait.ge [sflag:s0], $0x4000  }
0xd8: {  	[sflag:s0] =	ssyncset.done $0x0  }
0xd9: {  	[sflag:s0] =	ssyncadd.s32 $0xFFFFC000  }
0xda: {  	v3 =	vld [tilespmem:$0x380];
	_ =	sdelay $0x4  }
0xdb: {  	v63 =	vshll.u32 v3, $0x3  }
0xdc: {  	v3 =	vand.u32 $0x7, v3;
	v4 =	vand.u32 $0xFFFFFFC0, v63  }
0xdd: {  	v3 =	vor.u32 v3, v4  }
0xde: {  	v4 =	vperm.xlane v3, v0;
	_ =	sdelay $0x1  }
0xdf: {  	v4 =	vadd.s32 v1, v4;
	_ =	sdelay $0x4  }
0xe0: {  	[tilespmem:s23], [sflag:$0x1] =	stream.indirect_vreg.gather [hbm4b:s3+s2], $0x80, v4, vm0, $0xb8;
	[tilespmem:$0x8400] =	vst v63  }
0xe1: {  	v3 =	vperm.xlane v3, v2  }
0xe2: {  	[tilespmem:s24], [sflag:$0x1] =	stream.indirect_vreg.gather [hbm4b:s5+s2], $0x80, v4, vm0, $0xb8;
	[tilespmem:$0x8400] =	vst v63  }
0xe3: {  	v3 =	vadd.s32 v1, v3  }
0xe4: {  	[tilespmem:s25], [sflag:$0x1] =	stream.indirect_vreg.gather [hbm4b:s6+s2], $0x80, v4, vm0, $0xb8;
	[tilespmem:$0x8400] =	vst v63  }
0xe5: {  	_ = 	snop  }
0xe6: {  	[tilespmem:s26], [sflag:$0x1] =	stream.indirect_vreg.gather [hbm4b:s7+s2], $0x80, v4, vm0, $0xb8;
	[tilespmem:$0x8400] =	vst v63  }
0xe7: {  	_ = 	snop  }
0xe8: {  	[tilespmem:s28], [sflag:$0x1] =	stream.indirect_vreg.gather [hbm4b:s3+s2], $0x80, v3, vm0, $0xb8;
	[tilespmem:$0x8400] =	vst v63  }
0xe9: {  	_ = 	snop  }
0xea: {  	[tilespmem:s29], [sflag:$0x1] =	stream.indirect_vreg.gather [hbm4b:s5+s2], $0x80, v3, vm0, $0xb8;
	[tilespmem:$0x8400] =	vst v63  }
0xeb: {  	_ = 	snop  }
0xec: {  	[tilespmem:s30], [sflag:$0x1] =	stream.indirect_vreg.gather [hbm4b:s6+s2], $0x80, v3, vm0, $0xb8;
	[tilespmem:$0x8400] =	vst v63  }
0xed: {  	_ = 	snop  }
0xee: {  	[tilespmem:s31], [sflag:$0x1] =	stream.indirect_vreg.gather [hbm4b:s7+s2], $0x80, v3, vm0, $0xb8;
	[tilespmem:$0x8400] =	vst v63  }
0xef: {  	_ =	swait.ge [sflag:s22], $0x4000  }
0xf0: {  	[sflag:s22] =	ssyncset.done $0x0  }
0xf1: {  	[sflag:s22] =	ssyncadd.s32 $0xFFFFC000  }
0xf2: {  	[hbm4b:s11+s2] =	stream.linear.scatter [tilespmem:s23], [sflag:$0x2], $0x4000, $0x38;
	[tilespmem:$0x8400] =	vst v63  }
0xf3: {  	p0 =	sne.s32 s12, $0x1;
	_ =	swait.ge [sflag:s0], $0x4000  }
.Ltmp0:
0xf4: {  	[sflag:s0] =	ssyncset.done $0x0;
	(pc) =	sbr.rel @p0 .LBB2_1-.Ltmp0, $4  }
0xf5: {  	[sflag:s0] =	ssyncadd.s32 $0xFFFFC000  }
0xf6: {  	_ =	swait.ge [sflag:s0], $0x4000  }
0xf7: {  	[sflag:s0] =	ssyncset.done $0x0  }
0xf8: {  	s12 =	sadd.s32 $0xFFFFFFFF, s12;
	[sflag:s0] =	ssyncadd.s32 $0xFFFFC000  }
0xf9: {  	_ =	sfence.sel $0x180000  }
0xfa: {  	[bflag:$0x0] =	sbarrier.arrive $0xFFFF  }
0xfb: {  	_ =	strace $0x9000004A  }
0xfc: {  	s0 =	stileid.u32;
	[bflag:$0x2] =	sbarrier.arrive $0xFFFF  }
0xfd: {  	p0 =	sne.s32 s0, $0x0;
	s0 =	rddreg [dreg:$0x2]  }
0xfe: {  	s0 =	sadd.s32 @!p0 $0x100000, s0  }
0xff: {  	[sflag:s0] =	ssyncadd.tile.s32 @!p0 $0x1;
	_ =	shalt  }
.Lfunc_end2:
_tile_overlayer_lowered:
.L_overlay_start_2:
0x100: {  	(tag) =	ssettag $0x2  }
0x101: {  	s0 =	rddreg [dreg:$0x0];
	s2 =	stileid.u32  }
0x102: {  	s1 =	rddreg [dreg:$0x1];
	p0 =	sne.s32 s2, $0x0  }
0x103: {  	s3 =	rddreg [dreg:$0x2];
	[bflag:$0x3] =	sbarrier.arrive $0xFFFF;
	s2 =	simm.s32 @!p0 $0x1C03  }
0x104: {  	[timem:s3], [sflag:s2] =	dma.local @!p0 [hbm:s0], s1  }
0x105: {  	s0 =	simm.s32 @!p0 $0x3  }
0x106: {  	_ =	swait.ge @!p0 [sflag:s0], s1  }
0x107: {  	s1 =	ssub.s32 @!p0 $0x0, s1;
	[sflag:s0] =	ssyncset.done @!p0 $0x0  }
0x108: {  	[sflag:s0] =	ssyncadd.s32 @!p0 s1  }
0x109: {  	[bflag:$0x3] =	sbarrier.arrive $0xFFFF  }
0x10a: {  	_ =	shalt  }

</sc_bundles>
